<compile_context>
chip_gen: v7x
topology: tpu7x:2x2x1
jax: 0.10.2.dev20260603
libtpu: 0.0.44.dev20260713+nightly
codegen_flags: <defaults>
</compile_context>

<pallas_src>
import functools
import math

import jax
import jax.numpy as jnp
from jax.experimental import pallas as pl
from jax.experimental.pallas import tpu as pltpu
from jax.experimental.pallas import tpu_sc as plsc

H = 1024
NH = 16
NKV = 4
HD = 64
E = 8
K = 2
I = 1024
EPS = 1e-06
THETA = 1000000.0
S = 2048

TS = 256
NT = S // TS
NB = 23
NBTS = NB * TS
TRASH = S * K
NW = 32
RPW = NBTS // NW
LN_THETA = math.log(THETA)


def _rot_mat(n):
    i = jax.lax.broadcasted_iota(jnp.int32, (n, n), 0)
    c = jax.lax.broadcasted_iota(jnp.int32, (n, n), 1)
    cm = jnp.remainder(c, HD)
    neg = jnp.logical_and(i == c + HD // 2, cm < HD // 2)
    pos = jnp.logical_and(i == c - HD // 2, cm >= HD // 2)
    return jnp.where(neg, -1.0, 0.0) + jnp.where(pos, 1.0, 0.0)


def _cos_sin(t, n):
    r = jax.lax.broadcasted_iota(jnp.int32, (TS, n), 0).astype(jnp.float32)
    c = jax.lax.broadcasted_iota(jnp.int32, (TS, n), 1)
    fi = jnp.remainder(c, HD // 2).astype(jnp.float32)
    invf = jnp.exp(fi * (-LN_THETA / (HD // 2)))
    ang = (r + t * TS) * invf
    return jnp.cos(ang), jnp.sin(ang)


def _rmsnorm(x, w):
    v = jnp.mean(x * x, axis=-1, keepdims=True)
    return x * jax.lax.rsqrt(v + EPS) * w


def _dotT(a, b):
    return jax.lax.dot_general(a, b, (((1,), (1,)), ((), ())),
                               preferred_element_type=jnp.float32)


def _pack_bf16(x):
    lo = jax.lax.bitcast_convert_type(
        x[:, :H // 2].astype(jnp.bfloat16), jnp.uint16).astype(jnp.int32)
    hi = jax.lax.bitcast_convert_type(
        x[:, H // 2:].astype(jnp.bfloat16), jnp.uint16).astype(jnp.int32)
    return lo | (hi << 16)


def _unpack_bf16(w):
    lo = jax.lax.bitcast_convert_type(
        (w & 0xFFFF).astype(jnp.uint16), jnp.bfloat16)
    hi = jax.lax.bitcast_convert_type(
        jax.lax.shift_right_logical(w, 16).astype(jnp.uint16), jnp.bfloat16)
    return jnp.concatenate([lo, hi], axis=1)


def _pre_kernel(x_ref, qw_ref, kw_ref, vw_ref, ln1_ref, q_ref, k_ref, v_ref):
    t = pl.program_id(0)
    xn = _rmsnorm(x_ref[...], ln1_ref[...])
    q = _dotT(xn, qw_ref[...])
    k = _dotT(xn, kw_ref[...])
    v = _dotT(xn, vw_ref[...])
    cos_q, sin_q = _cos_sin(t, NH * HD)
    rq = jnp.dot(q, _rot_mat(NH * HD), preferred_element_type=jnp.float32)
    q_ref[...] = q * cos_q + rq * sin_q
    cos_k, sin_k = _cos_sin(t, NKV * HD)
    rk = jnp.dot(k, _rot_mat(NKV * HD), preferred_element_type=jnp.float32)
    k_ref[...] = k * cos_k + rk * sin_k
    v_ref[...] = v


def _attn_post_kernel(q_ref, k_ref, v_ref, x_ref, ow_ref, ln2_ref, gw_ref,
                      h2_ref, x2_ref, x2p_ref, rw_ref, sel_ref):
    q = q_ref[...]
    k = k_ref[...]
    v = v_ref[...]
    heads = []
    for h in range(NH):
        qh = q[:, h * HD:(h + 1) * HD]
        kv = h // (NH // NKV)
        kh = k[:, kv * HD:(kv + 1) * HD]
        vh = v[:, kv * HD:(kv + 1) * HD]
        s = _dotT(qh, kh) * (1.0 / math.sqrt(HD))
        m = jnp.max(s, axis=-1, keepdims=True)
        p = jnp.exp(s - m)
        p = p / jnp.sum(p, axis=-1, keepdims=True)
        heads.append(jnp.dot(p, vh, preferred_element_type=jnp.float32))
    attn = jnp.concatenate(heads, axis=1)
    o = _dotT(attn, ow_ref[...])
    h2 = x_ref[...] + o
    h2_ref[...] = h2
    x2 = _rmsnorm(h2, ln2_ref[...])
    x2_ref[...] = x2
    x2p_ref[...] = _pack_bf16(x2)
    logits = _dotT(x2, gw_ref[...])
    lm = jnp.max(logits, axis=-1, keepdims=True)
    el = jnp.exp(logits - lm)
    probs = el / jnp.sum(el, axis=-1, keepdims=True)
    iota = jax.lax.broadcasted_iota(jnp.int32, (TS, E), 1)
    m1 = jnp.max(probs, axis=-1, keepdims=True)
    i1 = jnp.min(jnp.where(probs == m1, iota, E), axis=-1, keepdims=True)
    probs2 = jnp.where(iota == i1, -jnp.inf, probs)
    m2 = jnp.max(probs2, axis=-1, keepdims=True)
    i2 = jnp.min(jnp.where(probs2 == m2, iota, E), axis=-1, keepdims=True)
    rw_ref[...] = jnp.concatenate([m1, m2], axis=1)
    sel_ref[...] = jnp.concatenate([i1, i2], axis=1)


def _group_kernel(be_ref, bv_ref, xs_ref, eg_ref, eu_ref, ed_ref, ys_ref):
    del be_ref

    @pl.when(bv_ref[pl.program_id(0)] == 1)
    def _():
        x = _unpack_bf16(xs_ref[...])
        g = _dotT(x, eg_ref[0].astype(jnp.bfloat16))
        u = _dotT(x, eu_ref[0].astype(jnp.bfloat16))
        hdn = (g * jax.nn.sigmoid(g) * u).astype(jnp.bfloat16)
        ys_ref[...] = _pack_bf16(_dotT(hdn, ed_ref[0].astype(jnp.bfloat16)))


def _bf(x):
    return x.astype(jnp.bfloat16)


def _final_kernel(x2_ref, h2_ref, y0_ref, y1_ref, rw_ref,
                  sg_ref, su_ref, sd_ref, sgate_ref, out_ref):
    x2 = x2_ref[...]
    xb = _bf(x2)
    g = _dotT(xb, _bf(sg_ref[...]))
    u = _dotT(xb, _bf(su_ref[...]))
    shared = _dotT(_bf(g * jax.nn.sigmoid(g) * u), _bf(sd_ref[...]))
    gate = jax.nn.sigmoid(_dotT(x2, sgate_ref[...]))
    rw = rw_ref[...]
    y0 = _unpack_bf16(y0_ref[...]).astype(jnp.float32)
    y1 = _unpack_bf16(y1_ref[...]).astype(jnp.float32)
    moe = rw[:, 0:1] * y0 + rw[:, 1:2] * y1
    out_ref[...] = h2_ref[...] + moe + gate * shared


_CHUNKS = ((0, 64, 0), (64, 56, 1), (120, 64, 0))


def _sc_dispatch(x2_hbm, idx_hbm, out_hbm, idx0, idx1, rows0, rows1,
                 sem_g, sem_o):
    wid = jax.lax.axis_index("s") * 2 + jax.lax.axis_index("c")
    base = wid * RPW
    pltpu.sync_copy(idx_hbm.at[pl.ds(base, 64)], idx0)
    pltpu.sync_copy(idx_hbm.at[pl.ds(base + 64, 56)], idx1)
    g0 = pltpu.async_copy(x2_hbm.at[idx0], rows0, sem_g)
    g1 = pltpu.async_copy(x2_hbm.at[idx1], rows1, sem_g)
    g0.wait()
    o0 = pltpu.async_copy(rows0, out_hbm.at[pl.ds(base, 64)], sem_o)
    g1.wait()
    o1 = pltpu.async_copy(rows1, out_hbm.at[pl.ds(base + 64, 56)], sem_o)
    o0.wait()
    pltpu.sync_copy(idx_hbm.at[pl.ds(base + 120, 64)], idx0)
    g2 = pltpu.async_copy(x2_hbm.at[idx0], rows0, sem_g)
    g2.wait()
    o2 = pltpu.async_copy(rows0, out_hbm.at[pl.ds(base + 120, 64)], sem_o)
    o1.wait()
    o2.wait()


def _sc_scatter(ys_hbm, dest_hbm, out_hbm, idx0, idx1, rows0, rows1,
                sem_g, sem_o):
    wid = jax.lax.axis_index("s") * 2 + jax.lax.axis_index("c")
    base = wid * RPW
    pltpu.sync_copy(dest_hbm.at[pl.ds(base, 64)], idx0)
    pltpu.sync_copy(dest_hbm.at[pl.ds(base + 64, 56)], idx1)
    r0 = pltpu.async_copy(ys_hbm.at[pl.ds(base, 64)], rows0, sem_g)
    r1 = pltpu.async_copy(ys_hbm.at[pl.ds(base + 64, 56)], rows1, sem_g)
    r0.wait()
    s0 = pltpu.async_copy(rows0, out_hbm.at[idx0], sem_o)
    r1.wait()
    s1 = pltpu.async_copy(rows1, out_hbm.at[idx1], sem_o)
    s0.wait()
    pltpu.sync_copy(dest_hbm.at[pl.ds(base + 120, 64)], idx0)
    r2 = pltpu.async_copy(ys_hbm.at[pl.ds(base + 120, 64)], rows0, sem_g)
    r2.wait()
    s2 = pltpu.async_copy(rows0, out_hbm.at[idx0], sem_o)
    s1.wait()
    s2.wait()


def kernel(hidden_states, position_ids, q_w, k_w, v_w, o_w, ln1_w, ln2_w,
           gate_w, eg_w, eu_w, ed_w, sg_w, su_w, sd_w, sgate_w):
    x = hidden_states.reshape(S, H)

    q, k, v = pl.pallas_call(
        _pre_kernel,
        grid=(NT,),
        in_specs=[
            pl.BlockSpec((TS, H), lambda t: (t, 0)),
            pl.BlockSpec((NH * HD, H), lambda t: (0, 0)),
            pl.BlockSpec((NKV * HD, H), lambda t: (0, 0)),
            pl.BlockSpec((NKV * HD, H), lambda t: (0, 0)),
            pl.BlockSpec((H,), lambda t: (0,)),
        ],
        out_specs=[
            pl.BlockSpec((TS, NH * HD), lambda t: (t, 0)),
            pl.BlockSpec((TS, NKV * HD), lambda t: (t, 0)),
            pl.BlockSpec((TS, NKV * HD), lambda t: (t, 0)),
        ],
        out_shape=[
            jax.ShapeDtypeStruct((S, NH * HD), jnp.float32),
            jax.ShapeDtypeStruct((S, NKV * HD), jnp.float32),
            jax.ShapeDtypeStruct((S, NKV * HD), jnp.float32),
        ],
    )(x, q_w, k_w, v_w, ln1_w)

    h2, x2, x2p, rw, sel = pl.pallas_call(
        _attn_post_kernel,
        grid=(NT,),
        in_specs=[
            pl.BlockSpec((TS, NH * HD), lambda t: (t, 0)),
            pl.BlockSpec((S, NKV * HD), lambda t: (0, 0)),
            pl.BlockSpec((S, NKV * HD), lambda t: (0, 0)),
            pl.BlockSpec((TS, H), lambda t: (t, 0)),
            pl.BlockSpec((H, NH * HD), lambda t: (0, 0)),
            pl.BlockSpec((H,), lambda t: (0,)),
            pl.BlockSpec((E, H), lambda t: (0, 0)),
        ],
        out_specs=[
            pl.BlockSpec((TS, H), lambda t: (t, 0)),
            pl.BlockSpec((TS, H), lambda t: (t, 0)),
            pl.BlockSpec((TS, H // 2), lambda t: (t, 0)),
            pl.BlockSpec((TS, K), lambda t: (t, 0)),
            pl.BlockSpec((TS, K), lambda t: (t, 0)),
        ],
        out_shape=[
            jax.ShapeDtypeStruct((S, H), jnp.float32),
            jax.ShapeDtypeStruct((S, H), jnp.float32),
            jax.ShapeDtypeStruct((S, H // 2), jnp.int32),
            jax.ShapeDtypeStruct((S, K), jnp.float32),
            jax.ShapeDtypeStruct((S, K), jnp.int32),
        ],
    )(q, k, v, x, o_w, ln2_w, gate_w)

    esel = sel.reshape(S * K)
    order = jnp.argsort(esel, stable=True)
    esorted = esel[order]
    counts = jnp.sum(esel[None, :] == jnp.arange(E, dtype=jnp.int32)[:, None],
                     axis=1)
    blocks_e = (counts + TS - 1) // TS
    cumblocks = jnp.cumsum(blocks_e)
    block_start = cumblocks - blocks_e
    block_expert = jnp.minimum(
        jnp.searchsorted(cumblocks, jnp.arange(NB), side="right"),
        E - 1).astype(jnp.int32)
    pad_start = (block_start * TS).astype(jnp.int32)
    first_idx = (jnp.cumsum(counts) - counts).astype(jnp.int32)
    p = jnp.arange(NBTS, dtype=jnp.int32)
    pe = jnp.repeat(block_expert, TS)
    rel = p - pad_start[pe]
    valid = rel < counts[pe]
    a = order[first_idx[pe] + jnp.where(valid, rel, 0)].astype(jnp.int32)
    src_token = jnp.where(valid, a // K, 0)
    dest = jnp.where(valid, (a % K) * S + a // K, TRASH)

    mesh = plsc.VectorSubcoreMesh(core_axis_name="c", subcore_axis_name="s")
    sc_scratch = [
        pltpu.VMEM((64,), jnp.int32),
        pltpu.VMEM((56,), jnp.int32),
        pltpu.VMEM((64, H // 2), jnp.int32),
        pltpu.VMEM((56, H // 2), jnp.int32),
        pltpu.SemaphoreType.DMA,
        pltpu.SemaphoreType.DMA,
    ]

    xs = pl.kernel(
        _sc_dispatch, mesh=mesh,
        out_type=jax.ShapeDtypeStruct((NBTS, H // 2), jnp.int32),
        scratch_types=sc_scratch,
    )(x2p, src_token)

    block_valid = (jnp.arange(NB) < cumblocks[E - 1]).astype(jnp.int32)
    grid_spec = pltpu.PrefetchScalarGridSpec(
        num_scalar_prefetch=2,
        grid=(NB,),
        in_specs=[
            pl.BlockSpec((TS, H // 2), lambda b, be, bv: (b, 0)),
            pl.BlockSpec((1, I, H), lambda b, be, bv: (be[b], 0, 0)),
            pl.BlockSpec((1, I, H), lambda b, be, bv: (be[b], 0, 0)),
            pl.BlockSpec((1, H, I), lambda b, be, bv: (be[b], 0, 0)),
        ],
        out_specs=pl.BlockSpec((TS, H // 2), lambda b, be, bv: (b, 0)),
    )
    ys = pl.pallas_call(
        _group_kernel,
        grid_spec=grid_spec,
        out_shape=jax.ShapeDtypeStruct((NBTS, H // 2), jnp.int32),
    )(block_expert, block_valid, xs, eg_w, eu_w, ed_w)

    ysu = pl.kernel(
        _sc_scatter, mesh=mesh,
        out_type=jax.ShapeDtypeStruct((S * K + 8, H // 2), jnp.int32),
        scratch_types=sc_scratch,
    )(ys, dest)

    out = pl.pallas_call(
        _final_kernel,
        grid=(NT,),
        in_specs=[
            pl.BlockSpec((TS, H), lambda t: (t, 0)),
            pl.BlockSpec((TS, H), lambda t: (t, 0)),
            pl.BlockSpec((TS, H // 2), lambda t: (t, 0)),
            pl.BlockSpec((TS, H // 2), lambda t: (t + NT, 0)),
            pl.BlockSpec((TS, K), lambda t: (t, 0)),
            pl.BlockSpec((I, H), lambda t: (0, 0)),
            pl.BlockSpec((I, H), lambda t: (0, 0)),
            pl.BlockSpec((H, I), lambda t: (0, 0)),
            pl.BlockSpec((1, H), lambda t: (0, 0)),
        ],
        out_specs=pl.BlockSpec((TS, H), lambda t: (t, 0)),
        out_shape=jax.ShapeDtypeStruct((S, H), jnp.float32),
    )(x2, h2, ysu, ysu, rw, sg_w, su_w, sd_w, sgate_w)

    return out.reshape(1, S, H)

# --- scband reference (transcript-rebuilt; emitter-appended) ---
"""Pipeline reference for scband-qwen3-decoder-layer-34806414967306 (READ-ONLY COPY).

The authoritative reference and input builder live on the scoring server;
editing this copy changes nothing except your own understanding.
"""

import jax, jax.numpy as jnp
import numpy as np

H = 1024; NH = 16; NKV = 4; HD = 64; E = 8; K = 2; I = 1024
EPS = 1e-06; THETA = 1000000.0; B = 1; S = 2048

def setup_inputs(seed: int = 0) -> dict:
    key = jax.random.key(seed)
    ks = jax.random.split(key, 16)
    s = 0.02
    inp = {}
    inp['hidden_states'] = jax.random.normal(ks[0], (B, S, H), jnp.float32)
    inp['position_ids'] = jnp.arange(S, dtype=jnp.int32).reshape(1, S)
    inp['q_w'] = jax.random.normal(ks[1], (NH * HD, H), jnp.float32) * s
    inp['k_w'] = jax.random.normal(ks[2], (NKV * HD, H), jnp.float32) * s
    inp['v_w'] = jax.random.normal(ks[3], (NKV * HD, H), jnp.float32) * s
    inp['o_w'] = jax.random.normal(ks[4], (H, NH * HD), jnp.float32) * s
    inp['ln1_w'] = jnp.ones((H,), jnp.float32)
    inp['ln2_w'] = jnp.ones((H,), jnp.float32)
    inp['gate_w'] = jax.random.normal(ks[5], (E, H), jnp.float32) * s
    inp['eg_w'] = jax.random.normal(ks[6], (E, I, H), jnp.float32) * s
    inp['eu_w'] = jax.random.normal(ks[7], (E, I, H), jnp.float32) * s
    inp['ed_w'] = jax.random.normal(ks[8], (E, H, I), jnp.float32) * s
    inp['sg_w'] = jax.random.normal(ks[9], (I, H), jnp.float32) * s
    inp['su_w'] = jax.random.normal(ks[10], (I, H), jnp.float32) * s
    inp['sd_w'] = jax.random.normal(ks[11], (H, I), jnp.float32) * s
    inp['sgate_w'] = jax.random.normal(ks[12], (1, H), jnp.float32) * s
    return inp

def _rmsnorm(x, w):
    v = jnp.mean(x * x, axis=-1, keepdims=True)
    return x * jax.lax.rsqrt(v + EPS) * w

def _rotate_half(t):
    return jnp.concatenate([-t[..., HD // 2:], t[..., :HD // 2]], axis=-1)

def _attention(x, position_ids, q_w, k_w, v_w, o_w):
    b, s, _ = x.shape
    q = (x @ q_w.T).reshape(b, s, NH, HD).transpose(0, 2, 1, 3)
    k = (x @ k_w.T).reshape(b, s, NKV, HD).transpose(0, 2, 1, 3)
    v = (x @ v_w.T).reshape(b, s, NKV, HD).transpose(0, 2, 1, 3)
    inv_freq = 1.0 / (THETA ** (jnp.arange(0, HD, 2, dtype=jnp.float32) / HD))
    freqs = position_ids[:, :, None].astype(jnp.float32) * inv_freq[None, None, :]
    emb = jnp.concatenate([freqs, freqs], axis=-1)
    cos = jnp.cos(emb)[:, None, :, :]
    sin = jnp.sin(emb)[:, None, :, :]
    q = q * cos + _rotate_half(q) * sin
    k = k * cos + _rotate_half(k) * sin
    k = jnp.repeat(k, NH // NKV, axis=1)
    v = jnp.repeat(v, NH // NKV, axis=1)
    aw = jnp.einsum('bhqd,bhkd->bhqk', q, k) / np.sqrt(HD)
    aw = jax.nn.softmax(aw.astype(jnp.float32), axis=-1)
    out = jnp.einsum('bhqk,bhkd->bhqd', aw, v)
    out = out.transpose(0, 2, 1, 3).reshape(b, s, NH * HD)
    return out @ o_w.T

def _moe(x, gate_w, eg_w, eu_w, ed_w, sg_w, su_w, sd_w, sgate_w):
    b, s, h = x.shape
    xf = x.reshape(-1, h)
    router_logits = xf @ gate_w.T
    probs = jax.nn.softmax(router_logits.astype(jnp.float32), axis=-1)
    rw, sel = jax.lax.top_k(probs, K)
    rw = rw.astype(x.dtype)
    cw = (rw[..., None] * jax.nn.one_hot(sel, E, dtype=x.dtype)).sum(axis=1)
    g = jnp.einsum('th,eih->eti', xf, eg_w)
    u = jnp.einsum('th,eih->eti', xf, eu_w)
    hdn = jax.nn.silu(g) * u
    oute = jnp.einsum('eti,ehi->eth', hdn, ed_w)
    out = jnp.einsum('eth,te->th', oute, cw)
    shared = (jax.nn.silu(xf @ sg_w.T) * (xf @ su_w.T)) @ sd_w.T
    out = out + jax.nn.sigmoid(xf @ sgate_w.T) * shared
    return out.reshape(b, s, h), router_logits

def reference(hidden_states, position_ids, q_w, k_w, v_w, o_w, ln1_w, ln2_w, gate_w, eg_w, eu_w, ed_w, sg_w, su_w, sd_w, sgate_w):
    residual = hidden_states
    h = _rmsnorm(hidden_states, ln1_w)
    h = _attention(h, position_ids, q_w, k_w, v_w, o_w)
    h = residual + h
    residual = h
    h = _rmsnorm(h, ln2_w)
    moe_out, _router_logits = _moe(h, gate_w, eg_w, eu_w, ed_w, sg_w, su_w, sd_w, sgate_w)
    return residual + moe_out

if __name__ == "__main__":
    import jax
    _d = setup_inputs()
    print(jax.jit(kernel)(*tuple(_d.values())))

</pallas_src>

<mosaic_0001>
#map = affine_map<(d0, d1) -> (0, 0)>
#map1 = affine_map<(d0, d1) -> (0)>
module attributes {stable_mosaic.version = 14 : i64} {
  func.func @_sc_dispatch(%arg0: i32, %arg1: i32, %arg2: memref<2048x512xi32, #tpu.memory_space<hbm>>, %arg3: memref<5888xi32, #tpu.memory_space<hbm>>, %arg4: memref<5888x512xi32, #tpu.memory_space<hbm>>, %arg5: memref<64xi32, #tpu.memory_space<vmem>>, %arg6: memref<56xi32, #tpu.memory_space<vmem>>, %arg7: memref<64x512xi32, #tpu.memory_space<vmem>>, %arg8: memref<56x512xi32, #tpu.memory_space<vmem>>, %arg9: memref<!tpu.dma_semaphore, #tpu.memory_space<semaphore_mem>>, %arg10: memref<!tpu.dma_semaphore, #tpu.memory_space<semaphore_mem>>) attributes {dimension_semantics = [#tpu.dimension_semantics<core_parallel>, #tpu.dimension_semantics<subcore_parallel>], iteration_bounds = array<i64: 2, 16>, scalar_prefetch = 0 : i64, scratch_operands = 6 : i64, tpu.core_type = #tpu.core_type<sc_vector_subcore>, window_params = [{transform_indices = #map}, {transform_indices = #map1}, {transform_indices = #map}]} {
    %mul3A = arith.constant 2 : i32
    %mul3A_0 = arith.muli %arg1, %mul3A : i32
    %add3A = arith.addi %mul3A_0, %arg0 : i32
    %mul3A_1 = arith.constant 184 : i32
    %mul3A_2 = arith.muli %add3A, %mul3A_1 : i32
    "tpu.region"() ({
      %run_scoped3A = tpu.sem_alloc : memref<!tpu.dma_semaphore, #tpu.memory_space<semaphore_mem>>
      %dma_start3A_51 = tpu.memref_slice %arg3[%mul3A_2] : memref<5888xi32, #tpu.memory_space<hbm>> -> memref<64xi32, #tpu.memory_space<hbm>>
      %dma_start3A_52 = tpu.memref_slice %arg3[%mul3A_2] : memref<5888xi32, #tpu.memory_space<hbm>> -> memref<64xi32, #tpu.memory_space<hbm>>
      tpu.enqueue_dma source(%dma_start3A_52 : memref<64xi32, #tpu.memory_space<hbm>>) target(%arg5 : memref<64xi32, #tpu.memory_space<vmem>>) target_semaphore(%run_scoped3A : memref<!tpu.dma_semaphore, #tpu.memory_space<semaphore_mem>>)
      %dma_wait3A_53 = tpu.memref_slice %arg3[%mul3A_2] : memref<5888xi32, #tpu.memory_space<hbm>> -> memref<64xi32, #tpu.memory_space<hbm>>
      %dma_wait3A_54 = tpu.memref_slice %arg3[%mul3A_2] : memref<5888xi32, #tpu.memory_space<hbm>> -> memref<64xi32, #tpu.memory_space<hbm>>
      tpu.wait_dma2 semaphore(%run_scoped3A : memref<!tpu.dma_semaphore, #tpu.memory_space<semaphore_mem>>) src(%dma_wait3A_54 : memref<64xi32, #tpu.memory_space<hbm>>) dst(%arg5 : memref<64xi32, #tpu.memory_space<vmem>>)
      tpu.yield
    }) : () -> ()
    %add3A_3 = arith.constant 64 : i32
    %add3A_4 = arith.addi %mul3A_2, %add3A_3 : i32
    "tpu.region"() ({
      %run_scoped3A = tpu.sem_alloc : memref<!tpu.dma_semaphore, #tpu.memory_space<semaphore_mem>>
      %dma_start3A_51 = tpu.memref_slice %arg3[%add3A_4] : memref<5888xi32, #tpu.memory_space<hbm>> -> memref<56xi32, #tpu.memory_space<hbm>>
      %dma_start3A_52 = tpu.memref_slice %arg3[%add3A_4] : memref<5888xi32, #tpu.memory_space<hbm>> -> memref<56xi32, #tpu.memory_space<hbm>>
      tpu.enqueue_dma source(%dma_start3A_52 : memref<56xi32, #tpu.memory_space<hbm>>) target(%arg6 : memref<56xi32, #tpu.memory_space<vmem>>) target_semaphore(%run_scoped3A : memref<!tpu.dma_semaphore, #tpu.memory_space<semaphore_mem>>)
      %dma_wait3A_53 = tpu.memref_slice %arg3[%add3A_4] : memref<5888xi32, #tpu.memory_space<hbm>> -> memref<56xi32, #tpu.memory_space<hbm>>
      %dma_wait3A_54 = tpu.memref_slice %arg3[%add3A_4] : memref<5888xi32, #tpu.memory_space<hbm>> -> memref<56xi32, #tpu.memory_space<hbm>>
      tpu.wait_dma2 semaphore(%run_scoped3A : memref<!tpu.dma_semaphore, #tpu.memory_space<semaphore_mem>>) src(%dma_wait3A_54 : memref<56xi32, #tpu.memory_space<hbm>>) dst(%arg6 : memref<56xi32, #tpu.memory_space<vmem>>)
      tpu.yield
    }) : () -> ()
    %dma_start3A = arith.constant 0 : i32
    %dma_start3A_5 = arith.constant 0 : i32
    %dma_start3A_6 = tpu.memref_slice %arg2[%dma_start3A, %dma_start3A_5] : memref<2048x512xi32, #tpu.memory_space<hbm>> -> memref<2048x512xi32, #tpu.memory_space<hbm>>
    tpu.enqueue_indirect_dma source(%dma_start3A_6 : memref<2048x512xi32, #tpu.memory_space<hbm>>) target(%arg7 : memref<64x512xi32, #tpu.memory_space<vmem>>) offsets(%arg5 : memref<64xi32, #tpu.memory_space<vmem>>) semaphore(%arg9 : memref<!tpu.dma_semaphore, #tpu.memory_space<semaphore_mem>>)
    %dma_start3A_7 = arith.constant 0 : i32
    %dma_start3A_8 = arith.constant 0 : i32
    %dma_start3A_9 = tpu.memref_slice %arg2[%dma_start3A_7, %dma_start3A_8] : memref<2048x512xi32, #tpu.memory_space<hbm>> -> memref<2048x512xi32, #tpu.memory_space<hbm>>
    tpu.enqueue_indirect_dma source(%dma_start3A_9 : memref<2048x512xi32, #tpu.memory_space<hbm>>) target(%arg8 : memref<56x512xi32, #tpu.memory_space<vmem>>) offsets(%arg6 : memref<56xi32, #tpu.memory_space<vmem>>) semaphore(%arg9 : memref<!tpu.dma_semaphore, #tpu.memory_space<semaphore_mem>>)
    %dma_wait3A = arith.constant 0 : i32
    %dma_wait3A_10 = arith.constant 0 : i32
    %dma_wait3A_11 = tpu.memref_slice %arg2[%dma_wait3A, %dma_wait3A_10] : memref<2048x512xi32, #tpu.memory_space<hbm>> -> memref<2048x512xi32, #tpu.memory_space<hbm>>
    tpu.wait_indirect_dma semaphore(%arg9 : memref<!tpu.dma_semaphore, #tpu.memory_space<semaphore_mem>>) src(%dma_wait3A_11 : memref<2048x512xi32, #tpu.memory_space<hbm>>) dst(%arg7 : memref<64x512xi32, #tpu.memory_space<vmem>>)
    %dma_start3A_12 = arith.constant 0 : i32
    %dma_start3A_13 = tpu.memref_slice %arg4[%mul3A_2, %dma_start3A_12] : memref<5888x512xi32, #tpu.memory_space<hbm>> -> memref<64x512xi32, #tpu.memory_space<hbm>>
    %dma_start3A_14 = arith.constant 0 : i32
    %dma_start3A_15 = tpu.memref_slice %arg4[%mul3A_2, %dma_start3A_14] : memref<5888x512xi32, #tpu.memory_space<hbm>> -> memref<64x512xi32, #tpu.memory_space<hbm>>
    tpu.enqueue_dma source(%arg7 : memref<64x512xi32, #tpu.memory_space<vmem>>) target(%dma_start3A_15 : memref<64x512xi32, #tpu.memory_space<hbm>>) target_semaphore(%arg10 : memref<!tpu.dma_semaphore, #tpu.memory_space<semaphore_mem>>)
    %dma_wait3A_16 = arith.constant 0 : i32
    %dma_wait3A_17 = arith.constant 0 : i32
    %dma_wait3A_18 = tpu.memref_slice %arg2[%dma_wait3A_16, %dma_wait3A_17] : memref<2048x512xi32, #tpu.memory_space<hbm>> -> memref<2048x512xi32, #tpu.memory_space<hbm>>
    tpu.wait_indirect_dma semaphore(%arg9 : memref<!tpu.dma_semaphore, #tpu.memory_space<semaphore_mem>>) src(%dma_wait3A_18 : memref<2048x512xi32, #tpu.memory_space<hbm>>) dst(%arg8 : memref<56x512xi32, #tpu.memory_space<vmem>>)
    %add3A_19 = arith.constant 64 : i32
    %add3A_20 = arith.addi %mul3A_2, %add3A_19 : i32
    %dma_start3A_21 = arith.constant 0 : i32
    %dma_start3A_22 = tpu.memref_slice %arg4[%add3A_20, %dma_start3A_21] : memref<5888x512xi32, #tpu.memory_space<hbm>> -> memref<56x512xi32, #tpu.memory_space<hbm>>
    %dma_start3A_23 = arith.constant 0 : i32
    %dma_start3A_24 = tpu.memref_slice %arg4[%add3A_20, %dma_start3A_23] : memref<5888x512xi32, #tpu.memory_space<hbm>> -> memref<56x512xi32, #tpu.memory_space<hbm>>
    tpu.enqueue_dma source(%arg8 : memref<56x512xi32, #tpu.memory_space<vmem>>) target(%dma_start3A_24 : memref<56x512xi32, #tpu.memory_space<hbm>>) target_semaphore(%arg10 : memref<!tpu.dma_semaphore, #tpu.memory_space<semaphore_mem>>)
    %dma_wait3A_25 = arith.constant 0 : i32
    %dma_wait3A_26 = tpu.memref_slice %arg4[%mul3A_2, %dma_wait3A_25] : memref<5888x512xi32, #tpu.memory_space<hbm>> -> memref<64x512xi32, #tpu.memory_space<hbm>>
    %dma_wait3A_27 = arith.constant 0 : i32
    %dma_wait3A_28 = tpu.memref_slice %arg4[%mul3A_2, %dma_wait3A_27] : memref<5888x512xi32, #tpu.memory_space<hbm>> -> memref<64x512xi32, #tpu.memory_space<hbm>>
    tpu.wait_dma2 semaphore(%arg10 : memref<!tpu.dma_semaphore, #tpu.memory_space<semaphore_mem>>) src(%arg7 : memref<64x512xi32, #tpu.memory_space<vmem>>) dst(%dma_wait3A_28 : memref<64x512xi32, #tpu.memory_space<hbm>>)
    %add3A_29 = arith.constant 120 : i32
    %add3A_30 = arith.addi %mul3A_2, %add3A_29 : i32
    "tpu.region"() ({
      %run_scoped3A = tpu.sem_alloc : memref<!tpu.dma_semaphore, #tpu.memory_space<semaphore_mem>>
      %dma_start3A_51 = tpu.memref_slice %arg3[%add3A_30] : memref<5888xi32, #tpu.memory_space<hbm>> -> memref<64xi32, #tpu.memory_space<hbm>>
      %dma_start3A_52 = tpu.memref_slice %arg3[%add3A_30] : memref<5888xi32, #tpu.memory_space<hbm>> -> memref<64xi32, #tpu.memory_space<hbm>>
      tpu.enqueue_dma source(%dma_start3A_52 : memref<64xi32, #tpu.memory_space<hbm>>) target(%arg5 : memref<64xi32, #tpu.memory_space<vmem>>) target_semaphore(%run_scoped3A : memref<!tpu.dma_semaphore, #tpu.memory_space<semaphore_mem>>)
      %dma_wait3A_53 = tpu.memref_slice %arg3[%add3A_30] : memref<5888xi32, #tpu.memory_space<hbm>> -> memref<64xi32, #tpu.memory_space<hbm>>
      %dma_wait3A_54 = tpu.memref_slice %arg3[%add3A_30] : memref<5888xi32, #tpu.memory_space<hbm>> -> memref<64xi32, #tpu.memory_space<hbm>>
      tpu.wait_dma2 semaphore(%run_scoped3A : memref<!tpu.dma_semaphore, #tpu.memory_space<semaphore_mem>>) src(%dma_wait3A_54 : memref<64xi32, #tpu.memory_space<hbm>>) dst(%arg5 : memref<64xi32, #tpu.memory_space<vmem>>)
      tpu.yield
    }) : () -> ()
    %dma_start3A_31 = arith.constant 0 : i32
    %dma_start3A_32 = arith.constant 0 : i32
    %dma_start3A_33 = tpu.memref_slice %arg2[%dma_start3A_31, %dma_start3A_32] : memref<2048x512xi32, #tpu.memory_space<hbm>> -> memref<2048x512xi32, #tpu.memory_space<hbm>>
    tpu.enqueue_indirect_dma source(%dma_start3A_33 : memref<2048x512xi32, #tpu.memory_space<hbm>>) target(%arg7 : memref<64x512xi32, #tpu.memory_space<vmem>>) offsets(%arg5 : memref<64xi32, #tpu.memory_space<vmem>>) semaphore(%arg9 : memref<!tpu.dma_semaphore, #tpu.memory_space<semaphore_mem>>)
    %dma_wait3A_34 = arith.constant 0 : i32
    %dma_wait3A_35 = arith.constant 0 : i32
    %dma_wait3A_36 = tpu.memref_slice %arg2[%dma_wait3A_34, %dma_wait3A_35] : memref<2048x512xi32, #tpu.memory_space<hbm>> -> memref<2048x512xi32, #tpu.memory_space<hbm>>
    tpu.wait_indirect_dma semaphore(%arg9 : memref<!tpu.dma_semaphore, #tpu.memory_space<semaphore_mem>>) src(%dma_wait3A_36 : memref<2048x512xi32, #tpu.memory_space<hbm>>) dst(%arg7 : memref<64x512xi32, #tpu.memory_space<vmem>>)
    %add3A_37 = arith.constant 120 : i32
    %add3A_38 = arith.addi %mul3A_2, %add3A_37 : i32
    %dma_start3A_39 = arith.constant 0 : i32
    %dma_start3A_40 = tpu.memref_slice %arg4[%add3A_38, %dma_start3A_39] : memref<5888x512xi32, #tpu.memory_space<hbm>> -> memref<64x512xi32, #tpu.memory_space<hbm>>
    %dma_start3A_41 = arith.constant 0 : i32
    %dma_start3A_42 = tpu.memref_slice %arg4[%add3A_38, %dma_start3A_41] : memref<5888x512xi32, #tpu.memory_space<hbm>> -> memref<64x512xi32, #tpu.memory_space<hbm>>
    tpu.enqueue_dma source(%arg7 : memref<64x512xi32, #tpu.memory_space<vmem>>) target(%dma_start3A_42 : memref<64x512xi32, #tpu.memory_space<hbm>>) target_semaphore(%arg10 : memref<!tpu.dma_semaphore, #tpu.memory_space<semaphore_mem>>)
    %dma_wait3A_43 = arith.constant 0 : i32
    %dma_wait3A_44 = tpu.memref_slice %arg4[%add3A_20, %dma_wait3A_43] : memref<5888x512xi32, #tpu.memory_space<hbm>> -> memref<56x512xi32, #tpu.memory_space<hbm>>
    %dma_wait3A_45 = arith.constant 0 : i32
    %dma_wait3A_46 = tpu.memref_slice %arg4[%add3A_20, %dma_wait3A_45] : memref<5888x512xi32, #tpu.memory_space<hbm>> -> memref<56x512xi32, #tpu.memory_space<hbm>>
    tpu.wait_dma2 semaphore(%arg10 : memref<!tpu.dma_semaphore, #tpu.memory_space<semaphore_mem>>) src(%arg8 : memref<56x512xi32, #tpu.memory_space<vmem>>) dst(%dma_wait3A_46 : memref<56x512xi32, #tpu.memory_space<hbm>>)
    %dma_wait3A_47 = arith.constant 0 : i32
    %dma_wait3A_48 = tpu.memref_slice %arg4[%add3A_38, %dma_wait3A_47] : memref<5888x512xi32, #tpu.memory_space<hbm>> -> memref<64x512xi32, #tpu.memory_space<hbm>>
    %dma_wait3A_49 = arith.constant 0 : i32
    %dma_wait3A_50 = tpu.memref_slice %arg4[%add3A_38, %dma_wait3A_49] : memref<5888x512xi32, #tpu.memory_space<hbm>> -> memref<64x512xi32, #tpu.memory_space<hbm>>
    tpu.wait_dma2 semaphore(%arg10 : memref<!tpu.dma_semaphore, #tpu.memory_space<semaphore_mem>>) src(%arg7 : memref<64x512xi32, #tpu.memory_space<vmem>>) dst(%dma_wait3A_50 : memref<64x512xi32, #tpu.memory_space<hbm>>)
    return
  }
}

#map = affine_map<(d0, d1) -> (0, 0)>
#map1 = affine_map<(d0, d1) -> (0)>
module attributes {stable_mosaic.version = 14 : i64} {
  func.func @_sc_scatter(%arg0: i32, %arg1: i32, %arg2: memref<5888x512xi32, #tpu.memory_space<hbm>>, %arg3: memref<5888xi32, #tpu.memory_space<hbm>>, %arg4: memref<4104x512xi32, #tpu.memory_space<hbm>>, %arg5: memref<64xi32, #tpu.memory_space<vmem>>, %arg6: memref<56xi32, #tpu.memory_space<vmem>>, %arg7: memref<64x512xi32, #tpu.memory_space<vmem>>, %arg8: memref<56x512xi32, #tpu.memory_space<vmem>>, %arg9: memref<!tpu.dma_semaphore, #tpu.memory_space<semaphore_mem>>, %arg10: memref<!tpu.dma_semaphore, #tpu.memory_space<semaphore_mem>>) attributes {dimension_semantics = [#tpu.dimension_semantics<core_parallel>, #tpu.dimension_semantics<subcore_parallel>], iteration_bounds = array<i64: 2, 16>, scalar_prefetch = 0 : i64, scratch_operands = 6 : i64, tpu.core_type = #tpu.core_type<sc_vector_subcore>, window_params = [{transform_indices = #map}, {transform_indices = #map1}, {transform_indices = #map}]} {
    %mul3A = arith.constant 2 : i32
    %mul3A_0 = arith.muli %arg1, %mul3A : i32
    %add3A = arith.addi %mul3A_0, %arg0 : i32
    %mul3A_1 = arith.constant 184 : i32
    %mul3A_2 = arith.muli %add3A, %mul3A_1 : i32
    "tpu.region"() ({
      %run_scoped3A = tpu.sem_alloc : memref<!tpu.dma_semaphore, #tpu.memory_space<semaphore_mem>>
      %dma_start3A_51 = tpu.memref_slice %arg3[%mul3A_2] : memref<5888xi32, #tpu.memory_space<hbm>> -> memref<64xi32, #tpu.memory_space<hbm>>
      %dma_start3A_52 = tpu.memref_slice %arg3[%mul3A_2] : memref<5888xi32, #tpu.memory_space<hbm>> -> memref<64xi32, #tpu.memory_space<hbm>>
      tpu.enqueue_dma source(%dma_start3A_52 : memref<64xi32, #tpu.memory_space<hbm>>) target(%arg5 : memref<64xi32, #tpu.memory_space<vmem>>) target_semaphore(%run_scoped3A : memref<!tpu.dma_semaphore, #tpu.memory_space<semaphore_mem>>)
      %dma_wait3A_53 = tpu.memref_slice %arg3[%mul3A_2] : memref<5888xi32, #tpu.memory_space<hbm>> -> memref<64xi32, #tpu.memory_space<hbm>>
      %dma_wait3A_54 = tpu.memref_slice %arg3[%mul3A_2] : memref<5888xi32, #tpu.memory_space<hbm>> -> memref<64xi32, #tpu.memory_space<hbm>>
      tpu.wait_dma2 semaphore(%run_scoped3A : memref<!tpu.dma_semaphore, #tpu.memory_space<semaphore_mem>>) src(%dma_wait3A_54 : memref<64xi32, #tpu.memory_space<hbm>>) dst(%arg5 : memref<64xi32, #tpu.memory_space<vmem>>)
      tpu.yield
    }) : () -> ()
    %add3A_3 = arith.constant 64 : i32
    %add3A_4 = arith.addi %mul3A_2, %add3A_3 : i32
    "tpu.region"() ({
      %run_scoped3A = tpu.sem_alloc : memref<!tpu.dma_semaphore, #tpu.memory_space<semaphore_mem>>
      %dma_start3A_51 = tpu.memref_slice %arg3[%add3A_4] : memref<5888xi32, #tpu.memory_space<hbm>> -> memref<56xi32, #tpu.memory_space<hbm>>
      %dma_start3A_52 = tpu.memref_slice %arg3[%add3A_4] : memref<5888xi32, #tpu.memory_space<hbm>> -> memref<56xi32, #tpu.memory_space<hbm>>
      tpu.enqueue_dma source(%dma_start3A_52 : memref<56xi32, #tpu.memory_space<hbm>>) target(%arg6 : memref<56xi32, #tpu.memory_space<vmem>>) target_semaphore(%run_scoped3A : memref<!tpu.dma_semaphore, #tpu.memory_space<semaphore_mem>>)
      %dma_wait3A_53 = tpu.memref_slice %arg3[%add3A_4] : memref<5888xi32, #tpu.memory_space<hbm>> -> memref<56xi32, #tpu.memory_space<hbm>>
      %dma_wait3A_54 = tpu.memref_slice %arg3[%add3A_4] : memref<5888xi32, #tpu.memory_space<hbm>> -> memref<56xi32, #tpu.memory_space<hbm>>
      tpu.wait_dma2 semaphore(%run_scoped3A : memref<!tpu.dma_semaphore, #tpu.memory_space<semaphore_mem>>) src(%dma_wait3A_54 : memref<56xi32, #tpu.memory_space<hbm>>) dst(%arg6 : memref<56xi32, #tpu.memory_space<vmem>>)
      tpu.yield
    }) : () -> ()
    %dma_start3A = arith.constant 0 : i32
    %dma_start3A_5 = tpu.memref_slice %arg2[%mul3A_2, %dma_start3A] : memref<5888x512xi32, #tpu.memory_space<hbm>> -> memref<64x512xi32, #tpu.memory_space<hbm>>
    %dma_start3A_6 = arith.constant 0 : i32
    %dma_start3A_7 = tpu.memref_slice %arg2[%mul3A_2, %dma_start3A_6] : memref<5888x512xi32, #tpu.memory_space<hbm>> -> memref<64x512xi32, #tpu.memory_space<hbm>>
    tpu.enqueue_dma source(%dma_start3A_7 : memref<64x512xi32, #tpu.memory_space<hbm>>) target(%arg7 : memref<64x512xi32, #tpu.memory_space<vmem>>) target_semaphore(%arg9 : memref<!tpu.dma_semaphore, #tpu.memory_space<semaphore_mem>>)
    %add3A_8 = arith.constant 64 : i32
    %add3A_9 = arith.addi %mul3A_2, %add3A_8 : i32
    %dma_start3A_10 = arith.constant 0 : i32
    %dma_start3A_11 = tpu.memref_slice %arg2[%add3A_9, %dma_start3A_10] : memref<5888x512xi32, #tpu.memory_space<hbm>> -> memref<56x512xi32, #tpu.memory_space<hbm>>
    %dma_start3A_12 = arith.constant 0 : i32
    %dma_start3A_13 = tpu.memref_slice %arg2[%add3A_9, %dma_start3A_12] : memref<5888x512xi32, #tpu.memory_space<hbm>> -> memref<56x512xi32, #tpu.memory_space<hbm>>
    tpu.enqueue_dma source(%dma_start3A_13 : memref<56x512xi32, #tpu.memory_space<hbm>>) target(%arg8 : memref<56x512xi32, #tpu.memory_space<vmem>>) target_semaphore(%arg9 : memref<!tpu.dma_semaphore, #tpu.memory_space<semaphore_mem>>)
    %dma_wait3A = arith.constant 0 : i32
    %dma_wait3A_14 = tpu.memref_slice %arg2[%mul3A_2, %dma_wait3A] : memref<5888x512xi32, #tpu.memory_space<hbm>> -> memref<64x512xi32, #tpu.memory_space<hbm>>
    %dma_wait3A_15 = arith.constant 0 : i32
    %dma_wait3A_16 = tpu.memref_slice %arg2[%mul3A_2, %dma_wait3A_15] : memref<5888x512xi32, #tpu.memory_space<hbm>> -> memref<64x512xi32, #tpu.memory_space<hbm>>
    tpu.wait_dma2 semaphore(%arg9 : memref<!tpu.dma_semaphore, #tpu.memory_space<semaphore_mem>>) src(%dma_wait3A_16 : memref<64x512xi32, #tpu.memory_space<hbm>>) dst(%arg7 : memref<64x512xi32, #tpu.memory_space<vmem>>)
    %dma_start3A_17 = arith.constant 0 : i32
    %dma_start3A_18 = arith.constant 0 : i32
    %dma_start3A_19 = tpu.memref_slice %arg4[%dma_start3A_17, %dma_start3A_18] : memref<4104x512xi32, #tpu.memory_space<hbm>> -> memref<4104x512xi32, #tpu.memory_space<hbm>>
    tpu.enqueue_indirect_dma source(%arg7 : memref<64x512xi32, #tpu.memory_space<vmem>>) target(%dma_start3A_19 : memref<4104x512xi32, #tpu.memory_space<hbm>>) offsets(%arg5 : memref<64xi32, #tpu.memory_space<vmem>>) semaphore(%arg10 : memref<!tpu.dma_semaphore, #tpu.memory_space<semaphore_mem>>)
    %dma_wait3A_20 = arith.constant 0 : i32
    %dma_wait3A_21 = tpu.memref_slice %arg2[%add3A_9, %dma_wait3A_20] : memref<5888x512xi32, #tpu.memory_space<hbm>> -> memref<56x512xi32, #tpu.memory_space<hbm>>
    %dma_wait3A_22 = arith.constant 0 : i32
    %dma_wait3A_23 = tpu.memref_slice %arg2[%add3A_9, %dma_wait3A_22] : memref<5888x512xi32, #tpu.memory_space<hbm>> -> memref<56x512xi32, #tpu.memory_space<hbm>>
    tpu.wait_dma2 semaphore(%arg9 : memref<!tpu.dma_semaphore, #tpu.memory_space<semaphore_mem>>) src(%dma_wait3A_23 : memref<56x512xi32, #tpu.memory_space<hbm>>) dst(%arg8 : memref<56x512xi32, #tpu.memory_space<vmem>>)
    %dma_start3A_24 = arith.constant 0 : i32
    %dma_start3A_25 = arith.constant 0 : i32
    %dma_start3A_26 = tpu.memref_slice %arg4[%dma_start3A_24, %dma_start3A_25] : memref<4104x512xi32, #tpu.memory_space<hbm>> -> memref<4104x512xi32, #tpu.memory_space<hbm>>
    tpu.enqueue_indirect_dma source(%arg8 : memref<56x512xi32, #tpu.memory_space<vmem>>) target(%dma_start3A_26 : memref<4104x512xi32, #tpu.memory_space<hbm>>) offsets(%arg6 : memref<56xi32, #tpu.memory_space<vmem>>) semaphore(%arg10 : memref<!tpu.dma_semaphore, #tpu.memory_space<semaphore_mem>>)
    %dma_wait3A_27 = arith.constant 0 : i32
    %dma_wait3A_28 = arith.constant 0 : i32
    %dma_wait3A_29 = tpu.memref_slice %arg4[%dma_wait3A_27, %dma_wait3A_28] : memref<4104x512xi32, #tpu.memory_space<hbm>> -> memref<4104x512xi32, #tpu.memory_space<hbm>>
    tpu.wait_indirect_dma semaphore(%arg10 : memref<!tpu.dma_semaphore, #tpu.memory_space<semaphore_mem>>) src(%arg7 : memref<64x512xi32, #tpu.memory_space<vmem>>) dst(%dma_wait3A_29 : memref<4104x512xi32, #tpu.memory_space<hbm>>)
    %add3A_30 = arith.constant 120 : i32
    %add3A_31 = arith.addi %mul3A_2, %add3A_30 : i32
    "tpu.region"() ({
      %run_scoped3A = tpu.sem_alloc : memref<!tpu.dma_semaphore, #tpu.memory_space<semaphore_mem>>
      %dma_start3A_51 = tpu.memref_slice %arg3[%add3A_31] : memref<5888xi32, #tpu.memory_space<hbm>> -> memref<64xi32, #tpu.memory_space<hbm>>
      %dma_start3A_52 = tpu.memref_slice %arg3[%add3A_31] : memref<5888xi32, #tpu.memory_space<hbm>> -> memref<64xi32, #tpu.memory_space<hbm>>
      tpu.enqueue_dma source(%dma_start3A_52 : memref<64xi32, #tpu.memory_space<hbm>>) target(%arg5 : memref<64xi32, #tpu.memory_space<vmem>>) target_semaphore(%run_scoped3A : memref<!tpu.dma_semaphore, #tpu.memory_space<semaphore_mem>>)
      %dma_wait3A_53 = tpu.memref_slice %arg3[%add3A_31] : memref<5888xi32, #tpu.memory_space<hbm>> -> memref<64xi32, #tpu.memory_space<hbm>>
      %dma_wait3A_54 = tpu.memref_slice %arg3[%add3A_31] : memref<5888xi32, #tpu.memory_space<hbm>> -> memref<64xi32, #tpu.memory_space<hbm>>
      tpu.wait_dma2 semaphore(%run_scoped3A : memref<!tpu.dma_semaphore, #tpu.memory_space<semaphore_mem>>) src(%dma_wait3A_54 : memref<64xi32, #tpu.memory_space<hbm>>) dst(%arg5 : memref<64xi32, #tpu.memory_space<vmem>>)
      tpu.yield
    }) : () -> ()
    %add3A_32 = arith.constant 120 : i32
    %add3A_33 = arith.addi %mul3A_2, %add3A_32 : i32
    %dma_start3A_34 = arith.constant 0 : i32
    %dma_start3A_35 = tpu.memref_slice %arg2[%add3A_33, %dma_start3A_34] : memref<5888x512xi32, #tpu.memory_space<hbm>> -> memref<64x512xi32, #tpu.memory_space<hbm>>
    %dma_start3A_36 = arith.constant 0 : i32
    %dma_start3A_37 = tpu.memref_slice %arg2[%add3A_33, %dma_start3A_36] : memref<5888x512xi32, #tpu.memory_space<hbm>> -> memref<64x512xi32, #tpu.memory_space<hbm>>
    tpu.enqueue_dma source(%dma_start3A_37 : memref<64x512xi32, #tpu.memory_space<hbm>>) target(%arg7 : memref<64x512xi32, #tpu.memory_space<vmem>>) target_semaphore(%arg9 : memref<!tpu.dma_semaphore, #tpu.memory_space<semaphore_mem>>)
    %dma_wait3A_38 = arith.constant 0 : i32
    %dma_wait3A_39 = tpu.memref_slice %arg2[%add3A_33, %dma_wait3A_38] : memref<5888x512xi32, #tpu.memory_space<hbm>> -> memref<64x512xi32, #tpu.memory_space<hbm>>
    %dma_wait3A_40 = arith.constant 0 : i32
    %dma_wait3A_41 = tpu.memref_slice %arg2[%add3A_33, %dma_wait3A_40] : memref<5888x512xi32, #tpu.memory_space<hbm>> -> memref<64x512xi32, #tpu.memory_space<hbm>>
    tpu.wait_dma2 semaphore(%arg9 : memref<!tpu.dma_semaphore, #tpu.memory_space<semaphore_mem>>) src(%dma_wait3A_41 : memref<64x512xi32, #tpu.memory_space<hbm>>) dst(%arg7 : memref<64x512xi32, #tpu.memory_space<vmem>>)
    %dma_start3A_42 = arith.constant 0 : i32
    %dma_start3A_43 = arith.constant 0 : i32
    %dma_start3A_44 = tpu.memref_slice %arg4[%dma_start3A_42, %dma_start3A_43] : memref<4104x512xi32, #tpu.memory_space<hbm>> -> memref<4104x512xi32, #tpu.memory_space<hbm>>
    tpu.enqueue_indirect_dma source(%arg7 : memref<64x512xi32, #tpu.memory_space<vmem>>) target(%dma_start3A_44 : memref<4104x512xi32, #tpu.memory_space<hbm>>) offsets(%arg5 : memref<64xi32, #tpu.memory_space<vmem>>) semaphore(%arg10 : memref<!tpu.dma_semaphore, #tpu.memory_space<semaphore_mem>>)
    %dma_wait3A_45 = arith.constant 0 : i32
    %dma_wait3A_46 = arith.constant 0 : i32
    %dma_wait3A_47 = tpu.memref_slice %arg4[%dma_wait3A_45, %dma_wait3A_46] : memref<4104x512xi32, #tpu.memory_space<hbm>> -> memref<4104x512xi32, #tpu.memory_space<hbm>>
    tpu.wait_indirect_dma semaphore(%arg10 : memref<!tpu.dma_semaphore, #tpu.memory_space<semaphore_mem>>) src(%arg8 : memref<56x512xi32, #tpu.memory_space<vmem>>) dst(%dma_wait3A_47 : memref<4104x512xi32, #tpu.memory_space<hbm>>)
    %dma_wait3A_48 = arith.constant 0 : i32
    %dma_wait3A_49 = arith.constant 0 : i32
    %dma_wait3A_50 = tpu.memref_slice %arg4[%dma_wait3A_48, %dma_wait3A_49] : memref<4104x512xi32, #tpu.memory_space<hbm>> -> memref<4104x512xi32, #tpu.memory_space<hbm>>
    tpu.wait_indirect_dma semaphore(%arg10 : memref<!tpu.dma_semaphore, #tpu.memory_space<semaphore_mem>>) src(%arg7 : memref<64x512xi32, #tpu.memory_space<vmem>>) dst(%dma_wait3A_50 : memref<4104x512xi32, #tpu.memory_space<hbm>>)
    return
  }
}

module attributes {stable_mosaic.version = 14 : i64} {
  func.func @_pre_kernel(%arg0: i32, %arg1: memref<256x1024xf32, #tpu.memory_space<vmem>>, %arg2: memref<1024x1024xf32, #tpu.memory_space<vmem>>, %arg3: memref<256x1024xf32, #tpu.memory_space<vmem>>, %arg4: memref<256x1024xf32, #tpu.memory_space<vmem>>, %arg5: memref<1024xf32, #tpu.memory_space<vmem>>, %arg6: memref<256x1024xf32, #tpu.memory_space<vmem>>, %arg7: memref<256x256xf32, #tpu.memory_space<vmem>>, %arg8: memref<256x256xf32, #tpu.memory_space<vmem>>) attributes {dimension_semantics = [#tpu.dimension_semantics<arbitrary>], iteration_bounds = array<i64: 8>, scalar_prefetch = 0 : i64, scratch_operands = 0 : i64, tpu.core_type = #tpu.core_type<tc>, window_params = [{transform_indices = @transform_0, window_bounds = array<i64: 256, 1024>}, {pipeline_mode = #tpu.pipeline_mode<synchronous>, transform_indices = @transform_1, window_bounds = array<i64: 1024, 1024>}, {pipeline_mode = #tpu.pipeline_mode<synchronous>, transform_indices = @transform_2, window_bounds = array<i64: 256, 1024>}, {pipeline_mode = #tpu.pipeline_mode<synchronous>, transform_indices = @transform_3, window_bounds = array<i64: 256, 1024>}, {pipeline_mode = #tpu.pipeline_mode<synchronous>, transform_indices = @transform_4, window_bounds = array<i64: 1024>}, {transform_indices = @transform_5, window_bounds = array<i64: 256, 1024>}, {transform_indices = @transform_6, window_bounds = array<i64: 256, 256>}, {transform_indices = @transform_7, window_bounds = array<i64: 256, 256>}]} {
    %get3A = arith.constant 0 : index
    %get3A_0 = arith.constant 0 : index
    %get3A_1 = vector.load %arg1[%get3A, %get3A_0] : memref<256x1024xf32, #tpu.memory_space<vmem>>, vector<256x1024xf32>
    %get3A_2 = arith.constant 0 : index
    %get3A_3 = vector.load %arg5[%get3A_2] : memref<1024xf32, #tpu.memory_space<vmem>>, vector<1024xf32>
    %mul3A = arith.mulf %get3A_1, %get3A_1 : vector<256x1024xf32>
    %reduce_sum3A = arith.constant dense<0.000000e+00> : vector<256xf32>
    %reduce_sum3A_4 = vector.multi_reduction <add>, %mul3A, %reduce_sum3A [1] : vector<256x1024xf32> to vector<256xf32>
    %broadcast_in_dim3A = vector.shape_cast %reduce_sum3A_4 : vector<256xf32> to vector<256x1xf32>
    %div3A = arith.constant 1.024000e+03 : f32
    %div3A_5 = vector.broadcast %div3A : f32 to vector<256x1xf32>
    %div3A_6 = arith.divf %broadcast_in_dim3A, %div3A_5 : vector<256x1xf32>
    %add3A = arith.constant 9.99999997E-7 : f32
    %add3A_7 = vector.broadcast %add3A : f32 to vector<256x1xf32>
    %add3A_8 = arith.addf %div3A_6, %add3A_7 : vector<256x1xf32>
    %rsqrt3A = math.rsqrt %add3A_8 : vector<256x1xf32>
    %mul3A_9 = vector.broadcast %rsqrt3A : vector<256x1xf32> to vector<256x1024xf32>
    %mul3A_10 = arith.mulf %get3A_1, %mul3A_9 : vector<256x1024xf32>
    %broadcast_in_dim3A_11 = vector.shape_cast %get3A_3 : vector<1024xf32> to vector<1x1024xf32>
    %mul3A_12 = vector.broadcast %broadcast_in_dim3A_11 : vector<1x1024xf32> to vector<256x1024xf32>
    %mul3A_13 = arith.mulf %mul3A_10, %mul3A_12 : vector<256x1024xf32>
    %get3A_14 = arith.constant 0 : index
    %get3A_15 = arith.constant 0 : index
    %get3A_16 = vector.load %arg2[%get3A_14, %get3A_15] : memref<1024x1024xf32, #tpu.memory_space<vmem>>, vector<1024x1024xf32>
    %dot_general3A = arith.constant dense<0.000000e+00> : vector<256x1024xf32>
    %dot_general3A_17 = tpu.matmul %mul3A_13, %get3A_16, %dot_general3A {dimension_numbers = #tpu.dot_dimension_numbers<[1], [1], [0], [0], [0, 0, 1, 0], [], []>, transpose_lhs_hint = false} : vector<256x1024xf32>, vector<1024x1024xf32>, vector<256x1024xf32> -> vector<256x1024xf32>
    %get3A_18 = arith.constant 0 : index
    %get3A_19 = arith.constant 0 : index
    %get3A_20 = vector.load %arg3[%get3A_18, %get3A_19] : memref<256x1024xf32, #tpu.memory_space<vmem>>, vector<256x1024xf32>
    %dot_general3A_21 = arith.constant dense<0.000000e+00> : vector<256x256xf32>
    %dot_general3A_22 = tpu.matmul %mul3A_13, %get3A_20, %dot_general3A_21 {dimension_numbers = #tpu.dot_dimension_numbers<[1], [1], [0], [0], [0, 0, 1, 0], [], []>, transpose_lhs_hint = false} : vector<256x1024xf32>, vector<256x1024xf32>, vector<256x256xf32> -> vector<256x256xf32>
    %get3A_23 = arith.constant 0 : index
    %get3A_24 = arith.constant 0 : index
    %get3A_25 = vector.load %arg4[%get3A_23, %get3A_24] : memref<256x1024xf32, #tpu.memory_space<vmem>>, vector<256x1024xf32>
    %dot_general3A_26 = arith.constant dense<0.000000e+00> : vector<256x256xf32>
    %dot_general3A_27 = tpu.matmul %mul3A_13, %get3A_25, %dot_general3A_26 {dimension_numbers = #tpu.dot_dimension_numbers<[1], [1], [0], [0], [0, 0, 1, 0], [], []>, transpose_lhs_hint = false} : vector<256x1024xf32>, vector<256x1024xf32>, vector<256x256xf32> -> vector<256x256xf32>
    %iota3A = tpu.iota {dimensions = array<i32: 0>} : vector<256x1024xi32>
    %convert_element_type3A = arith.sitofp %iota3A : vector<256x1024xi32> to vector<256x1024xf32>
    %iota3A_28 = tpu.iota {dimensions = array<i32: 1>} : vector<256x1024xi32>
    %jit3A = arith.constant 32 : i32
    %eq3A = arith.constant 0 : i32
    %eq3A_29 = arith.cmpi eq, %jit3A, %eq3A : i32
    %jit3A_30 = arith.constant 1 : i32
    %select_n3A = arith.select %eq3A_29, %jit3A_30, %jit3A : i32
    %rem3A = vector.broadcast %select_n3A : i32 to vector<256x1024xi32>
    %rem3A_31 = arith.remsi %iota3A_28, %rem3A : vector<256x1024xi32>
    %ne3A = arith.constant 0 : i32
    %ne3A_32 = vector.broadcast %ne3A : i32 to vector<256x1024xi32>
    %ne3A_33 = arith.cmpi ne, %rem3A_31, %ne3A_32 : vector<256x1024xi32>
    %lt3A = arith.constant 0 : i32
    %lt3A_34 = vector.broadcast %lt3A : i32 to vector<256x1024xi32>
    %lt3A_35 = arith.cmpi slt, %rem3A_31, %lt3A_34 : vector<256x1024xi32>
    %lt3A_36 = arith.constant 0 : i32
    %lt3A_37 = arith.cmpi slt, %select_n3A, %lt3A_36 : i32
    %ne3A_38 = vector.broadcast %lt3A_37 : i1 to vector<256x1024xi1>
    %ne3A_39 = vector.broadcast %ne3A_38 : vector<256x1024xi1> to vector<256x1024xi1>
    %ne3A_40 = arith.xori %lt3A_35, %ne3A_39 : vector<256x1024xi1>
    %and3A = arith.andi %ne3A_40, %ne3A_33 : vector<256x1024xi1>
    %add3A_41 = vector.broadcast %select_n3A : i32 to vector<256x1024xi32>
    %add3A_42 = arith.addi %rem3A_31, %add3A_41 : vector<256x1024xi32>
    %select_n3A_43 = arith.select %and3A, %add3A_42, %rem3A_31 : vector<256x1024xi1>, vector<256x1024xi32>
    %convert_element_type3A_44 = arith.sitofp %select_n3A_43 : vector<256x1024xi32> to vector<256x1024xf32>
    %mul3A_45 = arith.constant -0.431734711 : f32
    %mul3A_46 = vector.broadcast %mul3A_45 : f32 to vector<256x1024xf32>
    %mul3A_47 = arith.mulf %convert_element_type3A_44, %mul3A_46 : vector<256x1024xf32>
    %exp3A = math.exp %mul3A_47 : vector<256x1024xf32>
    %mul3A_48 = arith.constant 256 : i32
    %mul3A_49 = arith.muli %arg0, %mul3A_48 : i32
    %convert_element_type3A_50 = arith.sitofp %mul3A_49 : i32 to f32
    %add3A_51 = vector.broadcast %convert_element_type3A_50 : f32 to vector<256x1024xf32>
    %add3A_52 = arith.addf %convert_element_type3A, %add3A_51 : vector<256x1024xf32>
    %mul3A_53 = arith.mulf %add3A_52, %exp3A : vector<256x1024xf32>
    %cos3A = math.cos %mul3A_53 : vector<256x1024xf32>
    %sin3A = math.sin %mul3A_53 : vector<256x1024xf32>
    %iota3A_54 = tpu.iota {dimensions = array<i32: 0>} : vector<1024x1024xi32>
    %iota3A_55 = tpu.iota {dimensions = array<i32: 1>} : vector<1024x1024xi32>
    %jit3A_56 = arith.constant 64 : i32
    %eq3A_57 = arith.constant 0 : i32
    %eq3A_58 = arith.cmpi eq, %jit3A_56, %eq3A_57 : i32
    %jit3A_59 = arith.constant 1 : i32
    %select_n3A_60 = arith.select %eq3A_58, %jit3A_59, %jit3A_56 : i32
    %rem3A_61 = vector.broadcast %select_n3A_60 : i32 to vector<1024x1024xi32>
    %rem3A_62 = arith.remsi %iota3A_55, %rem3A_61 : vector<1024x1024xi32>
    %ne3A_63 = arith.constant 0 : i32
    %ne3A_64 = vector.broadcast %ne3A_63 : i32 to vector<1024x1024xi32>
    %ne3A_65 = arith.cmpi ne, %rem3A_62, %ne3A_64 : vector<1024x1024xi32>
    %lt3A_66 = arith.constant 0 : i32
    %lt3A_67 = vector.broadcast %lt3A_66 : i32 to vector<1024x1024xi32>
    %lt3A_68 = arith.cmpi slt, %rem3A_62, %lt3A_67 : vector<1024x1024xi32>
    %lt3A_69 = arith.constant 0 : i32
    %lt3A_70 = arith.cmpi slt, %select_n3A_60, %lt3A_69 : i32
    %ne3A_71 = vector.broadcast %lt3A_70 : i1 to vector<1024x1024xi1>
    %ne3A_72 = vector.broadcast %ne3A_71 : vector<1024x1024xi1> to vector<1024x1024xi1>
    %ne3A_73 = arith.xori %lt3A_68, %ne3A_72 : vector<1024x1024xi1>
    %and3A_74 = arith.andi %ne3A_73, %ne3A_65 : vector<1024x1024xi1>
    %add3A_75 = vector.broadcast %select_n3A_60 : i32 to vector<1024x1024xi32>
    %add3A_76 = arith.addi %rem3A_62, %add3A_75 : vector<1024x1024xi32>
    %select_n3A_77 = arith.select %and3A_74, %add3A_76, %rem3A_62 : vector<1024x1024xi1>, vector<1024x1024xi32>
    %add3A_78 = arith.constant 32 : i32
    %add3A_79 = vector.broadcast %add3A_78 : i32 to vector<1024x1024xi32>
    %add3A_80 = arith.addi %iota3A_55, %add3A_79 : vector<1024x1024xi32>
    %eq3A_81 = arith.cmpi eq, %iota3A_54, %add3A_80 : vector<1024x1024xi32>
    %lt3A_82 = arith.constant 32 : i32
    %lt3A_83 = vector.broadcast %lt3A_82 : i32 to vector<1024x1024xi32>
    %lt3A_84 = arith.cmpi slt, %select_n3A_77, %lt3A_83 : vector<1024x1024xi32>
    %and3A_85 = arith.andi %eq3A_81, %lt3A_84 : vector<1024x1024xi1>
    %sub3A = arith.constant 32 : i32
    %sub3A_86 = vector.broadcast %sub3A : i32 to vector<1024x1024xi32>
    %sub3A_87 = arith.subi %iota3A_55, %sub3A_86 : vector<1024x1024xi32>
    %eq3A_88 = arith.cmpi eq, %iota3A_54, %sub3A_87 : vector<1024x1024xi32>
    %ge3A = arith.constant 32 : i32
    %ge3A_89 = vector.broadcast %ge3A : i32 to vector<1024x1024xi32>
    %ge3A_90 = arith.cmpi sge, %select_n3A_77, %ge3A_89 : vector<1024x1024xi32>
    %and3A_91 = arith.andi %eq3A_88, %ge3A_90 : vector<1024x1024xi1>
    %jit3A_92 = arith.constant -1.000000e+00 : f32
    %jit3A_93 = arith.constant 0.000000e+00 : f32
    %broadcast_in_dim3A_94 = vector.broadcast %jit3A_92 : f32 to vector<1024x1024xf32>
    %broadcast_in_dim3A_95 = vector.broadcast %jit3A_93 : f32 to vector<1024x1024xf32>
    %select_n3A_96 = arith.select %and3A_85, %broadcast_in_dim3A_94, %broadcast_in_dim3A_95 : vector<1024x1024xi1>, vector<1024x1024xf32>
    %jit3A_97 = arith.constant 1.000000e+00 : f32
    %jit3A_98 = arith.constant 0.000000e+00 : f32
    %broadcast_in_dim3A_99 = vector.broadcast %jit3A_97 : f32 to vector<1024x1024xf32>
    %broadcast_in_dim3A_100 = vector.broadcast %jit3A_98 : f32 to vector<1024x1024xf32>
    %select_n3A_101 = arith.select %and3A_91, %broadcast_in_dim3A_99, %broadcast_in_dim3A_100 : vector<1024x1024xi1>, vector<1024x1024xf32>
    %add3A_102 = arith.addf %select_n3A_96, %select_n3A_101 : vector<1024x1024xf32>
    %dot_general3A_103 = arith.constant dense<0.000000e+00> : vector<256x1024xf32>
    %dot_general3A_104 = tpu.matmul %dot_general3A_17, %add3A_102, %dot_general3A_103 {dimension_numbers = #tpu.dot_dimension_numbers<[1], [0], [0], [1], [0, 0, 1, 1], [], []>, transpose_lhs_hint = false} : vector<256x1024xf32>, vector<1024x1024xf32>, vector<256x1024xf32> -> vector<256x1024xf32>
    %mul3A_105 = arith.mulf %dot_general3A_17, %cos3A : vector<256x1024xf32>
    %mul3A_106 = arith.mulf %dot_general3A_104, %sin3A : vector<256x1024xf32>
    %add3A_107 = arith.addf %mul3A_105, %mul3A_106 : vector<256x1024xf32>
    %swap3A = arith.constant 0 : index
    %swap3A_108 = arith.constant 0 : index
    %swap3A_109 = vector.load %arg6[%swap3A, %swap3A_108] : memref<256x1024xf32, #tpu.memory_space<vmem>>, vector<256x1024xf32>
    tpu.vector_store %arg6[%swap3A, %swap3A_108], %add3A_107 {strides = array<i32>} : memref<256x1024xf32, #tpu.memory_space<vmem>>, vector<256x1024xf32>,
    %iota3A_110 = tpu.iota {dimensions = array<i32: 0>} : vector<256x256xi32>
    %convert_element_type3A_111 = arith.sitofp %iota3A_110 : vector<256x256xi32> to vector<256x256xf32>
    %iota3A_112 = tpu.iota {dimensions = array<i32: 1>} : vector<256x256xi32>
    %jit3A_113 = arith.constant 32 : i32
    %eq3A_114 = arith.constant 0 : i32
    %eq3A_115 = arith.cmpi eq, %jit3A_113, %eq3A_114 : i32
    %jit3A_116 = arith.constant 1 : i32
    %select_n3A_117 = arith.select %eq3A_115, %jit3A_116, %jit3A_113 : i32
    %rem3A_118 = vector.broadcast %select_n3A_117 : i32 to vector<256x256xi32>
    %rem3A_119 = arith.remsi %iota3A_112, %rem3A_118 : vector<256x256xi32>
    %ne3A_120 = arith.constant 0 : i32
    %ne3A_121 = vector.broadcast %ne3A_120 : i32 to vector<256x256xi32>
    %ne3A_122 = arith.cmpi ne, %rem3A_119, %ne3A_121 : vector<256x256xi32>
    %lt3A_123 = arith.constant 0 : i32
    %lt3A_124 = vector.broadcast %lt3A_123 : i32 to vector<256x256xi32>
    %lt3A_125 = arith.cmpi slt, %rem3A_119, %lt3A_124 : vector<256x256xi32>
    %lt3A_126 = arith.constant 0 : i32
    %lt3A_127 = arith.cmpi slt, %select_n3A_117, %lt3A_126 : i32
    %ne3A_128 = vector.broadcast %lt3A_127 : i1 to vector<256x256xi1>
    %ne3A_129 = vector.broadcast %ne3A_128 : vector<256x256xi1> to vector<256x256xi1>
    %ne3A_130 = arith.xori %lt3A_125, %ne3A_129 : vector<256x256xi1>
    %and3A_131 = arith.andi %ne3A_130, %ne3A_122 : vector<256x256xi1>
    %add3A_132 = vector.broadcast %select_n3A_117 : i32 to vector<256x256xi32>
    %add3A_133 = arith.addi %rem3A_119, %add3A_132 : vector<256x256xi32>
    %select_n3A_134 = arith.select %and3A_131, %add3A_133, %rem3A_119 : vector<256x256xi1>, vector<256x256xi32>
    %convert_element_type3A_135 = arith.sitofp %select_n3A_134 : vector<256x256xi32> to vector<256x256xf32>
    %mul3A_136 = arith.constant -0.431734711 : f32
    %mul3A_137 = vector.broadcast %mul3A_136 : f32 to vector<256x256xf32>
    %mul3A_138 = arith.mulf %convert_element_type3A_135, %mul3A_137 : vector<256x256xf32>
    %exp3A_139 = math.exp %mul3A_138 : vector<256x256xf32>
    %mul3A_140 = arith.constant 256 : i32
    %mul3A_141 = arith.muli %arg0, %mul3A_140 : i32
    %convert_element_type3A_142 = arith.sitofp %mul3A_141 : i32 to f32
    %add3A_143 = vector.broadcast %convert_element_type3A_142 : f32 to vector<256x256xf32>
    %add3A_144 = arith.addf %convert_element_type3A_111, %add3A_143 : vector<256x256xf32>
    %mul3A_145 = arith.mulf %add3A_144, %exp3A_139 : vector<256x256xf32>
    %cos3A_146 = math.cos %mul3A_145 : vector<256x256xf32>
    %sin3A_147 = math.sin %mul3A_145 : vector<256x256xf32>
    %iota3A_148 = tpu.iota {dimensions = array<i32: 0>} : vector<256x256xi32>
    %iota3A_149 = tpu.iota {dimensions = array<i32: 1>} : vector<256x256xi32>
    %jit3A_150 = arith.constant 64 : i32
    %eq3A_151 = arith.constant 0 : i32
    %eq3A_152 = arith.cmpi eq, %jit3A_150, %eq3A_151 : i32
    %jit3A_153 = arith.constant 1 : i32
    %select_n3A_154 = arith.select %eq3A_152, %jit3A_153, %jit3A_150 : i32
    %rem3A_155 = vector.broadcast %select_n3A_154 : i32 to vector<256x256xi32>
    %rem3A_156 = arith.remsi %iota3A_149, %rem3A_155 : vector<256x256xi32>
    %ne3A_157 = arith.constant 0 : i32
    %ne3A_158 = vector.broadcast %ne3A_157 : i32 to vector<256x256xi32>
    %ne3A_159 = arith.cmpi ne, %rem3A_156, %ne3A_158 : vector<256x256xi32>
    %lt3A_160 = arith.constant 0 : i32
    %lt3A_161 = vector.broadcast %lt3A_160 : i32 to vector<256x256xi32>
    %lt3A_162 = arith.cmpi slt, %rem3A_156, %lt3A_161 : vector<256x256xi32>
    %lt3A_163 = arith.constant 0 : i32
    %lt3A_164 = arith.cmpi slt, %select_n3A_154, %lt3A_163 : i32
    %ne3A_165 = vector.broadcast %lt3A_164 : i1 to vector<256x256xi1>
    %ne3A_166 = vector.broadcast %ne3A_165 : vector<256x256xi1> to vector<256x256xi1>
    %ne3A_167 = arith.xori %lt3A_162, %ne3A_166 : vector<256x256xi1>
    %and3A_168 = arith.andi %ne3A_167, %ne3A_159 : vector<256x256xi1>
    %add3A_169 = vector.broadcast %select_n3A_154 : i32 to vector<256x256xi32>
    %add3A_170 = arith.addi %rem3A_156, %add3A_169 : vector<256x256xi32>
    %select_n3A_171 = arith.select %and3A_168, %add3A_170, %rem3A_156 : vector<256x256xi1>, vector<256x256xi32>
    %add3A_172 = arith.constant 32 : i32
    %add3A_173 = vector.broadcast %add3A_172 : i32 to vector<256x256xi32>
    %add3A_174 = arith.addi %iota3A_149, %add3A_173 : vector<256x256xi32>
    %eq3A_175 = arith.cmpi eq, %iota3A_148, %add3A_174 : vector<256x256xi32>
    %lt3A_176 = arith.constant 32 : i32
    %lt3A_177 = vector.broadcast %lt3A_176 : i32 to vector<256x256xi32>
    %lt3A_178 = arith.cmpi slt, %select_n3A_171, %lt3A_177 : vector<256x256xi32>
    %and3A_179 = arith.andi %eq3A_175, %lt3A_178 : vector<256x256xi1>
    %sub3A_180 = arith.constant 32 : i32
    %sub3A_181 = vector.broadcast %sub3A_180 : i32 to vector<256x256xi32>
    %sub3A_182 = arith.subi %iota3A_149, %sub3A_181 : vector<256x256xi32>
    %eq3A_183 = arith.cmpi eq, %iota3A_148, %sub3A_182 : vector<256x256xi32>
    %ge3A_184 = arith.constant 32 : i32
    %ge3A_185 = vector.broadcast %ge3A_184 : i32 to vector<256x256xi32>
    %ge3A_186 = arith.cmpi sge, %select_n3A_171, %ge3A_185 : vector<256x256xi32>
    %and3A_187 = arith.andi %eq3A_183, %ge3A_186 : vector<256x256xi1>
    %jit3A_188 = arith.constant -1.000000e+00 : f32
    %jit3A_189 = arith.constant 0.000000e+00 : f32
    %broadcast_in_dim3A_190 = vector.broadcast %jit3A_188 : f32 to vector<256x256xf32>
    %broadcast_in_dim3A_191 = vector.broadcast %jit3A_189 : f32 to vector<256x256xf32>
    %select_n3A_192 = arith.select %and3A_179, %broadcast_in_dim3A_190, %broadcast_in_dim3A_191 : vector<256x256xi1>, vector<256x256xf32>
    %jit3A_193 = arith.constant 1.000000e+00 : f32
    %jit3A_194 = arith.constant 0.000000e+00 : f32
    %broadcast_in_dim3A_195 = vector.broadcast %jit3A_193 : f32 to vector<256x256xf32>
    %broadcast_in_dim3A_196 = vector.broadcast %jit3A_194 : f32 to vector<256x256xf32>
    %select_n3A_197 = arith.select %and3A_187, %broadcast_in_dim3A_195, %broadcast_in_dim3A_196 : vector<256x256xi1>, vector<256x256xf32>
    %add3A_198 = arith.addf %select_n3A_192, %select_n3A_197 : vector<256x256xf32>
    %dot_general3A_199 = arith.constant dense<0.000000e+00> : vector<256x256xf32>
    %dot_general3A_200 = tpu.matmul %dot_general3A_22, %add3A_198, %dot_general3A_199 {dimension_numbers = #tpu.dot_dimension_numbers<[1], [0], [0], [1], [0, 0, 1, 1], [], []>, transpose_lhs_hint = false} : vector<256x256xf32>, vector<256x256xf32>, vector<256x256xf32> -> vector<256x256xf32>
    %mul3A_201 = arith.mulf %dot_general3A_22, %cos3A_146 : vector<256x256xf32>
    %mul3A_202 = arith.mulf %dot_general3A_200, %sin3A_147 : vector<256x256xf32>
    %add3A_203 = arith.addf %mul3A_201, %mul3A_202 : vector<256x256xf32>
    %swap3A_204 = arith.constant 0 : index
    %swap3A_205 = arith.constant 0 : index
    %swap3A_206 = vector.load %arg7[%swap3A_204, %swap3A_205] : memref<256x256xf32, #tpu.memory_space<vmem>>, vector<256x256xf32>
    tpu.vector_store %arg7[%swap3A_204, %swap3A_205], %add3A_203 {strides = array<i32>} : memref<256x256xf32, #tpu.memory_space<vmem>>, vector<256x256xf32>,
    %swap3A_207 = arith.constant 0 : index
    %swap3A_208 = arith.constant 0 : index
    %swap3A_209 = vector.load %arg8[%swap3A_207, %swap3A_208] : memref<256x256xf32, #tpu.memory_space<vmem>>, vector<256x256xf32>
    tpu.vector_store %arg8[%swap3A_207, %swap3A_208], %dot_general3A_27 {strides = array<i32>} : memref<256x256xf32, #tpu.memory_space<vmem>>, vector<256x256xf32>,
    return
  }
  func.func @transform_0(%arg0: i32) -> (i32, i32) {
    %c0_i32 = arith.constant 0 : i32
    %c0_i32_0 = arith.constant 0 : i32
    return %arg0, %c0_i32 : i32, i32
  }
  func.func @transform_1(%arg0: i32) -> (i32, i32) {
    %c0_i32 = arith.constant 0 : i32
    %c0_i32_0 = arith.constant 0 : i32
    %c0_i32_1 = arith.constant 0 : i32
    return %c0_i32, %c0_i32_0 : i32, i32
  }
  func.func @transform_2(%arg0: i32) -> (i32, i32) {
    %c0_i32 = arith.constant 0 : i32
    %c0_i32_0 = arith.constant 0 : i32
    %c0_i32_1 = arith.constant 0 : i32
    return %c0_i32, %c0_i32_0 : i32, i32
  }
  func.func @transform_3(%arg0: i32) -> (i32, i32) {
    %c0_i32 = arith.constant 0 : i32
    %c0_i32_0 = arith.constant 0 : i32
    %c0_i32_1 = arith.constant 0 : i32
    return %c0_i32, %c0_i32_0 : i32, i32
  }
  func.func @transform_4(%arg0: i32) -> i32 {
    %c0_i32 = arith.constant 0 : i32
    %c0_i32_0 = arith.constant 0 : i32
    return %c0_i32 : i32
  }
  func.func @transform_5(%arg0: i32) -> (i32, i32) {
    %c0_i32 = arith.constant 0 : i32
    %c0_i32_0 = arith.constant 0 : i32
    return %arg0, %c0_i32 : i32, i32
  }
  func.func @transform_6(%arg0: i32) -> (i32, i32) {
    %c0_i32 = arith.constant 0 : i32
    %c0_i32_0 = arith.constant 0 : i32
    return %arg0, %c0_i32 : i32, i32
  }
  func.func @transform_7(%arg0: i32) -> (i32, i32) {
    %c0_i32 = arith.constant 0 : i32
    %c0_i32_0 = arith.constant 0 : i32
    return %arg0, %c0_i32 : i32, i32
  }
}

module attributes {stable_mosaic.version = 14 : i64} {
  func.func @_attn_post_kernel(%arg0: i32, %arg1: memref<256x1024xf32, #tpu.memory_space<vmem>>, %arg2: memref<2048x256xf32, #tpu.memory_space<vmem>>, %arg3: memref<2048x256xf32, #tpu.memory_space<vmem>>, %arg4: memref<256x1024xf32, #tpu.memory_space<vmem>>, %arg5: memref<1024x1024xf32, #tpu.memory_space<vmem>>, %arg6: memref<1024xf32, #tpu.memory_space<vmem>>, %arg7: memref<8x1024xf32, #tpu.memory_space<vmem>>, %arg8: memref<256x1024xf32, #tpu.memory_space<vmem>>, %arg9: memref<256x1024xf32, #tpu.memory_space<vmem>>, %arg10: memref<256x512xi32, #tpu.memory_space<vmem>>, %arg11: memref<256x2xf32, #tpu.memory_space<vmem>>, %arg12: memref<256x2xi32, #tpu.memory_space<vmem>>) attributes {dimension_semantics = [#tpu.dimension_semantics<arbitrary>], iteration_bounds = array<i64: 8>, scalar_prefetch = 0 : i64, scratch_operands = 0 : i64, tpu.core_type = #tpu.core_type<tc>, window_params = [{transform_indices = @transform_0, window_bounds = array<i64: 256, 1024>}, {pipeline_mode = #tpu.pipeline_mode<synchronous>, transform_indices = @transform_1, window_bounds = array<i64: 2048, 256>}, {pipeline_mode = #tpu.pipeline_mode<synchronous>, transform_indices = @transform_2, window_bounds = array<i64: 2048, 256>}, {transform_indices = @transform_3, window_bounds = array<i64: 256, 1024>}, {pipeline_mode = #tpu.pipeline_mode<synchronous>, transform_indices = @transform_4, window_bounds = array<i64: 1024, 1024>}, {pipeline_mode = #tpu.pipeline_mode<synchronous>, transform_indices = @transform_5, window_bounds = array<i64: 1024>}, {pipeline_mode = #tpu.pipeline_mode<synchronous>, transform_indices = @transform_6, window_bounds = array<i64: 8, 1024>}, {transform_indices = @transform_7, window_bounds = array<i64: 256, 1024>}, {transform_indices = @transform_8, window_bounds = array<i64: 256, 1024>}, {transform_indices = @transform_9, window_bounds = array<i64: 256, 512>}, {transform_indices = @transform_10, window_bounds = array<i64: 256, 2>}, {transform_indices = @transform_11, window_bounds = array<i64: 256, 2>}]} {
    %get3A = arith.constant 0 : index
    %get3A_0 = arith.constant 0 : index
    %get3A_1 = vector.load %arg1[%get3A, %get3A_0] : memref<256x1024xf32, #tpu.memory_space<vmem>>, vector<256x1024xf32>
    %get3A_2 = arith.constant 0 : index
    %get3A_3 = arith.constant 0 : index
    %get3A_4 = vector.load %arg2[%get3A_2, %get3A_3] : memref<2048x256xf32, #tpu.memory_space<vmem>>, vector<2048x256xf32>
    %get3A_5 = arith.constant 0 : index
    %get3A_6 = arith.constant 0 : index
    %get3A_7 = vector.load %arg3[%get3A_5, %get3A_6] : memref<2048x256xf32, #tpu.memory_space<vmem>>, vector<2048x256xf32>
    %slice3A = vector.extract_strided_slice %get3A_1 {offsets = [0, 0], sizes = [256, 64], strides = [1, 1]} : vector<256x1024xf32> to vector<256x64xf32>
    %slice3A_8 = vector.extract_strided_slice %get3A_4 {offsets = [0, 0], sizes = [2048, 64], strides = [1, 1]} : vector<2048x256xf32> to vector<2048x64xf32>
    %slice3A_9 = vector.extract_strided_slice %get3A_7 {offsets = [0, 0], sizes = [2048, 64], strides = [1, 1]} : vector<2048x256xf32> to vector<2048x64xf32>
    %dot_general3A = arith.constant dense<0.000000e+00> : vector<256x2048xf32>
    %dot_general3A_10 = tpu.matmul %slice3A, %slice3A_8, %dot_general3A {dimension_numbers = #tpu.dot_dimension_numbers<[1], [1], [0], [0], [0, 0, 1, 0], [], []>, transpose_lhs_hint = false} : vector<256x64xf32>, vector<2048x64xf32>, vector<256x2048xf32> -> vector<256x2048xf32>
    %mul3A = arith.constant 1.250000e-01 : f32
    %mul3A_11 = vector.broadcast %mul3A : f32 to vector<256x2048xf32>
    %mul3A_12 = arith.mulf %dot_general3A_10, %mul3A_11 : vector<256x2048xf32>
    %reduce_max3A = arith.constant dense<0xFF800000> : vector<256xf32>
    %reduce_max3A_13 = vector.multi_reduction <maximumf>, %mul3A_12, %reduce_max3A [1] : vector<256x2048xf32> to vector<256xf32>
    %broadcast_in_dim3A = vector.shape_cast %reduce_max3A_13 : vector<256xf32> to vector<256x1xf32>
    %sub3A = vector.broadcast %broadcast_in_dim3A : vector<256x1xf32> to vector<256x2048xf32>
    %sub3A_14 = arith.subf %mul3A_12, %sub3A : vector<256x2048xf32>
    %exp3A = math.exp %sub3A_14 : vector<256x2048xf32>
    %reduce_sum3A = arith.constant dense<0.000000e+00> : vector<256xf32>
    %reduce_sum3A_15 = vector.multi_reduction <add>, %exp3A, %reduce_sum3A [1] : vector<256x2048xf32> to vector<256xf32>
    %broadcast_in_dim3A_16 = vector.shape_cast %reduce_sum3A_15 : vector<256xf32> to vector<256x1xf32>
    %div3A = vector.broadcast %broadcast_in_dim3A_16 : vector<256x1xf32> to vector<256x2048xf32>
    %div3A_17 = arith.divf %exp3A, %div3A : vector<256x2048xf32>
    %dot_general3A_18 = arith.constant dense<0.000000e+00> : vector<256x64xf32>
    %dot_general3A_19 = tpu.matmul %div3A_17, %slice3A_9, %dot_general3A_18 {dimension_numbers = #tpu.dot_dimension_numbers<[1], [0], [0], [1], [0, 0, 1, 1], [], []>, transpose_lhs_hint = false} : vector<256x2048xf32>, vector<2048x64xf32>, vector<256x64xf32> -> vector<256x64xf32>
    %slice3A_20 = vector.extract_strided_slice %get3A_1 {offsets = [0, 64], sizes = [256, 64], strides = [1, 1]} : vector<256x1024xf32> to vector<256x64xf32>
    %slice3A_21 = vector.extract_strided_slice %get3A_4 {offsets = [0, 0], sizes = [2048, 64], strides = [1, 1]} : vector<2048x256xf32> to vector<2048x64xf32>
    %slice3A_22 = vector.extract_strided_slice %get3A_7 {offsets = [0, 0], sizes = [2048, 64], strides = [1, 1]} : vector<2048x256xf32> to vector<2048x64xf32>
    %dot_general3A_23 = arith.constant dense<0.000000e+00> : vector<256x2048xf32>
    %dot_general3A_24 = tpu.matmul %slice3A_20, %slice3A_21, %dot_general3A_23 {dimension_numbers = #tpu.dot_dimension_numbers<[1], [1], [0], [0], [0, 0, 1, 0], [], []>, transpose_lhs_hint = false} : vector<256x64xf32>, vector<2048x64xf32>, vector<256x2048xf32> -> vector<256x2048xf32>
    %mul3A_25 = arith.constant 1.250000e-01 : f32
    %mul3A_26 = vector.broadcast %mul3A_25 : f32 to vector<256x2048xf32>
    %mul3A_27 = arith.mulf %dot_general3A_24, %mul3A_26 : vector<256x2048xf32>
    %reduce_max3A_28 = arith.constant dense<0xFF800000> : vector<256xf32>
    %reduce_max3A_29 = vector.multi_reduction <maximumf>, %mul3A_27, %reduce_max3A_28 [1] : vector<256x2048xf32> to vector<256xf32>
    %broadcast_in_dim3A_30 = vector.shape_cast %reduce_max3A_29 : vector<256xf32> to vector<256x1xf32>
    %sub3A_31 = vector.broadcast %broadcast_in_dim3A_30 : vector<256x1xf32> to vector<256x2048xf32>
    %sub3A_32 = arith.subf %mul3A_27, %sub3A_31 : vector<256x2048xf32>
    %exp3A_33 = math.exp %sub3A_32 : vector<256x2048xf32>
    %reduce_sum3A_34 = arith.constant dense<0.000000e+00> : vector<256xf32>
    %reduce_sum3A_35 = vector.multi_reduction <add>, %exp3A_33, %reduce_sum3A_34 [1] : vector<256x2048xf32> to vector<256xf32>
    %broadcast_in_dim3A_36 = vector.shape_cast %reduce_sum3A_35 : vector<256xf32> to vector<256x1xf32>
    %div3A_37 = vector.broadcast %broadcast_in_dim3A_36 : vector<256x1xf32> to vector<256x2048xf32>
    %div3A_38 = arith.divf %exp3A_33, %div3A_37 : vector<256x2048xf32>
    %dot_general3A_39 = arith.constant dense<0.000000e+00> : vector<256x64xf32>
    %dot_general3A_40 = tpu.matmul %div3A_38, %slice3A_22, %dot_general3A_39 {dimension_numbers = #tpu.dot_dimension_numbers<[1], [0], [0], [1], [0, 0, 1, 1], [], []>, transpose_lhs_hint = false} : vector<256x2048xf32>, vector<2048x64xf32>, vector<256x64xf32> -> vector<256x64xf32>
    %slice3A_41 = vector.extract_strided_slice %get3A_1 {offsets = [0, 128], sizes = [256, 64], strides = [1, 1]} : vector<256x1024xf32> to vector<256x64xf32>
    %slice3A_42 = vector.extract_strided_slice %get3A_4 {offsets = [0, 0], sizes = [2048, 64], strides = [1, 1]} : vector<2048x256xf32> to vector<2048x64xf32>
    %slice3A_43 = vector.extract_strided_slice %get3A_7 {offsets = [0, 0], sizes = [2048, 64], strides = [1, 1]} : vector<2048x256xf32> to vector<2048x64xf32>
    %dot_general3A_44 = arith.constant dense<0.000000e+00> : vector<256x2048xf32>
    %dot_general3A_45 = tpu.matmul %slice3A_41, %slice3A_42, %dot_general3A_44 {dimension_numbers = #tpu.dot_dimension_numbers<[1], [1], [0], [0], [0, 0, 1, 0], [], []>, transpose_lhs_hint = false} : vector<256x64xf32>, vector<2048x64xf32>, vector<256x2048xf32> -> vector<256x2048xf32>
    %mul3A_46 = arith.constant 1.250000e-01 : f32
    %mul3A_47 = vector.broadcast %mul3A_46 : f32 to vector<256x2048xf32>
    %mul3A_48 = arith.mulf %dot_general3A_45, %mul3A_47 : vector<256x2048xf32>
    %reduce_max3A_49 = arith.constant dense<0xFF800000> : vector<256xf32>
    %reduce_max3A_50 = vector.multi_reduction <maximumf>, %mul3A_48, %reduce_max3A_49 [1] : vector<256x2048xf32> to vector<256xf32>
    %broadcast_in_dim3A_51 = vector.shape_cast %reduce_max3A_50 : vector<256xf32> to vector<256x1xf32>
    %sub3A_52 = vector.broadcast %broadcast_in_dim3A_51 : vector<256x1xf32> to vector<256x2048xf32>
    %sub3A_53 = arith.subf %mul3A_48, %sub3A_52 : vector<256x2048xf32>
    %exp3A_54 = math.exp %sub3A_53 : vector<256x2048xf32>
    %reduce_sum3A_55 = arith.constant dense<0.000000e+00> : vector<256xf32>
    %reduce_sum3A_56 = vector.multi_reduction <add>, %exp3A_54, %reduce_sum3A_55 [1] : vector<256x2048xf32> to vector<256xf32>
    %broadcast_in_dim3A_57 = vector.shape_cast %reduce_sum3A_56 : vector<256xf32> to vector<256x1xf32>
    %div3A_58 = vector.broadcast %broadcast_in_dim3A_57 : vector<256x1xf32> to vector<256x2048xf32>
    %div3A_59 = arith.divf %exp3A_54, %div3A_58 : vector<256x2048xf32>
    %dot_general3A_60 = arith.constant dense<0.000000e+00> : vector<256x64xf32>
    %dot_general3A_61 = tpu.matmul %div3A_59, %slice3A_43, %dot_general3A_60 {dimension_numbers = #tpu.dot_dimension_numbers<[1], [0], [0], [1], [0, 0, 1, 1], [], []>, transpose_lhs_hint = false} : vector<256x2048xf32>, vector<2048x64xf32>, vector<256x64xf32> -> vector<256x64xf32>
    %slice3A_62 = vector.extract_strided_slice %get3A_1 {offsets = [0, 192], sizes = [256, 64], strides = [1, 1]} : vector<256x1024xf32> to vector<256x64xf32>
    %slice3A_63 = vector.extract_strided_slice %get3A_4 {offsets = [0, 0], sizes = [2048, 64], strides = [1, 1]} : vector<2048x256xf32> to vector<2048x64xf32>
    %slice3A_64 = vector.extract_strided_slice %get3A_7 {offsets = [0, 0], sizes = [2048, 64], strides = [1, 1]} : vector<2048x256xf32> to vector<2048x64xf32>
    %dot_general3A_65 = arith.constant dense<0.000000e+00> : vector<256x2048xf32>
    %dot_general3A_66 = tpu.matmul %slice3A_62, %slice3A_63, %dot_general3A_65 {dimension_numbers = #tpu.dot_dimension_numbers<[1], [1], [0], [0], [0, 0, 1, 0], [], []>, transpose_lhs_hint = false} : vector<256x64xf32>, vector<2048x64xf32>, vector<256x2048xf32> -> vector<256x2048xf32>
    %mul3A_67 = arith.constant 1.250000e-01 : f32
    %mul3A_68 = vector.broadcast %mul3A_67 : f32 to vector<256x2048xf32>
    %mul3A_69 = arith.mulf %dot_general3A_66, %mul3A_68 : vector<256x2048xf32>
    %reduce_max3A_70 = arith.constant dense<0xFF800000> : vector<256xf32>
    %reduce_max3A_71 = vector.multi_reduction <maximumf>, %mul3A_69, %reduce_max3A_70 [1] : vector<256x2048xf32> to vector<256xf32>
    %broadcast_in_dim3A_72 = vector.shape_cast %reduce_max3A_71 : vector<256xf32> to vector<256x1xf32>
    %sub3A_73 = vector.broadcast %broadcast_in_dim3A_72 : vector<256x1xf32> to vector<256x2048xf32>
    %sub3A_74 = arith.subf %mul3A_69, %sub3A_73 : vector<256x2048xf32>
    %exp3A_75 = math.exp %sub3A_74 : vector<256x2048xf32>
    %reduce_sum3A_76 = arith.constant dense<0.000000e+00> : vector<256xf32>
    %reduce_sum3A_77 = vector.multi_reduction <add>, %exp3A_75, %reduce_sum3A_76 [1] : vector<256x2048xf32> to vector<256xf32>
    %broadcast_in_dim3A_78 = vector.shape_cast %reduce_sum3A_77 : vector<256xf32> to vector<256x1xf32>
    %div3A_79 = vector.broadcast %broadcast_in_dim3A_78 : vector<256x1xf32> to vector<256x2048xf32>
    %div3A_80 = arith.divf %exp3A_75, %div3A_79 : vector<256x2048xf32>
    %dot_general3A_81 = arith.constant dense<0.000000e+00> : vector<256x64xf32>
    %dot_general3A_82 = tpu.matmul %div3A_80, %slice3A_64, %dot_general3A_81 {dimension_numbers = #tpu.dot_dimension_numbers<[1], [0], [0], [1], [0, 0, 1, 1], [], []>, transpose_lhs_hint = false} : vector<256x2048xf32>, vector<2048x64xf32>, vector<256x64xf32> -> vector<256x64xf32>
    %slice3A_83 = vector.extract_strided_slice %get3A_1 {offsets = [0, 256], sizes = [256, 64], strides = [1, 1]} : vector<256x1024xf32> to vector<256x64xf32>
    %slice3A_84 = vector.extract_strided_slice %get3A_4 {offsets = [0, 64], sizes = [2048, 64], strides = [1, 1]} : vector<2048x256xf32> to vector<2048x64xf32>
    %slice3A_85 = vector.extract_strided_slice %get3A_7 {offsets = [0, 64], sizes = [2048, 64], strides = [1, 1]} : vector<2048x256xf32> to vector<2048x64xf32>
    %dot_general3A_86 = arith.constant dense<0.000000e+00> : vector<256x2048xf32>
    %dot_general3A_87 = tpu.matmul %slice3A_83, %slice3A_84, %dot_general3A_86 {dimension_numbers = #tpu.dot_dimension_numbers<[1], [1], [0], [0], [0, 0, 1, 0], [], []>, transpose_lhs_hint = false} : vector<256x64xf32>, vector<2048x64xf32>, vector<256x2048xf32> -> vector<256x2048xf32>
    %mul3A_88 = arith.constant 1.250000e-01 : f32
    %mul3A_89 = vector.broadcast %mul3A_88 : f32 to vector<256x2048xf32>
    %mul3A_90 = arith.mulf %dot_general3A_87, %mul3A_89 : vector<256x2048xf32>
    %reduce_max3A_91 = arith.constant dense<0xFF800000> : vector<256xf32>
    %reduce_max3A_92 = vector.multi_reduction <maximumf>, %mul3A_90, %reduce_max3A_91 [1] : vector<256x2048xf32> to vector<256xf32>
    %broadcast_in_dim3A_93 = vector.shape_cast %reduce_max3A_92 : vector<256xf32> to vector<256x1xf32>
    %sub3A_94 = vector.broadcast %broadcast_in_dim3A_93 : vector<256x1xf32> to vector<256x2048xf32>
    %sub3A_95 = arith.subf %mul3A_90, %sub3A_94 : vector<256x2048xf32>
    %exp3A_96 = math.exp %sub3A_95 : vector<256x2048xf32>
    %reduce_sum3A_97 = arith.constant dense<0.000000e+00> : vector<256xf32>
    %reduce_sum3A_98 = vector.multi_reduction <add>, %exp3A_96, %reduce_sum3A_97 [1] : vector<256x2048xf32> to vector<256xf32>
    %broadcast_in_dim3A_99 = vector.shape_cast %reduce_sum3A_98 : vector<256xf32> to vector<256x1xf32>
    %div3A_100 = vector.broadcast %broadcast_in_dim3A_99 : vector<256x1xf32> to vector<256x2048xf32>
    %div3A_101 = arith.divf %exp3A_96, %div3A_100 : vector<256x2048xf32>
    %dot_general3A_102 = arith.constant dense<0.000000e+00> : vector<256x64xf32>
    %dot_general3A_103 = tpu.matmul %div3A_101, %slice3A_85, %dot_general3A_102 {dimension_numbers = #tpu.dot_dimension_numbers<[1], [0], [0], [1], [0, 0, 1, 1], [], []>, transpose_lhs_hint = false} : vector<256x2048xf32>, vector<2048x64xf32>, vector<256x64xf32> -> vector<256x64xf32>
    %slice3A_104 = vector.extract_strided_slice %get3A_1 {offsets = [0, 320], sizes = [256, 64], strides = [1, 1]} : vector<256x1024xf32> to vector<256x64xf32>
    %slice3A_105 = vector.extract_strided_slice %get3A_4 {offsets = [0, 64], sizes = [2048, 64], strides = [1, 1]} : vector<2048x256xf32> to vector<2048x64xf32>
    %slice3A_106 = vector.extract_strided_slice %get3A_7 {offsets = [0, 64], sizes = [2048, 64], strides = [1, 1]} : vector<2048x256xf32> to vector<2048x64xf32>
    %dot_general3A_107 = arith.constant dense<0.000000e+00> : vector<256x2048xf32>
    %dot_general3A_108 = tpu.matmul %slice3A_104, %slice3A_105, %dot_general3A_107 {dimension_numbers = #tpu.dot_dimension_numbers<[1], [1], [0], [0], [0, 0, 1, 0], [], []>, transpose_lhs_hint = false} : vector<256x64xf32>, vector<2048x64xf32>, vector<256x2048xf32> -> vector<256x2048xf32>
    %mul3A_109 = arith.constant 1.250000e-01 : f32
    %mul3A_110 = vector.broadcast %mul3A_109 : f32 to vector<256x2048xf32>
    %mul3A_111 = arith.mulf %dot_general3A_108, %mul3A_110 : vector<256x2048xf32>
    %reduce_max3A_112 = arith.constant dense<0xFF800000> : vector<256xf32>
    %reduce_max3A_113 = vector.multi_reduction <maximumf>, %mul3A_111, %reduce_max3A_112 [1] : vector<256x2048xf32> to vector<256xf32>
    %broadcast_in_dim3A_114 = vector.shape_cast %reduce_max3A_113 : vector<256xf32> to vector<256x1xf32>
    %sub3A_115 = vector.broadcast %broadcast_in_dim3A_114 : vector<256x1xf32> to vector<256x2048xf32>
    %sub3A_116 = arith.subf %mul3A_111, %sub3A_115 : vector<256x2048xf32>
    %exp3A_117 = math.exp %sub3A_116 : vector<256x2048xf32>
    %reduce_sum3A_118 = arith.constant dense<0.000000e+00> : vector<256xf32>
    %reduce_sum3A_119 = vector.multi_reduction <add>, %exp3A_117, %reduce_sum3A_118 [1] : vector<256x2048xf32> to vector<256xf32>
    %broadcast_in_dim3A_120 = vector.shape_cast %reduce_sum3A_119 : vector<256xf32> to vector<256x1xf32>
    %div3A_121 = vector.broadcast %broadcast_in_dim3A_120 : vector<256x1xf32> to vector<256x2048xf32>
    %div3A_122 = arith.divf %exp3A_117, %div3A_121 : vector<256x2048xf32>
    %dot_general3A_123 = arith.constant dense<0.000000e+00> : vector<256x64xf32>
    %dot_general3A_124 = tpu.matmul %div3A_122, %slice3A_106, %dot_general3A_123 {dimension_numbers = #tpu.dot_dimension_numbers<[1], [0], [0], [1], [0, 0, 1, 1], [], []>, transpose_lhs_hint = false} : vector<256x2048xf32>, vector<2048x64xf32>, vector<256x64xf32> -> vector<256x64xf32>
    %slice3A_125 = vector.extract_strided_slice %get3A_1 {offsets = [0, 384], sizes = [256, 64], strides = [1, 1]} : vector<256x1024xf32> to vector<256x64xf32>
    %slice3A_126 = vector.extract_strided_slice %get3A_4 {offsets = [0, 64], sizes = [2048, 64], strides = [1, 1]} : vector<2048x256xf32> to vector<2048x64xf32>
    %slice3A_127 = vector.extract_strided_slice %get3A_7 {offsets = [0, 64], sizes = [2048, 64], strides = [1, 1]} : vector<2048x256xf32> to vector<2048x64xf32>
    %dot_general3A_128 = arith.constant dense<0.000000e+00> : vector<256x2048xf32>
    %dot_general3A_129 = tpu.matmul %slice3A_125, %slice3A_126, %dot_general3A_128 {dimension_numbers = #tpu.dot_dimension_numbers<[1], [1], [0], [0], [0, 0, 1, 0], [], []>, transpose_lhs_hint = false} : vector<256x64xf32>, vector<2048x64xf32>, vector<256x2048xf32> -> vector<256x2048xf32>
    %mul3A_130 = arith.constant 1.250000e-01 : f32
    %mul3A_131 = vector.broadcast %mul3A_130 : f32 to vector<256x2048xf32>
    %mul3A_132 = arith.mulf %dot_general3A_129, %mul3A_131 : vector<256x2048xf32>
    %reduce_max3A_133 = arith.constant dense<0xFF800000> : vector<256xf32>
    %reduce_max3A_134 = vector.multi_reduction <maximumf>, %mul3A_132, %reduce_max3A_133 [1] : vector<256x2048xf32> to vector<256xf32>
    %broadcast_in_dim3A_135 = vector.shape_cast %reduce_max3A_134 : vector<256xf32> to vector<256x1xf32>
    %sub3A_136 = vector.broadcast %broadcast_in_dim3A_135 : vector<256x1xf32> to vector<256x2048xf32>
    %sub3A_137 = arith.subf %mul3A_132, %sub3A_136 : vector<256x2048xf32>
    %exp3A_138 = math.exp %sub3A_137 : vector<256x2048xf32>
    %reduce_sum3A_139 = arith.constant dense<0.000000e+00> : vector<256xf32>
    %reduce_sum3A_140 = vector.multi_reduction <add>, %exp3A_138, %reduce_sum3A_139 [1] : vector<256x2048xf32> to vector<256xf32>
    %broadcast_in_dim3A_141 = vector.shape_cast %reduce_sum3A_140 : vector<256xf32> to vector<256x1xf32>
    %div3A_142 = vector.broadcast %broadcast_in_dim3A_141 : vector<256x1xf32> to vector<256x2048xf32>
    %div3A_143 = arith.divf %exp3A_138, %div3A_142 : vector<256x2048xf32>
    %dot_general3A_144 = arith.constant dense<0.000000e+00> : vector<256x64xf32>
    %dot_general3A_145 = tpu.matmul %div3A_143, %slice3A_127, %dot_general3A_144 {dimension_numbers = #tpu.dot_dimension_numbers<[1], [0], [0], [1], [0, 0, 1, 1], [], []>, transpose_lhs_hint = false} : vector<256x2048xf32>, vector<2048x64xf32>, vector<256x64xf32> -> vector<256x64xf32>
    %slice3A_146 = vector.extract_strided_slice %get3A_1 {offsets = [0, 448], sizes = [256, 64], strides = [1, 1]} : vector<256x1024xf32> to vector<256x64xf32>
    %slice3A_147 = vector.extract_strided_slice %get3A_4 {offsets = [0, 64], sizes = [2048, 64], strides = [1, 1]} : vector<2048x256xf32> to vector<2048x64xf32>
    %slice3A_148 = vector.extract_strided_slice %get3A_7 {offsets = [0, 64], sizes = [2048, 64], strides = [1, 1]} : vector<2048x256xf32> to vector<2048x64xf32>
    %dot_general3A_149 = arith.constant dense<0.000000e+00> : vector<256x2048xf32>
    %dot_general3A_150 = tpu.matmul %slice3A_146, %slice3A_147, %dot_general3A_149 {dimension_numbers = #tpu.dot_dimension_numbers<[1], [1], [0], [0], [0, 0, 1, 0], [], []>, transpose_lhs_hint = false} : vector<256x64xf32>, vector<2048x64xf32>, vector<256x2048xf32> -> vector<256x2048xf32>
    %mul3A_151 = arith.constant 1.250000e-01 : f32
    %mul3A_152 = vector.broadcast %mul3A_151 : f32 to vector<256x2048xf32>
    %mul3A_153 = arith.mulf %dot_general3A_150, %mul3A_152 : vector<256x2048xf32>
    %reduce_max3A_154 = arith.constant dense<0xFF800000> : vector<256xf32>
    %reduce_max3A_155 = vector.multi_reduction <maximumf>, %mul3A_153, %reduce_max3A_154 [1] : vector<256x2048xf32> to vector<256xf32>
    %broadcast_in_dim3A_156 = vector.shape_cast %reduce_max3A_155 : vector<256xf32> to vector<256x1xf32>
    %sub3A_157 = vector.broadcast %broadcast_in_dim3A_156 : vector<256x1xf32> to vector<256x2048xf32>
    %sub3A_158 = arith.subf %mul3A_153, %sub3A_157 : vector<256x2048xf32>
    %exp3A_159 = math.exp %sub3A_158 : vector<256x2048xf32>
    %reduce_sum3A_160 = arith.constant dense<0.000000e+00> : vector<256xf32>
    %reduce_sum3A_161 = vector.multi_reduction <add>, %exp3A_159, %reduce_sum3A_160 [1] : vector<256x2048xf32> to vector<256xf32>
    %broadcast_in_dim3A_162 = vector.shape_cast %reduce_sum3A_161 : vector<256xf32> to vector<256x1xf32>
    %div3A_163 = vector.broadcast %broadcast_in_dim3A_162 : vector<256x1xf32> to vector<256x2048xf32>
    %div3A_164 = arith.divf %exp3A_159, %div3A_163 : vector<256x2048xf32>
    %dot_general3A_165 = arith.constant dense<0.000000e+00> : vector<256x64xf32>
    %dot_general3A_166 = tpu.matmul %div3A_164, %slice3A_148, %dot_general3A_165 {dimension_numbers = #tpu.dot_dimension_numbers<[1], [0], [0], [1], [0, 0, 1, 1], [], []>, transpose_lhs_hint = false} : vector<256x2048xf32>, vector<2048x64xf32>, vector<256x64xf32> -> vector<256x64xf32>
    %slice3A_167 = vector.extract_strided_slice %get3A_1 {offsets = [0, 512], sizes = [256, 64], strides = [1, 1]} : vector<256x1024xf32> to vector<256x64xf32>
    %slice3A_168 = vector.extract_strided_slice %get3A_4 {offsets = [0, 128], sizes = [2048, 64], strides = [1, 1]} : vector<2048x256xf32> to vector<2048x64xf32>
    %slice3A_169 = vector.extract_strided_slice %get3A_7 {offsets = [0, 128], sizes = [2048, 64], strides = [1, 1]} : vector<2048x256xf32> to vector<2048x64xf32>
    %dot_general3A_170 = arith.constant dense<0.000000e+00> : vector<256x2048xf32>
    %dot_general3A_171 = tpu.matmul %slice3A_167, %slice3A_168, %dot_general3A_170 {dimension_numbers = #tpu.dot_dimension_numbers<[1], [1], [0], [0], [0, 0, 1, 0], [], []>, transpose_lhs_hint = false} : vector<256x64xf32>, vector<2048x64xf32>, vector<256x2048xf32> -> vector<256x2048xf32>
    %mul3A_172 = arith.constant 1.250000e-01 : f32
    %mul3A_173 = vector.broadcast %mul3A_172 : f32 to vector<256x2048xf32>
    %mul3A_174 = arith.mulf %dot_general3A_171, %mul3A_173 : vector<256x2048xf32>
    %reduce_max3A_175 = arith.constant dense<0xFF800000> : vector<256xf32>
    %reduce_max3A_176 = vector.multi_reduction <maximumf>, %mul3A_174, %reduce_max3A_175 [1] : vector<256x2048xf32> to vector<256xf32>
    %broadcast_in_dim3A_177 = vector.shape_cast %reduce_max3A_176 : vector<256xf32> to vector<256x1xf32>
    %sub3A_178 = vector.broadcast %broadcast_in_dim3A_177 : vector<256x1xf32> to vector<256x2048xf32>
    %sub3A_179 = arith.subf %mul3A_174, %sub3A_178 : vector<256x2048xf32>
    %exp3A_180 = math.exp %sub3A_179 : vector<256x2048xf32>
    %reduce_sum3A_181 = arith.constant dense<0.000000e+00> : vector<256xf32>
    %reduce_sum3A_182 = vector.multi_reduction <add>, %exp3A_180, %reduce_sum3A_181 [1] : vector<256x2048xf32> to vector<256xf32>
    %broadcast_in_dim3A_183 = vector.shape_cast %reduce_sum3A_182 : vector<256xf32> to vector<256x1xf32>
    %div3A_184 = vector.broadcast %broadcast_in_dim3A_183 : vector<256x1xf32> to vector<256x2048xf32>
    %div3A_185 = arith.divf %exp3A_180, %div3A_184 : vector<256x2048xf32>
    %dot_general3A_186 = arith.constant dense<0.000000e+00> : vector<256x64xf32>
    %dot_general3A_187 = tpu.matmul %div3A_185, %slice3A_169, %dot_general3A_186 {dimension_numbers = #tpu.dot_dimension_numbers<[1], [0], [0], [1], [0, 0, 1, 1], [], []>, transpose_lhs_hint = false} : vector<256x2048xf32>, vector<2048x64xf32>, vector<256x64xf32> -> vector<256x64xf32>
    %slice3A_188 = vector.extract_strided_slice %get3A_1 {offsets = [0, 576], sizes = [256, 64], strides = [1, 1]} : vector<256x1024xf32> to vector<256x64xf32>
    %slice3A_189 = vector.extract_strided_slice %get3A_4 {offsets = [0, 128], sizes = [2048, 64], strides = [1, 1]} : vector<2048x256xf32> to vector<2048x64xf32>
    %slice3A_190 = vector.extract_strided_slice %get3A_7 {offsets = [0, 128], sizes = [2048, 64], strides = [1, 1]} : vector<2048x256xf32> to vector<2048x64xf32>
    %dot_general3A_191 = arith.constant dense<0.000000e+00> : vector<256x2048xf32>
    %dot_general3A_192 = tpu.matmul %slice3A_188, %slice3A_189, %dot_general3A_191 {dimension_numbers = #tpu.dot_dimension_numbers<[1], [1], [0], [0], [0, 0, 1, 0], [], []>, transpose_lhs_hint = false} : vector<256x64xf32>, vector<2048x64xf32>, vector<256x2048xf32> -> vector<256x2048xf32>
    %mul3A_193 = arith.constant 1.250000e-01 : f32
    %mul3A_194 = vector.broadcast %mul3A_193 : f32 to vector<256x2048xf32>
    %mul3A_195 = arith.mulf %dot_general3A_192, %mul3A_194 : vector<256x2048xf32>
    %reduce_max3A_196 = arith.constant dense<0xFF800000> : vector<256xf32>
    %reduce_max3A_197 = vector.multi_reduction <maximumf>, %mul3A_195, %reduce_max3A_196 [1] : vector<256x2048xf32> to vector<256xf32>
    %broadcast_in_dim3A_198 = vector.shape_cast %reduce_max3A_197 : vector<256xf32> to vector<256x1xf32>
    %sub3A_199 = vector.broadcast %broadcast_in_dim3A_198 : vector<256x1xf32> to vector<256x2048xf32>
    %sub3A_200 = arith.subf %mul3A_195, %sub3A_199 : vector<256x2048xf32>
    %exp3A_201 = math.exp %sub3A_200 : vector<256x2048xf32>
    %reduce_sum3A_202 = arith.constant dense<0.000000e+00> : vector<256xf32>
    %reduce_sum3A_203 = vector.multi_reduction <add>, %exp3A_201, %reduce_sum3A_202 [1] : vector<256x2048xf32> to vector<256xf32>
    %broadcast_in_dim3A_204 = vector.shape_cast %reduce_sum3A_203 : vector<256xf32> to vector<256x1xf32>
    %div3A_205 = vector.broadcast %broadcast_in_dim3A_204 : vector<256x1xf32> to vector<256x2048xf32>
    %div3A_206 = arith.divf %exp3A_201, %div3A_205 : vector<256x2048xf32>
    %dot_general3A_207 = arith.constant dense<0.000000e+00> : vector<256x64xf32>
    %dot_general3A_208 = tpu.matmul %div3A_206, %slice3A_190, %dot_general3A_207 {dimension_numbers = #tpu.dot_dimension_numbers<[1], [0], [0], [1], [0, 0, 1, 1], [], []>, transpose_lhs_hint = false} : vector<256x2048xf32>, vector<2048x64xf32>, vector<256x64xf32> -> vector<256x64xf32>
    %slice3A_209 = vector.extract_strided_slice %get3A_1 {offsets = [0, 640], sizes = [256, 64], strides = [1, 1]} : vector<256x1024xf32> to vector<256x64xf32>
    %slice3A_210 = vector.extract_strided_slice %get3A_4 {offsets = [0, 128], sizes = [2048, 64], strides = [1, 1]} : vector<2048x256xf32> to vector<2048x64xf32>
    %slice3A_211 = vector.extract_strided_slice %get3A_7 {offsets = [0, 128], sizes = [2048, 64], strides = [1, 1]} : vector<2048x256xf32> to vector<2048x64xf32>
    %dot_general3A_212 = arith.constant dense<0.000000e+00> : vector<256x2048xf32>
    %dot_general3A_213 = tpu.matmul %slice3A_209, %slice3A_210, %dot_general3A_212 {dimension_numbers = #tpu.dot_dimension_numbers<[1], [1], [0], [0], [0, 0, 1, 0], [], []>, transpose_lhs_hint = false} : vector<256x64xf32>, vector<2048x64xf32>, vector<256x2048xf32> -> vector<256x2048xf32>
    %mul3A_214 = arith.constant 1.250000e-01 : f32
    %mul3A_215 = vector.broadcast %mul3A_214 : f32 to vector<256x2048xf32>
    %mul3A_216 = arith.mulf %dot_general3A_213, %mul3A_215 : vector<256x2048xf32>
    %reduce_max3A_217 = arith.constant dense<0xFF800000> : vector<256xf32>
    %reduce_max3A_218 = vector.multi_reduction <maximumf>, %mul3A_216, %reduce_max3A_217 [1] : vector<256x2048xf32> to vector<256xf32>
    %broadcast_in_dim3A_219 = vector.shape_cast %reduce_max3A_218 : vector<256xf32> to vector<256x1xf32>
    %sub3A_220 = vector.broadcast %broadcast_in_dim3A_219 : vector<256x1xf32> to vector<256x2048xf32>
    %sub3A_221 = arith.subf %mul3A_216, %sub3A_220 : vector<256x2048xf32>
    %exp3A_222 = math.exp %sub3A_221 : vector<256x2048xf32>
    %reduce_sum3A_223 = arith.constant dense<0.000000e+00> : vector<256xf32>
    %reduce_sum3A_224 = vector.multi_reduction <add>, %exp3A_222, %reduce_sum3A_223 [1] : vector<256x2048xf32> to vector<256xf32>
    %broadcast_in_dim3A_225 = vector.shape_cast %reduce_sum3A_224 : vector<256xf32> to vector<256x1xf32>
    %div3A_226 = vector.broadcast %broadcast_in_dim3A_225 : vector<256x1xf32> to vector<256x2048xf32>
    %div3A_227 = arith.divf %exp3A_222, %div3A_226 : vector<256x2048xf32>
    %dot_general3A_228 = arith.constant dense<0.000000e+00> : vector<256x64xf32>
    %dot_general3A_229 = tpu.matmul %div3A_227, %slice3A_211, %dot_general3A_228 {dimension_numbers = #tpu.dot_dimension_numbers<[1], [0], [0], [1], [0, 0, 1, 1], [], []>, transpose_lhs_hint = false} : vector<256x2048xf32>, vector<2048x64xf32>, vector<256x64xf32> -> vector<256x64xf32>
    %slice3A_230 = vector.extract_strided_slice %get3A_1 {offsets = [0, 704], sizes = [256, 64], strides = [1, 1]} : vector<256x1024xf32> to vector<256x64xf32>
    %slice3A_231 = vector.extract_strided_slice %get3A_4 {offsets = [0, 128], sizes = [2048, 64], strides = [1, 1]} : vector<2048x256xf32> to vector<2048x64xf32>
    %slice3A_232 = vector.extract_strided_slice %get3A_7 {offsets = [0, 128], sizes = [2048, 64], strides = [1, 1]} : vector<2048x256xf32> to vector<2048x64xf32>
    %dot_general3A_233 = arith.constant dense<0.000000e+00> : vector<256x2048xf32>
    %dot_general3A_234 = tpu.matmul %slice3A_230, %slice3A_231, %dot_general3A_233 {dimension_numbers = #tpu.dot_dimension_numbers<[1], [1], [0], [0], [0, 0, 1, 0], [], []>, transpose_lhs_hint = false} : vector<256x64xf32>, vector<2048x64xf32>, vector<256x2048xf32> -> vector<256x2048xf32>
    %mul3A_235 = arith.constant 1.250000e-01 : f32
    %mul3A_236 = vector.broadcast %mul3A_235 : f32 to vector<256x2048xf32>
    %mul3A_237 = arith.mulf %dot_general3A_234, %mul3A_236 : vector<256x2048xf32>
    %reduce_max3A_238 = arith.constant dense<0xFF800000> : vector<256xf32>
    %reduce_max3A_239 = vector.multi_reduction <maximumf>, %mul3A_237, %reduce_max3A_238 [1] : vector<256x2048xf32> to vector<256xf32>
    %broadcast_in_dim3A_240 = vector.shape_cast %reduce_max3A_239 : vector<256xf32> to vector<256x1xf32>
    %sub3A_241 = vector.broadcast %broadcast_in_dim3A_240 : vector<256x1xf32> to vector<256x2048xf32>
    %sub3A_242 = arith.subf %mul3A_237, %sub3A_241 : vector<256x2048xf32>
    %exp3A_243 = math.exp %sub3A_242 : vector<256x2048xf32>
    %reduce_sum3A_244 = arith.constant dense<0.000000e+00> : vector<256xf32>
    %reduce_sum3A_245 = vector.multi_reduction <add>, %exp3A_243, %reduce_sum3A_244 [1] : vector<256x2048xf32> to vector<256xf32>
    %broadcast_in_dim3A_246 = vector.shape_cast %reduce_sum3A_245 : vector<256xf32> to vector<256x1xf32>
    %div3A_247 = vector.broadcast %broadcast_in_dim3A_246 : vector<256x1xf32> to vector<256x2048xf32>
    %div3A_248 = arith.divf %exp3A_243, %div3A_247 : vector<256x2048xf32>
    %dot_general3A_249 = arith.constant dense<0.000000e+00> : vector<256x64xf32>
    %dot_general3A_250 = tpu.matmul %div3A_248, %slice3A_232, %dot_general3A_249 {dimension_numbers = #tpu.dot_dimension_numbers<[1], [0], [0], [1], [0, 0, 1, 1], [], []>, transpose_lhs_hint = false} : vector<256x2048xf32>, vector<2048x64xf32>, vector<256x64xf32> -> vector<256x64xf32>
    %slice3A_251 = vector.extract_strided_slice %get3A_1 {offsets = [0, 768], sizes = [256, 64], strides = [1, 1]} : vector<256x1024xf32> to vector<256x64xf32>
    %slice3A_252 = vector.extract_strided_slice %get3A_4 {offsets = [0, 192], sizes = [2048, 64], strides = [1, 1]} : vector<2048x256xf32> to vector<2048x64xf32>
    %slice3A_253 = vector.extract_strided_slice %get3A_7 {offsets = [0, 192], sizes = [2048, 64], strides = [1, 1]} : vector<2048x256xf32> to vector<2048x64xf32>
    %dot_general3A_254 = arith.constant dense<0.000000e+00> : vector<256x2048xf32>
    %dot_general3A_255 = tpu.matmul %slice3A_251, %slice3A_252, %dot_general3A_254 {dimension_numbers = #tpu.dot_dimension_numbers<[1], [1], [0], [0], [0, 0, 1, 0], [], []>, transpose_lhs_hint = false} : vector<256x64xf32>, vector<2048x64xf32>, vector<256x2048xf32> -> vector<256x2048xf32>
    %mul3A_256 = arith.constant 1.250000e-01 : f32
    %mul3A_257 = vector.broadcast %mul3A_256 : f32 to vector<256x2048xf32>
    %mul3A_258 = arith.mulf %dot_general3A_255, %mul3A_257 : vector<256x2048xf32>
    %reduce_max3A_259 = arith.constant dense<0xFF800000> : vector<256xf32>
    %reduce_max3A_260 = vector.multi_reduction <maximumf>, %mul3A_258, %reduce_max3A_259 [1] : vector<256x2048xf32> to vector<256xf32>
    %broadcast_in_dim3A_261 = vector.shape_cast %reduce_max3A_260 : vector<256xf32> to vector<256x1xf32>
    %sub3A_262 = vector.broadcast %broadcast_in_dim3A_261 : vector<256x1xf32> to vector<256x2048xf32>
    %sub3A_263 = arith.subf %mul3A_258, %sub3A_262 : vector<256x2048xf32>
    %exp3A_264 = math.exp %sub3A_263 : vector<256x2048xf32>
    %reduce_sum3A_265 = arith.constant dense<0.000000e+00> : vector<256xf32>
    %reduce_sum3A_266 = vector.multi_reduction <add>, %exp3A_264, %reduce_sum3A_265 [1] : vector<256x2048xf32> to vector<256xf32>
    %broadcast_in_dim3A_267 = vector.shape_cast %reduce_sum3A_266 : vector<256xf32> to vector<256x1xf32>
    %div3A_268 = vector.broadcast %broadcast_in_dim3A_267 : vector<256x1xf32> to vector<256x2048xf32>
    %div3A_269 = arith.divf %exp3A_264, %div3A_268 : vector<256x2048xf32>
    %dot_general3A_270 = arith.constant dense<0.000000e+00> : vector<256x64xf32>
    %dot_general3A_271 = tpu.matmul %div3A_269, %slice3A_253, %dot_general3A_270 {dimension_numbers = #tpu.dot_dimension_numbers<[1], [0], [0], [1], [0, 0, 1, 1], [], []>, transpose_lhs_hint = false} : vector<256x2048xf32>, vector<2048x64xf32>, vector<256x64xf32> -> vector<256x64xf32>
    %slice3A_272 = vector.extract_strided_slice %get3A_1 {offsets = [0, 832], sizes = [256, 64], strides = [1, 1]} : vector<256x1024xf32> to vector<256x64xf32>
    %slice3A_273 = vector.extract_strided_slice %get3A_4 {offsets = [0, 192], sizes = [2048, 64], strides = [1, 1]} : vector<2048x256xf32> to vector<2048x64xf32>
    %slice3A_274 = vector.extract_strided_slice %get3A_7 {offsets = [0, 192], sizes = [2048, 64], strides = [1, 1]} : vector<2048x256xf32> to vector<2048x64xf32>
    %dot_general3A_275 = arith.constant dense<0.000000e+00> : vector<256x2048xf32>
    %dot_general3A_276 = tpu.matmul %slice3A_272, %slice3A_273, %dot_general3A_275 {dimension_numbers = #tpu.dot_dimension_numbers<[1], [1], [0], [0], [0, 0, 1, 0], [], []>, transpose_lhs_hint = false} : vector<256x64xf32>, vector<2048x64xf32>, vector<256x2048xf32> -> vector<256x2048xf32>
    %mul3A_277 = arith.constant 1.250000e-01 : f32
    %mul3A_278 = vector.broadcast %mul3A_277 : f32 to vector<256x2048xf32>
    %mul3A_279 = arith.mulf %dot_general3A_276, %mul3A_278 : vector<256x2048xf32>
    %reduce_max3A_280 = arith.constant dense<0xFF800000> : vector<256xf32>
    %reduce_max3A_281 = vector.multi_reduction <maximumf>, %mul3A_279, %reduce_max3A_280 [1] : vector<256x2048xf32> to vector<256xf32>
    %broadcast_in_dim3A_282 = vector.shape_cast %reduce_max3A_281 : vector<256xf32> to vector<256x1xf32>
    %sub3A_283 = vector.broadcast %broadcast_in_dim3A_282 : vector<256x1xf32> to vector<256x2048xf32>
    %sub3A_284 = arith.subf %mul3A_279, %sub3A_283 : vector<256x2048xf32>
    %exp3A_285 = math.exp %sub3A_284 : vector<256x2048xf32>
    %reduce_sum3A_286 = arith.constant dense<0.000000e+00> : vector<256xf32>
    %reduce_sum3A_287 = vector.multi_reduction <add>, %exp3A_285, %reduce_sum3A_286 [1] : vector<256x2048xf32> to vector<256xf32>
    %broadcast_in_dim3A_288 = vector.shape_cast %reduce_sum3A_287 : vector<256xf32> to vector<256x1xf32>
    %div3A_289 = vector.broadcast %broadcast_in_dim3A_288 : vector<256x1xf32> to vector<256x2048xf32>
    %div3A_290 = arith.divf %exp3A_285, %div3A_289 : vector<256x2048xf32>
    %dot_general3A_291 = arith.constant dense<0.000000e+00> : vector<256x64xf32>
    %dot_general3A_292 = tpu.matmul %div3A_290, %slice3A_274, %dot_general3A_291 {dimension_numbers = #tpu.dot_dimension_numbers<[1], [0], [0], [1], [0, 0, 1, 1], [], []>, transpose_lhs_hint = false} : vector<256x2048xf32>, vector<2048x64xf32>, vector<256x64xf32> -> vector<256x64xf32>
    %slice3A_293 = vector.extract_strided_slice %get3A_1 {offsets = [0, 896], sizes = [256, 64], strides = [1, 1]} : vector<256x1024xf32> to vector<256x64xf32>
    %slice3A_294 = vector.extract_strided_slice %get3A_4 {offsets = [0, 192], sizes = [2048, 64], strides = [1, 1]} : vector<2048x256xf32> to vector<2048x64xf32>
    %slice3A_295 = vector.extract_strided_slice %get3A_7 {offsets = [0, 192], sizes = [2048, 64], strides = [1, 1]} : vector<2048x256xf32> to vector<2048x64xf32>
    %dot_general3A_296 = arith.constant dense<0.000000e+00> : vector<256x2048xf32>
    %dot_general3A_297 = tpu.matmul %slice3A_293, %slice3A_294, %dot_general3A_296 {dimension_numbers = #tpu.dot_dimension_numbers<[1], [1], [0], [0], [0, 0, 1, 0], [], []>, transpose_lhs_hint = false} : vector<256x64xf32>, vector<2048x64xf32>, vector<256x2048xf32> -> vector<256x2048xf32>
    %mul3A_298 = arith.constant 1.250000e-01 : f32
    %mul3A_299 = vector.broadcast %mul3A_298 : f32 to vector<256x2048xf32>
    %mul3A_300 = arith.mulf %dot_general3A_297, %mul3A_299 : vector<256x2048xf32>
    %reduce_max3A_301 = arith.constant dense<0xFF800000> : vector<256xf32>
    %reduce_max3A_302 = vector.multi_reduction <maximumf>, %mul3A_300, %reduce_max3A_301 [1] : vector<256x2048xf32> to vector<256xf32>
    %broadcast_in_dim3A_303 = vector.shape_cast %reduce_max3A_302 : vector<256xf32> to vector<256x1xf32>
    %sub3A_304 = vector.broadcast %broadcast_in_dim3A_303 : vector<256x1xf32> to vector<256x2048xf32>
    %sub3A_305 = arith.subf %mul3A_300, %sub3A_304 : vector<256x2048xf32>
    %exp3A_306 = math.exp %sub3A_305 : vector<256x2048xf32>
    %reduce_sum3A_307 = arith.constant dense<0.000000e+00> : vector<256xf32>
    %reduce_sum3A_308 = vector.multi_reduction <add>, %exp3A_306, %reduce_sum3A_307 [1] : vector<256x2048xf32> to vector<256xf32>
    %broadcast_in_dim3A_309 = vector.shape_cast %reduce_sum3A_308 : vector<256xf32> to vector<256x1xf32>
    %div3A_310 = vector.broadcast %broadcast_in_dim3A_309 : vector<256x1xf32> to vector<256x2048xf32>
    %div3A_311 = arith.divf %exp3A_306, %div3A_310 : vector<256x2048xf32>
    %dot_general3A_312 = arith.constant dense<0.000000e+00> : vector<256x64xf32>
    %dot_general3A_313 = tpu.matmul %div3A_311, %slice3A_295, %dot_general3A_312 {dimension_numbers = #tpu.dot_dimension_numbers<[1], [0], [0], [1], [0, 0, 1, 1], [], []>, transpose_lhs_hint = false} : vector<256x2048xf32>, vector<2048x64xf32>, vector<256x64xf32> -> vector<256x64xf32>
    %slice3A_314 = vector.extract_strided_slice %get3A_1 {offsets = [0, 960], sizes = [256, 64], strides = [1, 1]} : vector<256x1024xf32> to vector<256x64xf32>
    %slice3A_315 = vector.extract_strided_slice %get3A_4 {offsets = [0, 192], sizes = [2048, 64], strides = [1, 1]} : vector<2048x256xf32> to vector<2048x64xf32>
    %slice3A_316 = vector.extract_strided_slice %get3A_7 {offsets = [0, 192], sizes = [2048, 64], strides = [1, 1]} : vector<2048x256xf32> to vector<2048x64xf32>
    %dot_general3A_317 = arith.constant dense<0.000000e+00> : vector<256x2048xf32>
    %dot_general3A_318 = tpu.matmul %slice3A_314, %slice3A_315, %dot_general3A_317 {dimension_numbers = #tpu.dot_dimension_numbers<[1], [1], [0], [0], [0, 0, 1, 0], [], []>, transpose_lhs_hint = false} : vector<256x64xf32>, vector<2048x64xf32>, vector<256x2048xf32> -> vector<256x2048xf32>
    %mul3A_319 = arith.constant 1.250000e-01 : f32
    %mul3A_320 = vector.broadcast %mul3A_319 : f32 to vector<256x2048xf32>
    %mul3A_321 = arith.mulf %dot_general3A_318, %mul3A_320 : vector<256x2048xf32>
    %reduce_max3A_322 = arith.constant dense<0xFF800000> : vector<256xf32>
    %reduce_max3A_323 = vector.multi_reduction <maximumf>, %mul3A_321, %reduce_max3A_322 [1] : vector<256x2048xf32> to vector<256xf32>
    %broadcast_in_dim3A_324 = vector.shape_cast %reduce_max3A_323 : vector<256xf32> to vector<256x1xf32>
    %sub3A_325 = vector.broadcast %broadcast_in_dim3A_324 : vector<256x1xf32> to vector<256x2048xf32>
    %sub3A_326 = arith.subf %mul3A_321, %sub3A_325 : vector<256x2048xf32>
    %exp3A_327 = math.exp %sub3A_326 : vector<256x2048xf32>
    %reduce_sum3A_328 = arith.constant dense<0.000000e+00> : vector<256xf32>
    %reduce_sum3A_329 = vector.multi_reduction <add>, %exp3A_327, %reduce_sum3A_328 [1] : vector<256x2048xf32> to vector<256xf32>
    %broadcast_in_dim3A_330 = vector.shape_cast %reduce_sum3A_329 : vector<256xf32> to vector<256x1xf32>
    %div3A_331 = vector.broadcast %broadcast_in_dim3A_330 : vector<256x1xf32> to vector<256x2048xf32>
    %div3A_332 = arith.divf %exp3A_327, %div3A_331 : vector<256x2048xf32>
    %dot_general3A_333 = arith.constant dense<0.000000e+00> : vector<256x64xf32>
    %dot_general3A_334 = tpu.matmul %div3A_332, %slice3A_316, %dot_general3A_333 {dimension_numbers = #tpu.dot_dimension_numbers<[1], [0], [0], [1], [0, 0, 1, 1], [], []>, transpose_lhs_hint = false} : vector<256x2048xf32>, vector<2048x64xf32>, vector<256x64xf32> -> vector<256x64xf32>
    %concatenate3A = tpu.concatenate %dot_general3A_19, %dot_general3A_40, %dot_general3A_61, %dot_general3A_82, %dot_general3A_103, %dot_general3A_124, %dot_general3A_145, %dot_general3A_166, %dot_general3A_187, %dot_general3A_208, %dot_general3A_229, %dot_general3A_250, %dot_general3A_271, %dot_general3A_292, %dot_general3A_313, %dot_general3A_334 in 1 : vector<256x64xf32>, vector<256x64xf32>, vector<256x64xf32>, vector<256x64xf32>, vector<256x64xf32>, vector<256x64xf32>, vector<256x64xf32>, vector<256x64xf32>, vector<256x64xf32>, vector<256x64xf32>, vector<256x64xf32>, vector<256x64xf32>, vector<256x64xf32>, vector<256x64xf32>, vector<256x64xf32>, vector<256x64xf32> -> vector<256x1024xf32>
    %get3A_335 = arith.constant 0 : index
    %get3A_336 = arith.constant 0 : index
    %get3A_337 = vector.load %arg5[%get3A_335, %get3A_336] : memref<1024x1024xf32, #tpu.memory_space<vmem>>, vector<1024x1024xf32>
    %dot_general3A_338 = arith.constant dense<0.000000e+00> : vector<256x1024xf32>
    %dot_general3A_339 = tpu.matmul %concatenate3A, %get3A_337, %dot_general3A_338 {dimension_numbers = #tpu.dot_dimension_numbers<[1], [1], [0], [0], [0, 0, 1, 0], [], []>, transpose_lhs_hint = false} : vector<256x1024xf32>, vector<1024x1024xf32>, vector<256x1024xf32> -> vector<256x1024xf32>
    %get3A_340 = arith.constant 0 : index
    %get3A_341 = arith.constant 0 : index
    %get3A_342 = vector.load %arg4[%get3A_340, %get3A_341] : memref<256x1024xf32, #tpu.memory_space<vmem>>, vector<256x1024xf32>
    %add3A = arith.addf %get3A_342, %dot_general3A_339 : vector<256x1024xf32>
    %swap3A = arith.constant 0 : index
    %swap3A_343 = arith.constant 0 : index
    %swap3A_344 = vector.load %arg8[%swap3A, %swap3A_343] : memref<256x1024xf32, #tpu.memory_space<vmem>>, vector<256x1024xf32>
    tpu.vector_store %arg8[%swap3A, %swap3A_343], %add3A {strides = array<i32>} : memref<256x1024xf32, #tpu.memory_space<vmem>>, vector<256x1024xf32>,
    %get3A_345 = arith.constant 0 : index
    %get3A_346 = vector.load %arg6[%get3A_345] : memref<1024xf32, #tpu.memory_space<vmem>>, vector<1024xf32>
    %mul3A_347 = arith.mulf %add3A, %add3A : vector<256x1024xf32>
    %reduce_sum3A_348 = arith.constant dense<0.000000e+00> : vector<256xf32>
    %reduce_sum3A_349 = vector.multi_reduction <add>, %mul3A_347, %reduce_sum3A_348 [1] : vector<256x1024xf32> to vector<256xf32>
    %broadcast_in_dim3A_350 = vector.shape_cast %reduce_sum3A_349 : vector<256xf32> to vector<256x1xf32>
    %div3A_351 = arith.constant 1.024000e+03 : f32
    %div3A_352 = vector.broadcast %div3A_351 : f32 to vector<256x1xf32>
    %div3A_353 = arith.divf %broadcast_in_dim3A_350, %div3A_352 : vector<256x1xf32>
    %add3A_354 = arith.constant 9.99999997E-7 : f32
    %add3A_355 = vector.broadcast %add3A_354 : f32 to vector<256x1xf32>
    %add3A_356 = arith.addf %div3A_353, %add3A_355 : vector<256x1xf32>
    %rsqrt3A = math.rsqrt %add3A_356 : vector<256x1xf32>
    %mul3A_357 = vector.broadcast %rsqrt3A : vector<256x1xf32> to vector<256x1024xf32>
    %mul3A_358 = arith.mulf %add3A, %mul3A_357 : vector<256x1024xf32>
    %broadcast_in_dim3A_359 = vector.shape_cast %get3A_346 : vector<1024xf32> to vector<1x1024xf32>
    %mul3A_360 = vector.broadcast %broadcast_in_dim3A_359 : vector<1x1024xf32> to vector<256x1024xf32>
    %mul3A_361 = arith.mulf %mul3A_358, %mul3A_360 : vector<256x1024xf32>
    %swap3A_362 = arith.constant 0 : index
    %swap3A_363 = arith.constant 0 : index
    %swap3A_364 = vector.load %arg9[%swap3A_362, %swap3A_363] : memref<256x1024xf32, #tpu.memory_space<vmem>>, vector<256x1024xf32>
    tpu.vector_store %arg9[%swap3A_362, %swap3A_363], %mul3A_361 {strides = array<i32>} : memref<256x1024xf32, #tpu.memory_space<vmem>>, vector<256x1024xf32>,
    %slice3A_365 = vector.extract_strided_slice %mul3A_361 {offsets = [0, 0], sizes = [256, 512], strides = [1, 1]} : vector<256x1024xf32> to vector<256x512xf32>
    %convert_element_type3A = arith.truncf %slice3A_365 : vector<256x512xf32> to vector<256x512xbf16>
    %bitcast_convert_type3A = tpu.bitcast %convert_element_type3A : vector<256x512xbf16> -> vector<256x512xi16>
    %convert_element_type3A_366 = arith.extui %bitcast_convert_type3A : vector<256x512xi16> to vector<256x512xi32>
    %slice3A_367 = vector.extract_strided_slice %mul3A_361 {offsets = [0, 512], sizes = [256, 512], strides = [1, 1]} : vector<256x1024xf32> to vector<256x512xf32>
    %convert_element_type3A_368 = arith.truncf %slice3A_367 : vector<256x512xf32> to vector<256x512xbf16>
    %bitcast_convert_type3A_369 = tpu.bitcast %convert_element_type3A_368 : vector<256x512xbf16> -> vector<256x512xi16>
    %convert_element_type3A_370 = arith.extui %bitcast_convert_type3A_369 : vector<256x512xi16> to vector<256x512xi32>
    %shift_left3A = arith.constant 16 : i32
    %shift_left3A_371 = vector.broadcast %shift_left3A : i32 to vector<256x512xi32>
    %shift_left3A_372 = arith.shli %convert_element_type3A_370, %shift_left3A_371 : vector<256x512xi32>
    %or3A = arith.ori %convert_element_type3A_366, %shift_left3A_372 : vector<256x512xi32>
    %swap3A_373 = arith.constant 0 : index
    %swap3A_374 = arith.constant 0 : index
    %swap3A_375 = vector.load %arg10[%swap3A_373, %swap3A_374] : memref<256x512xi32, #tpu.memory_space<vmem>>, vector<256x512xi32>
    tpu.vector_store %arg10[%swap3A_373, %swap3A_374], %or3A {strides = array<i32>} : memref<256x512xi32, #tpu.memory_space<vmem>>, vector<256x512xi32>,
    %get3A_376 = arith.constant 0 : index
    %get3A_377 = arith.constant 0 : index
    %get3A_378 = vector.load %arg7[%get3A_376, %get3A_377] : memref<8x1024xf32, #tpu.memory_space<vmem>>, vector<8x1024xf32>
    %dot_general3A_379 = arith.constant dense<0.000000e+00> : vector<256x8xf32>
    %dot_general3A_380 = tpu.matmul %mul3A_361, %get3A_378, %dot_general3A_379 {dimension_numbers = #tpu.dot_dimension_numbers<[1], [1], [0], [0], [0, 0, 1, 0], [], []>, transpose_lhs_hint = false} : vector<256x1024xf32>, vector<8x1024xf32>, vector<256x8xf32> -> vector<256x8xf32>
    %reduce_max3A_381 = arith.constant dense<0xFF800000> : vector<256xf32>
    %reduce_max3A_382 = vector.multi_reduction <maximumf>, %dot_general3A_380, %reduce_max3A_381 [1] : vector<256x8xf32> to vector<256xf32>
    %broadcast_in_dim3A_383 = vector.shape_cast %reduce_max3A_382 : vector<256xf32> to vector<256x1xf32>
    %sub3A_384 = vector.broadcast %broadcast_in_dim3A_383 : vector<256x1xf32> to vector<256x8xf32>
    %sub3A_385 = arith.subf %dot_general3A_380, %sub3A_384 : vector<256x8xf32>
    %exp3A_386 = math.exp %sub3A_385 : vector<256x8xf32>
    %reduce_sum3A_387 = arith.constant dense<0.000000e+00> : vector<256xf32>
    %reduce_sum3A_388 = vector.multi_reduction <add>, %exp3A_386, %reduce_sum3A_387 [1] : vector<256x8xf32> to vector<256xf32>
    %broadcast_in_dim3A_389 = vector.shape_cast %reduce_sum3A_388 : vector<256xf32> to vector<256x1xf32>
    %div3A_390 = vector.broadcast %broadcast_in_dim3A_389 : vector<256x1xf32> to vector<256x8xf32>
    %div3A_391 = arith.divf %exp3A_386, %div3A_390 : vector<256x8xf32>
    %iota3A = tpu.iota {dimensions = array<i32: 1>} : vector<256x8xi32>
    %reduce_max3A_392 = arith.constant dense<0xFF800000> : vector<256xf32>
    %reduce_max3A_393 = vector.multi_reduction <maximumf>, %div3A_391, %reduce_max3A_392 [1] : vector<256x8xf32> to vector<256xf32>
    %broadcast_in_dim3A_394 = vector.shape_cast %reduce_max3A_393 : vector<256xf32> to vector<256x1xf32>
    %eq3A = vector.broadcast %broadcast_in_dim3A_394 : vector<256x1xf32> to vector<256x8xf32>
    %eq3A_395 = arith.cmpf oeq, %div3A_391, %eq3A : vector<256x8xf32>
    %jit3A = arith.constant 8 : i32
    %broadcast_in_dim3A_396 = vector.broadcast %jit3A : i32 to vector<256x8xi32>
    %select_n3A = arith.select %eq3A_395, %iota3A, %broadcast_in_dim3A_396 : vector<256x8xi1>, vector<256x8xi32>
    %reduce_min3A = arith.constant dense<2147483647> : vector<256xi32>
    %reduce_min3A_397 = vector.multi_reduction <minsi>, %select_n3A, %reduce_min3A [1] : vector<256x8xi32> to vector<256xi32>
    %broadcast_in_dim3A_398 = vector.shape_cast %reduce_min3A_397 : vector<256xi32> to vector<256x1xi32>
    %eq3A_399 = vector.broadcast %broadcast_in_dim3A_398 : vector<256x1xi32> to vector<256x8xi32>
    %eq3A_400 = arith.cmpi eq, %iota3A, %eq3A_399 : vector<256x8xi32>
    %jit3A_401 = arith.constant 0xFF800000 : f32
    %broadcast_in_dim3A_402 = vector.broadcast %jit3A_401 : f32 to vector<256x8xf32>
    %select_n3A_403 = arith.select %eq3A_400, %broadcast_in_dim3A_402, %div3A_391 : vector<256x8xi1>, vector<256x8xf32>
    %reduce_max3A_404 = arith.constant dense<0xFF800000> : vector<256xf32>
    %reduce_max3A_405 = vector.multi_reduction <maximumf>, %select_n3A_403, %reduce_max3A_404 [1] : vector<256x8xf32> to vector<256xf32>
    %broadcast_in_dim3A_406 = vector.shape_cast %reduce_max3A_405 : vector<256xf32> to vector<256x1xf32>
    %eq3A_407 = vector.broadcast %broadcast_in_dim3A_406 : vector<256x1xf32> to vector<256x8xf32>
    %eq3A_408 = arith.cmpf oeq, %select_n3A_403, %eq3A_407 : vector<256x8xf32>
    %jit3A_409 = arith.constant 8 : i32
    %broadcast_in_dim3A_410 = vector.broadcast %jit3A_409 : i32 to vector<256x8xi32>
    %select_n3A_411 = arith.select %eq3A_408, %iota3A, %broadcast_in_dim3A_410 : vector<256x8xi1>, vector<256x8xi32>
    %reduce_min3A_412 = arith.constant dense<2147483647> : vector<256xi32>
    %reduce_min3A_413 = vector.multi_reduction <minsi>, %select_n3A_411, %reduce_min3A_412 [1] : vector<256x8xi32> to vector<256xi32>
    %broadcast_in_dim3A_414 = vector.shape_cast %reduce_min3A_413 : vector<256xi32> to vector<256x1xi32>
    %concatenate3A_415 = tpu.concatenate %broadcast_in_dim3A_394, %broadcast_in_dim3A_406 in 1 : vector<256x1xf32>, vector<256x1xf32> -> vector<256x2xf32>
    %swap3A_416 = arith.constant 0 : index
    %swap3A_417 = arith.constant 0 : index
    %swap3A_418 = vector.load %arg11[%swap3A_416, %swap3A_417] : memref<256x2xf32, #tpu.memory_space<vmem>>, vector<256x2xf32>
    tpu.vector_store %arg11[%swap3A_416, %swap3A_417], %concatenate3A_415 {strides = array<i32>} : memref<256x2xf32, #tpu.memory_space<vmem>>, vector<256x2xf32>,
    %concatenate3A_419 = tpu.concatenate %broadcast_in_dim3A_398, %broadcast_in_dim3A_414 in 1 : vector<256x1xi32>, vector<256x1xi32> -> vector<256x2xi32>
    %swap3A_420 = arith.constant 0 : index
    %swap3A_421 = arith.constant 0 : index
    %swap3A_422 = vector.load %arg12[%swap3A_420, %swap3A_421] : memref<256x2xi32, #tpu.memory_space<vmem>>, vector<256x2xi32>
    tpu.vector_store %arg12[%swap3A_420, %swap3A_421], %concatenate3A_419 {strides = array<i32>} : memref<256x2xi32, #tpu.memory_space<vmem>>, vector<256x2xi32>,
    return
  }
  func.func @transform_0(%arg0: i32) -> (i32, i32) {
    %c0_i32 = arith.constant 0 : i32
    %c0_i32_0 = arith.constant 0 : i32
    return %arg0, %c0_i32 : i32, i32
  }
  func.func @transform_1(%arg0: i32) -> (i32, i32) {
    %c0_i32 = arith.constant 0 : i32
    %c0_i32_0 = arith.constant 0 : i32
    %c0_i32_1 = arith.constant 0 : i32
    return %c0_i32, %c0_i32_0 : i32, i32
  }
  func.func @transform_2(%arg0: i32) -> (i32, i32) {
    %c0_i32 = arith.constant 0 : i32
    %c0_i32_0 = arith.constant 0 : i32
    %c0_i32_1 = arith.constant 0 : i32
    return %c0_i32, %c0_i32_0 : i32, i32
  }
  func.func @transform_3(%arg0: i32) -> (i32, i32) {
    %c0_i32 = arith.constant 0 : i32
    %c0_i32_0 = arith.constant 0 : i32
    return %arg0, %c0_i32 : i32, i32
  }
  func.func @transform_4(%arg0: i32) -> (i32, i32) {
    %c0_i32 = arith.constant 0 : i32
    %c0_i32_0 = arith.constant 0 : i32
    %c0_i32_1 = arith.constant 0 : i32
    return %c0_i32, %c0_i32_0 : i32, i32
  }
  func.func @transform_5(%arg0: i32) -> i32 {
    %c0_i32 = arith.constant 0 : i32
    %c0_i32_0 = arith.constant 0 : i32
    return %c0_i32 : i32
  }
  func.func @transform_6(%arg0: i32) -> (i32, i32) {
    %c0_i32 = arith.constant 0 : i32
    %c0_i32_0 = arith.constant 0 : i32
    %c0_i32_1 = arith.constant 0 : i32
    return %c0_i32, %c0_i32_0 : i32, i32
  }
  func.func @transform_7(%arg0: i32) -> (i32, i32) {
    %c0_i32 = arith.constant 0 : i32
    %c0_i32_0 = arith.constant 0 : i32
    return %arg0, %c0_i32 : i32, i32
  }
  func.func @transform_8(%arg0: i32) -> (i32, i32) {
    %c0_i32 = arith.constant 0 : i32
    %c0_i32_0 = arith.constant 0 : i32
    return %arg0, %c0_i32 : i32, i32
  }
  func.func @transform_9(%arg0: i32) -> (i32, i32) {
    %c0_i32 = arith.constant 0 : i32
    %c0_i32_0 = arith.constant 0 : i32
    return %arg0, %c0_i32 : i32, i32
  }
  func.func @transform_10(%arg0: i32) -> (i32, i32) {
    %c0_i32 = arith.constant 0 : i32
    %c0_i32_0 = arith.constant 0 : i32
    return %arg0, %c0_i32 : i32, i32
  }
  func.func @transform_11(%arg0: i32) -> (i32, i32) {
    %c0_i32 = arith.constant 0 : i32
    %c0_i32_0 = arith.constant 0 : i32
    return %arg0, %c0_i32 : i32, i32
  }
}

module attributes {stable_mosaic.version = 14 : i64} {
  func.func @_group_kernel(%arg0: i32, %arg1: memref<23xi32, #tpu.memory_space<smem>>, %arg2: memref<23xi32, #tpu.memory_space<smem>>, %arg3: memref<256x512xi32, #tpu.memory_space<vmem>>, %arg4: memref<1x1024x1024xf32, #tpu.memory_space<vmem>>, %arg5: memref<1x1024x1024xf32, #tpu.memory_space<vmem>>, %arg6: memref<1x1024x1024xf32, #tpu.memory_space<vmem>>, %arg7: memref<256x512xi32, #tpu.memory_space<vmem>>) attributes {dimension_semantics = [#tpu.dimension_semantics<arbitrary>], iteration_bounds = array<i64: 23>, scalar_prefetch = 2 : i64, scratch_operands = 0 : i64, tpu.core_type = #tpu.core_type<tc>, window_params = [{transform_indices = @transform_0, window_bounds = array<i64: 256, 512>}, {transform_indices = @transform_1, window_bounds = array<i64: 1, 1024, 1024>}, {transform_indices = @transform_2, window_bounds = array<i64: 1, 1024, 1024>}, {transform_indices = @transform_3, window_bounds = array<i64: 1, 1024, 1024>}, {transform_indices = @transform_4, window_bounds = array<i64: 256, 512>}]} {
    %get3A = arith.index_cast %arg0 : i32 to index
    %get3A_0 = memref.load %arg2[%get3A] : memref<23xi32, #tpu.memory_space<smem>>
    %eq3A = arith.constant 1 : i32
    %eq3A_1 = arith.cmpi eq, %get3A_0, %eq3A : i32
    %convert_element_type3A = arith.extui %eq3A_1 : i1 to i32
    %cond3A = arith.constant 0 : i32
    %cond3A_2 = arith.cmpi ne, %convert_element_type3A, %cond3A : i32
    scf.if %cond3A_2 {
      %get3A_3 = arith.constant 0 : index
      %get3A_4 = arith.constant 0 : index
      %get3A_5 = vector.load %arg3[%get3A_3, %get3A_4] : memref<256x512xi32, #tpu.memory_space<vmem>>, vector<256x512xi32>
      %and3A = arith.constant 65535 : i32
      %and3A_6 = vector.broadcast %and3A : i32 to vector<256x512xi32>
      %and3A_7 = arith.andi %get3A_5, %and3A_6 : vector<256x512xi32>
      %convert_element_type3A_8 = arith.trunci %and3A_7 : vector<256x512xi32> to vector<256x512xi16>
      %bitcast_convert_type3A = tpu.bitcast %convert_element_type3A_8 : vector<256x512xi16> -> vector<256x512xbf16>
      %shift_right_logical3A = arith.constant 16 : i32
      %shift_right_logical3A_9 = vector.broadcast %shift_right_logical3A : i32 to vector<256x512xi32>
      %shift_right_logical3A_10 = arith.shrui %get3A_5, %shift_right_logical3A_9 : vector<256x512xi32>
      %convert_element_type3A_11 = arith.trunci %shift_right_logical3A_10 : vector<256x512xi32> to vector<256x512xi16>
      %bitcast_convert_type3A_12 = tpu.bitcast %convert_element_type3A_11 : vector<256x512xi16> -> vector<256x512xbf16>
      %concatenate3A = tpu.concatenate %bitcast_convert_type3A, %bitcast_convert_type3A_12 in 1 : vector<256x512xbf16>, vector<256x512xbf16> -> vector<256x1024xbf16>
      %get3A_13 = arith.constant 0 : index
      %get3A_14 = arith.constant 0 : index
      %get3A_15 = arith.constant 0 : index
      %get3A_16 = vector.load %arg4[%get3A_13, %get3A_14, %get3A_15] : memref<1x1024x1024xf32, #tpu.memory_space<vmem>>, vector<1x1024x1024xf32>
      %get3A_17 = vector.shape_cast %get3A_16 : vector<1x1024x1024xf32> to vector<1024x1024xf32>
      %convert_element_type3A_18 = arith.truncf %get3A_17 : vector<1024x1024xf32> to vector<1024x1024xbf16>
      %dot_general3A = arith.constant dense<0.000000e+00> : vector<256x1024xf32>
      %dot_general3A_19 = tpu.matmul %concatenate3A, %convert_element_type3A_18, %dot_general3A {dimension_numbers = #tpu.dot_dimension_numbers<[1], [1], [0], [0], [0, 0, 1, 0], [], []>, transpose_lhs_hint = false} : vector<256x1024xbf16>, vector<1024x1024xbf16>, vector<256x1024xf32> -> vector<256x1024xf32>
      %get3A_20 = arith.constant 0 : index
      %get3A_21 = arith.constant 0 : index
      %get3A_22 = arith.constant 0 : index
      %get3A_23 = vector.load %arg5[%get3A_20, %get3A_21, %get3A_22] : memref<1x1024x1024xf32, #tpu.memory_space<vmem>>, vector<1x1024x1024xf32>
      %get3A_24 = vector.shape_cast %get3A_23 : vector<1x1024x1024xf32> to vector<1024x1024xf32>
      %convert_element_type3A_25 = arith.truncf %get3A_24 : vector<1024x1024xf32> to vector<1024x1024xbf16>
      %dot_general3A_26 = arith.constant dense<0.000000e+00> : vector<256x1024xf32>
      %dot_general3A_27 = tpu.matmul %concatenate3A, %convert_element_type3A_25, %dot_general3A_26 {dimension_numbers = #tpu.dot_dimension_numbers<[1], [1], [0], [0], [0, 0, 1, 0], [], []>, transpose_lhs_hint = false} : vector<256x1024xbf16>, vector<1024x1024xbf16>, vector<256x1024xf32> -> vector<256x1024xf32>
      %logistic3A = arith.negf %dot_general3A_19 : vector<256x1024xf32>
      %logistic3A_28 = math.exp %logistic3A : vector<256x1024xf32>
      %logistic3A_29 = arith.constant 1.000000e+00 : f32
      %logistic3A_30 = vector.broadcast %logistic3A_29 : f32 to vector<256x1024xf32>
      %logistic3A_31 = arith.addf %logistic3A_30, %logistic3A_28 : vector<256x1024xf32>
      %logistic3A_32 = arith.divf %logistic3A_30, %logistic3A_31 : vector<256x1024xf32>
      %mul3A = arith.mulf %dot_general3A_19, %logistic3A_32 : vector<256x1024xf32>
      %mul3A_33 = arith.mulf %mul3A, %dot_general3A_27 : vector<256x1024xf32>
      %convert_element_type3A_34 = arith.truncf %mul3A_33 : vector<256x1024xf32> to vector<256x1024xbf16>
      %get3A_35 = arith.constant 0 : index
      %get3A_36 = arith.constant 0 : index
      %get3A_37 = arith.constant 0 : index
      %get3A_38 = vector.load %arg6[%get3A_35, %get3A_36, %get3A_37] : memref<1x1024x1024xf32, #tpu.memory_space<vmem>>, vector<1x1024x1024xf32>
      %get3A_39 = vector.shape_cast %get3A_38 : vector<1x1024x1024xf32> to vector<1024x1024xf32>
      %convert_element_type3A_40 = arith.truncf %get3A_39 : vector<1024x1024xf32> to vector<1024x1024xbf16>
      %dot_general3A_41 = arith.constant dense<0.000000e+00> : vector<256x1024xf32>
      %dot_general3A_42 = tpu.matmul %convert_element_type3A_34, %convert_element_type3A_40, %dot_general3A_41 {dimension_numbers = #tpu.dot_dimension_numbers<[1], [1], [0], [0], [0, 0, 1, 0], [], []>, transpose_lhs_hint = false} : vector<256x1024xbf16>, vector<1024x1024xbf16>, vector<256x1024xf32> -> vector<256x1024xf32>
      %slice3A = vector.extract_strided_slice %dot_general3A_42 {offsets = [0, 0], sizes = [256, 512], strides = [1, 1]} : vector<256x1024xf32> to vector<256x512xf32>
      %convert_element_type3A_43 = arith.truncf %slice3A : vector<256x512xf32> to vector<256x512xbf16>
      %bitcast_convert_type3A_44 = tpu.bitcast %convert_element_type3A_43 : vector<256x512xbf16> -> vector<256x512xi16>
      %convert_element_type3A_45 = arith.extui %bitcast_convert_type3A_44 : vector<256x512xi16> to vector<256x512xi32>
      %slice3A_46 = vector.extract_strided_slice %dot_general3A_42 {offsets = [0, 512], sizes = [256, 512], strides = [1, 1]} : vector<256x1024xf32> to vector<256x512xf32>
      %convert_element_type3A_47 = arith.truncf %slice3A_46 : vector<256x512xf32> to vector<256x512xbf16>
      %bitcast_convert_type3A_48 = tpu.bitcast %convert_element_type3A_47 : vector<256x512xbf16> -> vector<256x512xi16>
      %convert_element_type3A_49 = arith.extui %bitcast_convert_type3A_48 : vector<256x512xi16> to vector<256x512xi32>
      %shift_left3A = arith.constant 16 : i32
      %shift_left3A_50 = vector.broadcast %shift_left3A : i32 to vector<256x512xi32>
      %shift_left3A_51 = arith.shli %convert_element_type3A_49, %shift_left3A_50 : vector<256x512xi32>
      %or3A = arith.ori %convert_element_type3A_45, %shift_left3A_51 : vector<256x512xi32>
      %swap3A = arith.constant 0 : index
      %swap3A_52 = arith.constant 0 : index
      %swap3A_53 = vector.load %arg7[%swap3A, %swap3A_52] : memref<256x512xi32, #tpu.memory_space<vmem>>, vector<256x512xi32>
      tpu.vector_store %arg7[%swap3A, %swap3A_52], %or3A {strides = array<i32>} : memref<256x512xi32, #tpu.memory_space<vmem>>, vector<256x512xi32>,
    } else {
    }
    return
  }
  func.func @transform_0(%arg0: i32, %arg1: memref<23xi32, #tpu.memory_space<smem>>, %arg2: memref<23xi32, #tpu.memory_space<smem>>) -> (i32, i32) {
    %c0_i32 = arith.constant 0 : i32
    %c0_i32_0 = arith.constant 0 : i32
    return %arg0, %c0_i32 : i32, i32
  }
  func.func @transform_1(%arg0: i32, %arg1: memref<23xi32, #tpu.memory_space<smem>>, %arg2: memref<23xi32, #tpu.memory_space<smem>>) -> (i32, i32, i32) {
    %get3A = arith.index_cast %arg0 : i32 to index
    %get3A_0 = memref.load %arg1[%get3A] : memref<23xi32, #tpu.memory_space<smem>>
    %c0_i32 = arith.constant 0 : i32
    %c0_i32_1 = arith.constant 0 : i32
    %c0_i32_2 = arith.constant 0 : i32
    return %get3A_0, %c0_i32, %c0_i32_1 : i32, i32, i32
  }
  func.func @transform_2(%arg0: i32, %arg1: memref<23xi32, #tpu.memory_space<smem>>, %arg2: memref<23xi32, #tpu.memory_space<smem>>) -> (i32, i32, i32) {
    %get3A = arith.index_cast %arg0 : i32 to index
    %get3A_0 = memref.load %arg1[%get3A] : memref<23xi32, #tpu.memory_space<smem>>
    %c0_i32 = arith.constant 0 : i32
    %c0_i32_1 = arith.constant 0 : i32
    %c0_i32_2 = arith.constant 0 : i32
    return %get3A_0, %c0_i32, %c0_i32_1 : i32, i32, i32
  }
  func.func @transform_3(%arg0: i32, %arg1: memref<23xi32, #tpu.memory_space<smem>>, %arg2: memref<23xi32, #tpu.memory_space<smem>>) -> (i32, i32, i32) {
    %get3A = arith.index_cast %arg0 : i32 to index
    %get3A_0 = memref.load %arg1[%get3A] : memref<23xi32, #tpu.memory_space<smem>>
    %c0_i32 = arith.constant 0 : i32
    %c0_i32_1 = arith.constant 0 : i32
    %c0_i32_2 = arith.constant 0 : i32
    return %get3A_0, %c0_i32, %c0_i32_1 : i32, i32, i32
  }
  func.func @transform_4(%arg0: i32, %arg1: memref<23xi32, #tpu.memory_space<smem>>, %arg2: memref<23xi32, #tpu.memory_space<smem>>) -> (i32, i32) {
    %c0_i32 = arith.constant 0 : i32
    %c0_i32_0 = arith.constant 0 : i32
    return %arg0, %c0_i32 : i32, i32
  }
}

module attributes {stable_mosaic.version = 14 : i64} {
  func.func @_final_kernel(%arg0: i32, %arg1: memref<256x1024xf32, #tpu.memory_space<vmem>>, %arg2: memref<256x1024xf32, #tpu.memory_space<vmem>>, %arg3: memref<256x512xi32, #tpu.memory_space<vmem>>, %arg4: memref<256x512xi32, #tpu.memory_space<vmem>>, %arg5: memref<256x2xf32, #tpu.memory_space<vmem>>, %arg6: memref<1024x1024xf32, #tpu.memory_space<vmem>>, %arg7: memref<1024x1024xf32, #tpu.memory_space<vmem>>, %arg8: memref<1024x1024xf32, #tpu.memory_space<vmem>>, %arg9: memref<1x1024xf32, #tpu.memory_space<vmem>>, %arg10: memref<256x1024xf32, #tpu.memory_space<vmem>>) attributes {dimension_semantics = [#tpu.dimension_semantics<arbitrary>], iteration_bounds = array<i64: 8>, scalar_prefetch = 0 : i64, scratch_operands = 0 : i64, tpu.core_type = #tpu.core_type<tc>, window_params = [{transform_indices = @transform_0, window_bounds = array<i64: 256, 1024>}, {transform_indices = @transform_1, window_bounds = array<i64: 256, 1024>}, {transform_indices = @transform_2, window_bounds = array<i64: 256, 512>}, {transform_indices = @transform_3, window_bounds = array<i64: 256, 512>}, {transform_indices = @transform_4, window_bounds = array<i64: 256, 2>}, {pipeline_mode = #tpu.pipeline_mode<synchronous>, transform_indices = @transform_5, window_bounds = array<i64: 1024, 1024>}, {pipeline_mode = #tpu.pipeline_mode<synchronous>, transform_indices = @transform_6, window_bounds = array<i64: 1024, 1024>}, {pipeline_mode = #tpu.pipeline_mode<synchronous>, transform_indices = @transform_7, window_bounds = array<i64: 1024, 1024>}, {pipeline_mode = #tpu.pipeline_mode<synchronous>, transform_indices = @transform_8, window_bounds = array<i64: 1, 1024>}, {transform_indices = @transform_9, window_bounds = array<i64: 256, 1024>}]} {
    %get3A = arith.constant 0 : index
    %get3A_0 = arith.constant 0 : index
    %get3A_1 = vector.load %arg1[%get3A, %get3A_0] : memref<256x1024xf32, #tpu.memory_space<vmem>>, vector<256x1024xf32>
    %convert_element_type3A = arith.truncf %get3A_1 : vector<256x1024xf32> to vector<256x1024xbf16>
    %get3A_2 = arith.constant 0 : index
    %get3A_3 = arith.constant 0 : index
    %get3A_4 = vector.load %arg6[%get3A_2, %get3A_3] : memref<1024x1024xf32, #tpu.memory_space<vmem>>, vector<1024x1024xf32>
    %convert_element_type3A_5 = arith.truncf %get3A_4 : vector<1024x1024xf32> to vector<1024x1024xbf16>
    %dot_general3A = arith.constant dense<0.000000e+00> : vector<256x1024xf32>
    %dot_general3A_6 = tpu.matmul %convert_element_type3A, %convert_element_type3A_5, %dot_general3A {dimension_numbers = #tpu.dot_dimension_numbers<[1], [1], [0], [0], [0, 0, 1, 0], [], []>, transpose_lhs_hint = false} : vector<256x1024xbf16>, vector<1024x1024xbf16>, vector<256x1024xf32> -> vector<256x1024xf32>
    %get3A_7 = arith.constant 0 : index
    %get3A_8 = arith.constant 0 : index
    %get3A_9 = vector.load %arg7[%get3A_7, %get3A_8] : memref<1024x1024xf32, #tpu.memory_space<vmem>>, vector<1024x1024xf32>
    %convert_element_type3A_10 = arith.truncf %get3A_9 : vector<1024x1024xf32> to vector<1024x1024xbf16>
    %dot_general3A_11 = arith.constant dense<0.000000e+00> : vector<256x1024xf32>
    %dot_general3A_12 = tpu.matmul %convert_element_type3A, %convert_element_type3A_10, %dot_general3A_11 {dimension_numbers = #tpu.dot_dimension_numbers<[1], [1], [0], [0], [0, 0, 1, 0], [], []>, transpose_lhs_hint = false} : vector<256x1024xbf16>, vector<1024x1024xbf16>, vector<256x1024xf32> -> vector<256x1024xf32>
    %logistic3A = arith.negf %dot_general3A_6 : vector<256x1024xf32>
    %logistic3A_13 = math.exp %logistic3A : vector<256x1024xf32>
    %logistic3A_14 = arith.constant 1.000000e+00 : f32
    %logistic3A_15 = vector.broadcast %logistic3A_14 : f32 to vector<256x1024xf32>
    %logistic3A_16 = arith.addf %logistic3A_15, %logistic3A_13 : vector<256x1024xf32>
    %logistic3A_17 = arith.divf %logistic3A_15, %logistic3A_16 : vector<256x1024xf32>
    %mul3A = arith.mulf %dot_general3A_6, %logistic3A_17 : vector<256x1024xf32>
    %mul3A_18 = arith.mulf %mul3A, %dot_general3A_12 : vector<256x1024xf32>
    %convert_element_type3A_19 = arith.truncf %mul3A_18 : vector<256x1024xf32> to vector<256x1024xbf16>
    %get3A_20 = arith.constant 0 : index
    %get3A_21 = arith.constant 0 : index
    %get3A_22 = vector.load %arg8[%get3A_20, %get3A_21] : memref<1024x1024xf32, #tpu.memory_space<vmem>>, vector<1024x1024xf32>
    %convert_element_type3A_23 = arith.truncf %get3A_22 : vector<1024x1024xf32> to vector<1024x1024xbf16>
    %dot_general3A_24 = arith.constant dense<0.000000e+00> : vector<256x1024xf32>
    %dot_general3A_25 = tpu.matmul %convert_element_type3A_19, %convert_element_type3A_23, %dot_general3A_24 {dimension_numbers = #tpu.dot_dimension_numbers<[1], [1], [0], [0], [0, 0, 1, 0], [], []>, transpose_lhs_hint = false} : vector<256x1024xbf16>, vector<1024x1024xbf16>, vector<256x1024xf32> -> vector<256x1024xf32>
    %get3A_26 = arith.constant 0 : index
    %get3A_27 = arith.constant 0 : index
    %get3A_28 = vector.load %arg9[%get3A_26, %get3A_27] : memref<1x1024xf32, #tpu.memory_space<vmem>>, vector<1x1024xf32>
    %dot_general3A_29 = arith.constant dense<0.000000e+00> : vector<256x1xf32>
    %dot_general3A_30 = tpu.matmul %get3A_1, %get3A_28, %dot_general3A_29 {dimension_numbers = #tpu.dot_dimension_numbers<[1], [1], [0], [0], [0, 0, 1, 0], [], []>, transpose_lhs_hint = false} : vector<256x1024xf32>, vector<1x1024xf32>, vector<256x1xf32> -> vector<256x1xf32>
    %logistic3A_31 = arith.negf %dot_general3A_30 : vector<256x1xf32>
    %logistic3A_32 = math.exp %logistic3A_31 : vector<256x1xf32>
    %logistic3A_33 = arith.constant 1.000000e+00 : f32
    %logistic3A_34 = vector.broadcast %logistic3A_33 : f32 to vector<256x1xf32>
    %logistic3A_35 = arith.addf %logistic3A_34, %logistic3A_32 : vector<256x1xf32>
    %logistic3A_36 = arith.divf %logistic3A_34, %logistic3A_35 : vector<256x1xf32>
    %get3A_37 = arith.constant 0 : index
    %get3A_38 = arith.constant 0 : index
    %get3A_39 = vector.load %arg5[%get3A_37, %get3A_38] : memref<256x2xf32, #tpu.memory_space<vmem>>, vector<256x2xf32>
    %get3A_40 = arith.constant 0 : index
    %get3A_41 = arith.constant 0 : index
    %get3A_42 = vector.load %arg3[%get3A_40, %get3A_41] : memref<256x512xi32, #tpu.memory_space<vmem>>, vector<256x512xi32>
    %and3A = arith.constant 65535 : i32
    %and3A_43 = vector.broadcast %and3A : i32 to vector<256x512xi32>
    %and3A_44 = arith.andi %get3A_42, %and3A_43 : vector<256x512xi32>
    %convert_element_type3A_45 = arith.trunci %and3A_44 : vector<256x512xi32> to vector<256x512xi16>
    %bitcast_convert_type3A = tpu.bitcast %convert_element_type3A_45 : vector<256x512xi16> -> vector<256x512xbf16>
    %shift_right_logical3A = arith.constant 16 : i32
    %shift_right_logical3A_46 = vector.broadcast %shift_right_logical3A : i32 to vector<256x512xi32>
    %shift_right_logical3A_47 = arith.shrui %get3A_42, %shift_right_logical3A_46 : vector<256x512xi32>
    %convert_element_type3A_48 = arith.trunci %shift_right_logical3A_47 : vector<256x512xi32> to vector<256x512xi16>
    %bitcast_convert_type3A_49 = tpu.bitcast %convert_element_type3A_48 : vector<256x512xi16> -> vector<256x512xbf16>
    %concatenate3A = tpu.concatenate %bitcast_convert_type3A, %bitcast_convert_type3A_49 in 1 : vector<256x512xbf16>, vector<256x512xbf16> -> vector<256x1024xbf16>
    %convert_element_type3A_50 = arith.extf %concatenate3A : vector<256x1024xbf16> to vector<256x1024xf32>
    %get3A_51 = arith.constant 0 : index
    %get3A_52 = arith.constant 0 : index
    %get3A_53 = vector.load %arg4[%get3A_51, %get3A_52] : memref<256x512xi32, #tpu.memory_space<vmem>>, vector<256x512xi32>
    %and3A_54 = arith.constant 65535 : i32
    %and3A_55 = vector.broadcast %and3A_54 : i32 to vector<256x512xi32>
    %and3A_56 = arith.andi %get3A_53, %and3A_55 : vector<256x512xi32>
    %convert_element_type3A_57 = arith.trunci %and3A_56 : vector<256x512xi32> to vector<256x512xi16>
    %bitcast_convert_type3A_58 = tpu.bitcast %convert_element_type3A_57 : vector<256x512xi16> -> vector<256x512xbf16>
    %shift_right_logical3A_59 = arith.constant 16 : i32
    %shift_right_logical3A_60 = vector.broadcast %shift_right_logical3A_59 : i32 to vector<256x512xi32>
    %shift_right_logical3A_61 = arith.shrui %get3A_53, %shift_right_logical3A_60 : vector<256x512xi32>
    %convert_element_type3A_62 = arith.trunci %shift_right_logical3A_61 : vector<256x512xi32> to vector<256x512xi16>
    %bitcast_convert_type3A_63 = tpu.bitcast %convert_element_type3A_62 : vector<256x512xi16> -> vector<256x512xbf16>
    %concatenate3A_64 = tpu.concatenate %bitcast_convert_type3A_58, %bitcast_convert_type3A_63 in 1 : vector<256x512xbf16>, vector<256x512xbf16> -> vector<256x1024xbf16>
    %convert_element_type3A_65 = arith.extf %concatenate3A_64 : vector<256x1024xbf16> to vector<256x1024xf32>
    %slice3A = vector.extract_strided_slice %get3A_39 {offsets = [0, 0], sizes = [256, 1], strides = [1, 1]} : vector<256x2xf32> to vector<256x1xf32>
    %mul3A_66 = vector.broadcast %slice3A : vector<256x1xf32> to vector<256x1024xf32>
    %mul3A_67 = arith.mulf %mul3A_66, %convert_element_type3A_50 : vector<256x1024xf32>
    %slice3A_68 = vector.extract_strided_slice %get3A_39 {offsets = [0, 1], sizes = [256, 1], strides = [1, 1]} : vector<256x2xf32> to vector<256x1xf32>
    %mul3A_69 = vector.broadcast %slice3A_68 : vector<256x1xf32> to vector<256x1024xf32>
    %mul3A_70 = arith.mulf %mul3A_69, %convert_element_type3A_65 : vector<256x1024xf32>
    %add3A = arith.addf %mul3A_67, %mul3A_70 : vector<256x1024xf32>
    %get3A_71 = arith.constant 0 : index
    %get3A_72 = arith.constant 0 : index
    %get3A_73 = vector.load %arg2[%get3A_71, %get3A_72] : memref<256x1024xf32, #tpu.memory_space<vmem>>, vector<256x1024xf32>
    %add3A_74 = arith.addf %get3A_73, %add3A : vector<256x1024xf32>
    %mul3A_75 = vector.broadcast %logistic3A_36 : vector<256x1xf32> to vector<256x1024xf32>
    %mul3A_76 = arith.mulf %mul3A_75, %dot_general3A_25 : vector<256x1024xf32>
    %add3A_77 = arith.addf %add3A_74, %mul3A_76 : vector<256x1024xf32>
    %swap3A = arith.constant 0 : index
    %swap3A_78 = arith.constant 0 : index
    %swap3A_79 = vector.load %arg10[%swap3A, %swap3A_78] : memref<256x1024xf32, #tpu.memory_space<vmem>>, vector<256x1024xf32>
    tpu.vector_store %arg10[%swap3A, %swap3A_78], %add3A_77 {strides = array<i32>} : memref<256x1024xf32, #tpu.memory_space<vmem>>, vector<256x1024xf32>,
    return
  }
  func.func @transform_0(%arg0: i32) -> (i32, i32) {
    %c0_i32 = arith.constant 0 : i32
    %c0_i32_0 = arith.constant 0 : i32
    return %arg0, %c0_i32 : i32, i32
  }
  func.func @transform_1(%arg0: i32) -> (i32, i32) {
    %c0_i32 = arith.constant 0 : i32
    %c0_i32_0 = arith.constant 0 : i32
    return %arg0, %c0_i32 : i32, i32
  }
  func.func @transform_2(%arg0: i32) -> (i32, i32) {
    %c0_i32 = arith.constant 0 : i32
    %c0_i32_0 = arith.constant 0 : i32
    return %arg0, %c0_i32 : i32, i32
  }
  func.func @transform_3(%arg0: i32) -> (i32, i32) {
    %add3A = arith.constant 8 : i32
    %add3A_0 = arith.addi %arg0, %add3A : i32
    %c0_i32 = arith.constant 0 : i32
    %c0_i32_1 = arith.constant 0 : i32
    return %add3A_0, %c0_i32 : i32, i32
  }
  func.func @transform_4(%arg0: i32) -> (i32, i32) {
    %c0_i32 = arith.constant 0 : i32
    %c0_i32_0 = arith.constant 0 : i32
    return %arg0, %c0_i32 : i32, i32
  }
  func.func @transform_5(%arg0: i32) -> (i32, i32) {
    %c0_i32 = arith.constant 0 : i32
    %c0_i32_0 = arith.constant 0 : i32
    %c0_i32_1 = arith.constant 0 : i32
    return %c0_i32, %c0_i32_0 : i32, i32
  }
  func.func @transform_6(%arg0: i32) -> (i32, i32) {
    %c0_i32 = arith.constant 0 : i32
    %c0_i32_0 = arith.constant 0 : i32
    %c0_i32_1 = arith.constant 0 : i32
    return %c0_i32, %c0_i32_0 : i32, i32
  }
  func.func @transform_7(%arg0: i32) -> (i32, i32) {
    %c0_i32 = arith.constant 0 : i32
    %c0_i32_0 = arith.constant 0 : i32
    %c0_i32_1 = arith.constant 0 : i32
    return %c0_i32, %c0_i32_0 : i32, i32
  }
  func.func @transform_8(%arg0: i32) -> (i32, i32) {
    %c0_i32 = arith.constant 0 : i32
    %c0_i32_0 = arith.constant 0 : i32
    %c0_i32_1 = arith.constant 0 : i32
    return %c0_i32, %c0_i32_0 : i32, i32
  }
  func.func @transform_9(%arg0: i32) -> (i32, i32) {
    %c0_i32 = arith.constant 0 : i32
    %c0_i32_0 = arith.constant 0 : i32
    return %arg0, %c0_i32 : i32, i32
  }
}

</mosaic_0001>

<sc_bundles>
// kernel: gather_offload_async_start
scs
__scs_entry_jumppad:
0x0: {  	(pc) =	sbr.rel $0x88, $3  }
0x1: {  	(tag) =	ssettag $0x0;
	lr =	simm.s32 $0x1  }
0x2: {  	[smem:$0x3F92] =	sst lr;
	_ =	strace $0xD0000000  }
0x3: {  	_ = 	snop  }
0x4: {  	_ = 	snop  }
0x5: {  	_ = 	snop  }
0x6: {  	_ = 	snop  }
0x7: {  	_ = 	snop  }
__scs_overlays_trampoline_lowered:
0x8: {  	[smem:$0x3FA1] =	sst s0  }
0x9: {  	[smem:$0x3FA2] =	sst s1  }
0xa: {  	[smem:$0x3FA3] =	sst s2  }
0xb: {  	[smem:$0x3FA4] =	sst s3  }
0xc: {  	[smem:$0x3FA5] =	sst s4  }
0xd: {  	[smem:$0x3FA6] =	sst s5  }
0xe: {  	[smem:$0x3FA7] =	sst s6  }
0xf: {  	[smem:$0x3FA8] =	sst s7  }
0x10: {  	[smem:$0x3FA9] =	sst s8  }
0x11: {  	[smem:$0x3FAA] =	sst s9;
	s0 =	simm.s32 @!p0 $0x0  }
0x12: {  	s1 =	sld [smem:$0x3F90];
	s0 =	simm.s32 @p0 $0x1  }
0x13: {  	[smem:$0x3FAB] =	sst s0;
	s0 =	simm.s32 @!p1 $0x0  }
0x14: {  	s2 =	sld [smem:$0x3F8F];
	s0 =	simm.s32 @p1 $0x1  }
0x15: {  	[smem:$0x3FAC] =	sst s0;
	s0 =	simm.s32 @!p2 $0x0  }
0x16: {  	s3 =	sld [smem:$0x3FDB];
	s0 =	simm.s32 @p2 $0x1  }
0x17: {  	s4 =	simm.s32 $0x1BF5;
	[smem:$0x3FAE] =	sst s0  }
0x18: {  	s0 =	sld [smem:$0x3F91];
	_ =	swait.ge [sflag:s4], $0x0  }
0x19: {  	s7 =	sld [smem:$0x3F92]  }
0x1a: {  	s8 =	sadd.s32 $0xFFFFE003, lr  }
0x1b: {  	s9 =	sadd.s32 $0xFFFFFEF7, lr;
	s5 =	simm.s32 $0xFFFFFFFF;
	p2 =	slt.u32 s8, $0xFFFFF086  }
0x1c: {  	p1 =	slt.u32 s9, $0xF7A;
	s5 =	simm.s32 @!p2 $0x0  }
0x1d: {  	s5 =	simm.s32 @p1 $0x1;
	p0 =	seq.s32 s7, s2  }
0x1e: {  	s7 =	smul.u32 @!p0 $0xF7A, s2;
	p2 =	seq.s32 @!p0 s5, $0x0  }
0x1f: {  	s9 =	smul.u32 $0xF7A, s1;
	s8 =	simm.s32 @!p0 $0x1BF5;
	p2 =	por !p2, p0  }
0x20: {  	[sflag:s8] =	ssyncset.s32 @!p0 $0xFFFFF086;
	s6 =	sadd.s32 @!p0 s3, s7;
	s7 =	simm.s32 @!p0 $0x108  }
0x21: {  	s3 =	sadd.s32 s3, s9;
	s6 =	sadd.s32 @!p0 $0x88, s6;
	s7 =	simm.s32 @p2 $0x1082  }
0x22: {  	[simem:s7], [sflag:s8] =	dma.local @!p0 [hbm:s6], $0xF7A  }
0x23: {  	s9 =	sor.u32 $0xD0000000, s2;
	s6 =	simm.s32 $0x108;
	_ =	swait.ge @!p0 [sflag:s8], $0x0  }
0x24: {  	s3 =	sadd.s32 $0x88, s3;
	s6 =	simm.s32 @!p1 $0x1082;
	[sflag:s4] =	ssyncset.s32 $0xFFFFF086  }
0x25: {  	[simem:s6], [sflag:s4] =	dma.local [hbm:s3], $0xF7A  }
0x26: {  	[smem:$0x3F92] =	sst s1;
	(tag) =	ssettag s2;
	_ =	strace s9  }
0x27: {  	s1 =	sld [smem:$0x3FA2]  }
0x28: {  	s2 =	sld [smem:$0x3FA3]  }
0x29: {  	s4 =	sld [smem:$0x3FA5]  }
0x2a: {  	p0 =	seq.s32 s5, $0x0;
	s5 =	sld [smem:$0x3FA6]  }
0x2b: {  	s6 =	sld [smem:$0x3FA7]  }
0x2c: {  	s7 =	sld [smem:$0x3FA8]  }
0x2d: {  	s3 =	simm.s32 $0x108;
	s8 =	sld [smem:$0x3FA9]  }
0x2e: {  	s3 =	simm.s32 @!p0 $0x1082;
	s9 =	sld [smem:$0x3FAA]  }
0x2f: {  	lr =	sadd.s32 s0, s3;
	s0 =	sld [smem:$0x3FA1]  }
0x30: {  	s3 =	sld [smem:$0x3FA4]  }
0x31: {  	[smem:$0x3FAD] =	sst s10  }
0x32: {  	s10 =	sld [smem:$0x3FAB];
	_ =	sdelay $0x3  }
0x33: {  	p0 =	seq.s32 s10, $0x1;
	s10 =	sld [smem:$0x3FAD];
	_ =	sdelay $0x3  }
0x34: {  	[smem:$0x3FAD] =	sst s10  }
0x35: {  	s10 =	sld [smem:$0x3FAC];
	_ =	sdelay $0x3  }
0x36: {  	p1 =	seq.s32 s10, $0x1;
	s10 =	sld [smem:$0x3FAD];
	_ =	sdelay $0x3  }
0x37: {  	[smem:$0x3FAD] =	sst s10  }
0x38: {  	s10 =	sld [smem:$0x3FAE]  }
0x39: {  	_ = 	snop;
	(pc) =	sbr.ind lr, $3  }
0x3a: {  	_ = 	snop  }
0x3b: {  	_ = 	snop  }
0x3c: {  	p2 =	seq.s32 s10, $0x1;
	s10 =	sld [smem:$0x3FAD]  }
0x3d: {  	_ =	shalt  }
0x3e: {  	_ =	shalt  }
0x3f: {  	_ =	shalt  }
0x40: {  	_ =	shalt  }
0x41: {  	_ =	shalt  }
0x42: {  	_ =	shalt  }
0x43: {  	_ =	shalt  }
0x44: {  	_ =	shalt  }
0x45: {  	_ =	shalt  }
0x46: {  	_ =	shalt  }
0x47: {  	_ =	shalt  }
0x48: {  	_ =	shalt  }
0x49: {  	_ =	shalt  }
0x4a: {  	_ =	shalt  }
0x4b: {  	_ =	shalt  }
0x4c: {  	_ =	shalt  }
0x4d: {  	_ =	shalt  }
0x4e: {  	_ =	shalt  }
0x4f: {  	_ =	shalt  }
0x50: {  	_ =	shalt  }
0x51: {  	_ =	shalt  }
0x52: {  	_ =	shalt  }
0x53: {  	_ =	shalt  }
0x54: {  	_ =	shalt  }
0x55: {  	_ =	shalt  }
0x56: {  	_ =	shalt  }
0x57: {  	_ =	shalt  }
0x58: {  	_ =	shalt  }
0x59: {  	_ =	shalt  }
0x5a: {  	_ =	shalt  }
0x5b: {  	_ =	shalt  }
0x5c: {  	_ =	shalt  }
0x5d: {  	_ =	shalt  }
0x5e: {  	_ =	shalt  }
0x5f: {  	_ =	shalt  }
0x60: {  	_ =	shalt  }
0x61: {  	_ =	shalt  }
0x62: {  	_ =	shalt  }
0x63: {  	_ =	shalt  }
0x64: {  	_ =	shalt  }
0x65: {  	_ =	shalt  }
0x66: {  	_ =	shalt  }
0x67: {  	_ =	shalt  }
0x68: {  	_ =	shalt  }
0x69: {  	_ =	shalt  }
0x6a: {  	_ =	shalt  }
0x6b: {  	_ =	shalt  }
0x6c: {  	_ =	shalt  }
0x6d: {  	_ =	shalt  }
0x6e: {  	_ =	shalt  }
0x6f: {  	_ =	shalt  }
0x70: {  	_ =	shalt  }
0x71: {  	_ =	shalt  }
0x72: {  	_ =	shalt  }
0x73: {  	_ =	shalt  }
0x74: {  	_ =	shalt  }
0x75: {  	_ =	shalt  }
0x76: {  	_ =	shalt  }
0x77: {  	_ =	shalt  }
0x78: {  	_ =	shalt  }
0x79: {  	_ =	shalt  }
0x7a: {  	_ =	shalt  }
0x7b: {  	_ =	shalt  }
0x7c: {  	_ =	shalt  }
0x7d: {  	_ =	shalt  }
0x7e: {  	_ =	shalt  }
0x7f: {  	_ =	shalt  }
0x80: {  	_ =	shalt  }
0x81: {  	_ =	shalt  }
0x82: {  	_ =	shalt  }
0x83: {  	_ =	shalt  }
0x84: {  	_ =	shalt  }
0x85: {  	_ =	shalt  }
0x86: {  	_ =	shalt  }
0x87: {  	_ =	shalt  }
.Lfunc_end0:
.L_simem_size_0:
called_computation_lowered:
.L_overlay_start_0:
0x88: {  	s2 =	sld [smem:$0x3FD9]  }
0x89: {  	s3 =	sld [smem:$0x3FFE];
	_ =	sdelay $0x1  }
0x8a: {  	s1 =	srdreg.scid  }
0x8b: {  	s0 =	sand.u32 $0x1, s1  }
0x8c: {  	s16 =	sshll.u32 s0, $0xA;
	s2 =	sadd.s32 s3, s2  }
0x8d: {  	s2 =	sadd.s32 s2, s16  }
0x8e: {  	[smem:$0x3FB9] =	sst s2  }
0x8f: {  	_ = 	snop  }
0x90: {  	(tm) =	ssettm $0x1  }
0x91: {  	s17 =	sld [smem:$0x3FFB];
	_ =	sdelay $0x3  }
0x92: {  	_ =	strace s17  }
0x93: {  	s2 =	sld [smem:$0x3FFC];
	_ =	sdelay $0x3  }
0x94: {  	_ =	strace s2  }
0x95: {  	s2 =	sld [smem:$0x3FFD];
	_ =	sdelay $0x3  }
0x96: {  	_ =	strace s2  }
0x97: {  	_ =	strace $0x8FFFFFFF  }
0x98: {  	s18 =	sld [smem:$0x3FDB];
	_ =	sdelay $0x1  }
0x99: {  	s19 =	simm.s32 $_scs_section_size  }
0x9a: {  	s4 =	simm.s32 $_size__tile_overlayer_lowered;
	s5 =	simm.s32 $_tile_overlayer_lowered  }
0x9b: {  	s22 =	simm.s32 $0x1BFF;
	s21 =	sshll.u32 s5, $0x1;
	s2 =	sadd.s32 s19, s18  }
0x9c: {  	s6 =	simm.s32 $0x0;
	s20 =	sshll.u32 s4, $0x1;
	s4 =	sadd.s32 s21, s2  }
0x9d: {  	[timem:s6], [sflag:s22] =	dma.local [hbm:s4], s20  }
0x9e: {  	_ =	swait.ge [sflag:s22], s20  }
0x9f: {  	s3 =	ssub.s32 $0x0, s20;
	[sflag:s22] =	ssyncset.done $0x0  }
0xa0: {  	[sflag:s22] =	ssyncadd.s32 s3;
	_ =	sdelay $0x1  }
0xa1: {  	s23 =	simm.s32 $0x1B8B  }
0xa2: {  	_ =	swait.ge [sflag:s23], $0x1  }
0xa3: {  	[sflag:s23] =	ssyncset.done $0x0  }
0xa4: {  	s25 =	simm.s32 $0x1B8E;
	s24 =	sld [smem:$0x3FFE];
	[sflag:s23] =	ssyncadd.s32 $0xFFFFFFFF  }
0xa5: {  	s26 =	simm.s32 $execute0_lowered;
	[smem:$0x3FD2] =	sst s25  }
0xa6: {  	s4 =	sshll.u32 s26, $0x1;
	_ =	strace $0x80000046;
	[dreg:$0x1] =	wrdreg $0xFFFFFFFF  }
0xa7: {  	s28 =	simm.s32 $_size_execute0_lowered;
	s2 =	sadd.s32 s2, s4;
	[dreg:$0x0] =	wrdreg $0x0  }
0xa8: {  	s4 =	sshll.u32 s28, $0x1;
	[dreg:$0x2] =	wrdreg s2  }
0xa9: {  	[dreg:$0x3] =	wrdreg s4  }
0xaa: {  	[dreg:$0x4] =	wrdreg $0xC0  }
0xab: {  	_ =	task [dreg:s6], $0x5FFFF  }
0xac: {  	[dreg:$0x1] =	wrdreg $0xFFFFFFFF  }
0xad: {  	[dreg:$0x0] =	wrdreg $0x60  }
0xae: {  	[dreg:$0x2] =	wrdreg s24  }
0xaf: {  	[dreg:$0x3] =	wrdreg $0x9  }
0xb0: {  	_ =	task.clear_ibuf [dreg:s6], $0x4FFFF;
	_ =	strace $0x90000046  }
0xb1: {  	s29 =	simm.s32 $0x9;
	_ =	strace $0x80000048  }
0xb2: {  	_ =	swait.ge [sflag:s29], $0x1  }
0xb3: {  	[sflag:s29] =	ssyncadd.s32 $0xFFFFFFFF  }
0xb4: {  	_ =	strace $0x90000048  }
0xb5: {  	_ =	sfence  }
0xb6: {  	s30 =	sld [smem:$0x0];
	_ =	sdelay $0x2  }
0xb7: {  	s31 =	sshll.u32 s1, $0xD;
	s1 =	sshrl.u32 s1, $0x2  }
0xb8: {  	s3 =	sand.u32 $0x4000, s31;
	s1 =	sadd.s32 s1, s30  }
0xb9: {  	s0 =	sor.u32 s3, s0;
	s1 =	sshll.u32 s1, $0x11  }
0xba: {  	s0 =	sor.u32 s1, s0  }
0xbb: {  	s0 =	sadd.s32 $0x8F2B, s0  }
0xbc: {  	[sflag:s0] =	ssyncadd.remote.s32 $0x1  }
0xbd: {  	_ =	sfence.sel $0xFFFF  }
0xbe: {  	[dreg:$0x0] =	wrdreg $0xFFFFFFFF;
	(pc) =	sbr.abs _section_cstart, $3  }
0xbf: {  	[dreg:$0x1] =	wrdreg $0xFFFFFFFF  }
0xc0: {  	_ =	task.clear_ibuf [dreg:s6], $0x2FFFF;
	_ =	strace $0x9FFFFFFF  }
0xc1: {  	(tm) =	ssettm $0x7FFFFFFF  }
tec
execute0_lowered:
.L_overlay_start_1:
0x0: {  	(tag) =	ssettag $0x1  }
0x1: {  	s0 =	srdreg.scid;
	s5 =	rddreg [dreg:$0x0]  }
0x2: {  	s1 =	stileid.u32;
	s6 =	simm.s32 $0x1;
	s9 =	simm.s32 $0x1  }
0x3: {  	s10 =	simm.s32 $0x3;
	s13 =	simm.s32 $0x0;
	s2 =	sshll.u32 s0, $0x7  }
0x4: {  	s12 =	simm.s32 $0x0;
	s3 =	sshll.u32 s1, $0x8;
	s2 =	sand.u32 $0x80, s2  }
0x5: {  	s0 =	rddreg [dreg:$0x1];
	_ =	strace $0x80000047;
	s2 =	sor.u32 s3, s2  }
0x6: {  	s4 =	sadd.s32 $0x80800, s5;
	[sflag:s6] =	ssyncpa.u1 $0x0;
	s8 =	ssub.s32 $0x1700, s2  }
.Ltmp0:
0x7: {  	s3 =	sadd.s32 $0x81C00, s5;
	s7 =	sand.u32 $0xF80, s8;
	(pc) =	sbr.rel .LBB2_1-.Ltmp0, $4  }
0x8: {  	s5 =	sadd.s32 $0x80C00, s5;
	s11 =	smov.u32 s2;
	p0 =	sne.s32 s7, $0x0  }
0x9: {  	s8 =	sshrl.u32 s8, $0xC;
	s7 =	simm.s32 $0x2;
	s9 =	simm.s32 @!p0 $0x0  }
0xa: {  	[sflag:s7] =	ssyncpa.u1 $0x0;
	p0 =	por $0x0, $0x0;
	s8 =	sadd.s32 s9, s8  }
0xb: {  	vm0 =	vmmov $0xffff;
	[sflag:s10] =	ssyncpa.u1 $0x0;
	s10 =	simm.s32 $0x0;
	s9 =	sadd.s32 $0x1, s8  }
.LBB2_4:
0xc: {  	v2 =	vnsel vm1, $0x0, v2  }
0xd: {  	vm1 =	vgt.s32 v0, $0x0;
	v2 =	vmin.u32 v2, $0xFFF  }
0xe: {  	v0 =	vnsel vm1, $0x0, v0  }
0xf: {  	v0 =	vmin.u32 v0, $0xFFF  }
0x10: {  	[tilespmem:s15], [sflag:$0x1] =	stream.indirect_vreg.gather [hbm4b:s3+s10], $0x1, v1, vm0, $0x4038;
	[tilespmem:$0x200] =	vst v63  }
0x11: {  	(ifvalue) =	ssetifvalue $0x7FFFFFFF  }
0x12: {  	[tilespmem:s16], [sflag:$0x1] =	stream.indirect_vreg.gather [hbm4b:s3+s10], $0x1, v2, vm0, $0x4038;
	[tilespmem:$0x200] =	vst v63  }
0x13: {  	s29 =	sadd.s32 $0x10, s16;
	(ifvalue) =	ssetifvalue $0x7FFFFFFF  }
0x14: {  	[tilespmem:s29], [sflag:$0x1] =	stream.indirect_vreg.gather [hbm4b:s3+s10], $0x1, v0, vm0, $0x4038;
	[tilespmem:$0x200] =	vst v63  }
0x15: {  	_ =	swait.ge [sflag:s6], $0x80  }
0x16: {  	s30 =	sshrl.u32 s13, $0x3;
	[sflag:s6] =	ssyncset.done $0x0  }
0x17: {  	s31 =	sand.u32 $0x7, s13;
	s15 =	sadd.s32 s5, s30;
	[sflag:s6] =	ssyncadd.s32 $0xFFFFFF80  }
0x18: {  	[hbm4b:s15+s31] =	stream.linear.scatter [tilespmem:s14], [sflag:$0x3], $0x80, $0x38;
	[tilespmem:$0x200] =	vst v63  }
.LBB2_5:
0x19: {  	s15 =	sadd.s32 $0x1000, s11  }
0x1a: {  	p2 =	sgt.s32 s15, $0x16FF  }
0x1b: {  	s15 =	smov.u32 @p2 s2;
	p2 =	sne.s32 s12, s9  }
.Ltmp1:
0x1c: {  	p1 =	slt.u32 s12, $0x2;
	(pc) =	sbr.rel @!p2 .LBB2_6-.Ltmp1, $4  }
0x1d: {  	s14 =	simm.s32 @!p1 $0x3  }
0x1e: {  	s16 =	sadd.s32 $0x1, s12;
	_ =	swait.ge @!p1 [sflag:s14], $0x80  }
0x1f: {  	s13 =	smov.u32 s11;
	p0 =	por !p0, !p0;
	[sflag:s14] =	ssyncset.done @!p1 $0x0  }
0x20: {  	s12 =	smov.u32 s16;
	s11 =	smov.u32 s15;
	[sflag:s14] =	ssyncadd.s32 @!p1 $0xFFFFFF80  }
.LBB2_1:
0x21: {  	p1 =	sge.u32 s12, s8  }
0x22: {  	s14 =	sxor.u32 @!p1 $0xFFFFFFFF, s12  }
0x23: {  	s31 =	sadd.s32 $0xFFFFFFFF, s12;
	s15 =	sshrl.u32 @!p1 s11, $0x3;
	s14 =	sshll.u32 @!p1 s14, $0x7  }
0x24: {  	s16 =	sand.u32 @!p1 $0x7, s11;
	s15 =	sadd.s32 @!p1 s4, s15;
	s14 =	sand.u32 @!p1 $0x80, s14  }
0x25: {  	[tilespmem:s14], [sflag:$0x2] =	stream.linear.gather @!p1 [hbm4b:s15+s16], $0x80, $0x38;
	[tilespmem:$0x200] =	vst v63  }
0x26: {  	p1 =	sge.u32 s31, s8  }
.Ltmp2:
0x27: {  	_ = 	snop;
	(pc) =	sbr.rel @p1 .LBB2_5-.Ltmp2, $1  }
0x28: {  	_ =	sdelay $0x3  }
0x29: {  	s14 =	simm.s32 $0x1  }
0x2a: {  	_ =	swait.ge [sflag:s7], $0x80;
	s14 =	simm.s32 @!p0 $0x0  }
0x2b: {  	[sflag:s7] =	ssyncset.done $0x0;
	s14 =	sshll.u32 s14, $0x7  }
0x2c: {  	[sflag:s7] =	ssyncadd.s32 $0xFFFFFF80;
	(ifvalue) =	ssetifvalue $0x7FFFFFFF;
	v0 =	vld.msk [tilespmem:s14+$0x0 ss:$0x1], $0xffff;
	_ =	sdelay $0x4  }
0x2d: {  	s15 =	sadd.s32 $0x10, s14;
	vm1 =	vgt.s32 v0, $0x0  }
0x2e: {  	v2 =	vld.msk [tilespmem:s15+$0x0 ss:$0x1], $0xffff;
	v1 =	vnsel vm1, $0x0, v0  }
0x2f: {  	v1 =	vmin.u32 v1, $0xFFF;
	_ =	sdelay $0x1  }
0x30: {  	s16 =	sshll.u32 s12, $0x7;
	s18 =	simm.s32 $0x20  }
0x31: {  	s16 =	sand.u32 $0x80, s16;
	s17 =	sadd.s32 $0x10, s15;
	s15 =	sor.u32 $0x100, s14  }
0x32: {  	s14 =	sor.u32 $0x100, s16;
	s16 =	sadd.s32 $0x10, s15;
	v0 =	vld.msk [tilespmem:s17+$0x0 ss:$0x1], $0xffff;
	vm1 =	vgt.s32 v2, $0x0;
	(ifvalue) =	ssetifvalue $0x7FFFFFFF  }
.LBB2_3:
0x33: {  	[tilespmem:s15], [sflag:$0x1] =	stream.indirect_vreg.gather [hbm4b:s3+s10], $0x1, v1, vm0, $0x4038;
	[tilespmem:$0x200] =	vst v63  }
0x34: {  	s18 =	sadd.s32 $0x10, s18  }
0x35: {  	v2 =	vnsel vm1, $0x0, v2;
	p1 =	slt.u32 s18, $0x70  }
.Ltmp3:
0x36: {  	s15 =	smov.u32 s16;
	v1 =	vmin.u32 v2, $0xFFF;
	(pc) =	sbr.rel @p1 .LBB2_3-.Ltmp3, $3  }
0x37: {  	_ =	sdelay $0x1  }
0x38: {  	s17 =	sadd.s32 $0x10, s17  }
0x39: {  	vm1 =	vgt.s32 v0, $0x0;
	s16 =	sadd.s32 $0x10, s16;
	v2 =	vmov v0;
	(ifvalue) =	ssetifvalue $0x7FFFFFFF;
	v0 =	vld.msk [tilespmem:s17+$0x0 ss:$0x1], $0xffff  }
.Ltmp4:
0x3a: {  	_ = 	snop;
	(pc) =	sbr.rel .LBB2_4-.Ltmp4, $1  }
0x3b: {  	_ =	sdelay $0x3  }
.LBB2_6:
0x3c: {  	_ =	sfence.sel $0x180000  }
0x3d: {  	s2 =	simm.s32 $0x2;
	[bflag:$0x0] =	sbarrier.arrive $0xFFFF  }
0x3e: {  	s30 =	simm.s32 $0x3;
	[sflag:s2] =	ssyncpa.u1 $0x1  }
0x3f: {  	s31 =	simm.s32 $0x1;
	[sflag:s30] =	ssyncpa.u1 $0x1  }
0x40: {  	[sflag:s31] =	ssyncpa.u1 $0x1  }
0x41: {  	p0 =	sne.s32 s1, $0x0;
	_ =	strace $0x90000047  }
0x42: {  	s0 =	sadd.s32 @!p0 $0x100000, s0;
	[bflag:$0x2] =	sbarrier.arrive $0xFFFF  }
0x43: {  	[sflag:s0] =	ssyncadd.tile.s32 @!p0 $0x1;
	_ =	shalt  }
.Lfunc_end2:
_tile_overlayer_lowered:
.L_overlay_start_2:
0x44: {  	(tag) =	ssettag $0x2  }
0x45: {  	s0 =	rddreg [dreg:$0x0];
	s2 =	stileid.u32  }
0x46: {  	s1 =	rddreg [dreg:$0x1];
	p0 =	sne.s32 s2, $0x0  }
0x47: {  	s3 =	rddreg [dreg:$0x2];
	[bflag:$0x3] =	sbarrier.arrive $0xFFFF;
	s2 =	simm.s32 @!p0 $0x1C01  }
0x48: {  	[timem:s3], [sflag:s2] =	dma.local @!p0 [hbm:s0], s1  }
0x49: {  	s0 =	simm.s32 @!p0 $0x1  }
0x4a: {  	_ =	swait.ge @!p0 [sflag:s0], s1  }
0x4b: {  	s1 =	ssub.s32 @!p0 $0x0, s1;
	[sflag:s0] =	ssyncset.done @!p0 $0x0  }
0x4c: {  	[sflag:s0] =	ssyncadd.s32 @!p0 s1  }
0x4d: {  	[bflag:$0x3] =	sbarrier.arrive $0xFFFF  }
0x4e: {  	_ =	shalt  }

// kernel: kernel.11.cloned.1.call-start
scs
__scs_entry_jumppad:
0x0: {  	(pc) =	sbr.rel $0x88, $3  }
0x1: {  	(tag) =	ssettag $0x0;
	lr =	simm.s32 $0x1  }
0x2: {  	[smem:$0x3F92] =	sst lr;
	_ =	strace $0xD0000000  }
0x3: {  	_ = 	snop  }
0x4: {  	_ = 	snop  }
0x5: {  	_ = 	snop  }
0x6: {  	_ = 	snop  }
0x7: {  	_ = 	snop  }
__scs_overlays_trampoline_lowered:
0x8: {  	[smem:$0x3FA1] =	sst s0  }
0x9: {  	[smem:$0x3FA2] =	sst s1  }
0xa: {  	[smem:$0x3FA3] =	sst s2  }
0xb: {  	[smem:$0x3FA4] =	sst s3  }
0xc: {  	[smem:$0x3FA5] =	sst s4  }
0xd: {  	[smem:$0x3FA6] =	sst s5  }
0xe: {  	[smem:$0x3FA7] =	sst s6  }
0xf: {  	[smem:$0x3FA8] =	sst s7  }
0x10: {  	[smem:$0x3FA9] =	sst s8  }
0x11: {  	[smem:$0x3FAA] =	sst s9;
	s0 =	simm.s32 @!p0 $0x0  }
0x12: {  	s1 =	sld [smem:$0x3F90];
	s0 =	simm.s32 @p0 $0x1  }
0x13: {  	[smem:$0x3FAB] =	sst s0;
	s0 =	simm.s32 @!p1 $0x0  }
0x14: {  	s2 =	sld [smem:$0x3F8F];
	s0 =	simm.s32 @p1 $0x1  }
0x15: {  	[smem:$0x3FAC] =	sst s0;
	s0 =	simm.s32 @!p2 $0x0  }
0x16: {  	s3 =	sld [smem:$0x3FDB];
	s0 =	simm.s32 @p2 $0x1  }
0x17: {  	s4 =	simm.s32 $0x1BF5;
	[smem:$0x3FAE] =	sst s0  }
0x18: {  	s0 =	sld [smem:$0x3F91];
	_ =	swait.ge [sflag:s4], $0x0  }
0x19: {  	s7 =	sld [smem:$0x3F92]  }
0x1a: {  	s8 =	sadd.s32 $0xFFFFE003, lr  }
0x1b: {  	s9 =	sadd.s32 $0xFFFFFEF7, lr;
	s5 =	simm.s32 $0xFFFFFFFF;
	p2 =	slt.u32 s8, $0xFFFFF086  }
0x1c: {  	p1 =	slt.u32 s9, $0xF7A;
	s5 =	simm.s32 @!p2 $0x0  }
0x1d: {  	s5 =	simm.s32 @p1 $0x1;
	p0 =	seq.s32 s7, s2  }
0x1e: {  	s7 =	smul.u32 @!p0 $0xF7A, s2;
	p2 =	seq.s32 @!p0 s5, $0x0  }
0x1f: {  	s9 =	smul.u32 $0xF7A, s1;
	s8 =	simm.s32 @!p0 $0x1BF5;
	p2 =	por !p2, p0  }
0x20: {  	[sflag:s8] =	ssyncset.s32 @!p0 $0xFFFFF086;
	s6 =	sadd.s32 @!p0 s3, s7;
	s7 =	simm.s32 @!p0 $0x108  }
0x21: {  	s3 =	sadd.s32 s3, s9;
	s6 =	sadd.s32 @!p0 $0x88, s6;
	s7 =	simm.s32 @p2 $0x1082  }
0x22: {  	[simem:s7], [sflag:s8] =	dma.local @!p0 [hbm:s6], $0xF7A  }
0x23: {  	s9 =	sor.u32 $0xD0000000, s2;
	s6 =	simm.s32 $0x108;
	_ =	swait.ge @!p0 [sflag:s8], $0x0  }
0x24: {  	s3 =	sadd.s32 $0x88, s3;
	s6 =	simm.s32 @!p1 $0x1082;
	[sflag:s4] =	ssyncset.s32 $0xFFFFF086  }
0x25: {  	[simem:s6], [sflag:s4] =	dma.local [hbm:s3], $0xF7A  }
0x26: {  	[smem:$0x3F92] =	sst s1;
	(tag) =	ssettag s2;
	_ =	strace s9  }
0x27: {  	s1 =	sld [smem:$0x3FA2]  }
0x28: {  	s2 =	sld [smem:$0x3FA3]  }
0x29: {  	s4 =	sld [smem:$0x3FA5]  }
0x2a: {  	p0 =	seq.s32 s5, $0x0;
	s5 =	sld [smem:$0x3FA6]  }
0x2b: {  	s6 =	sld [smem:$0x3FA7]  }
0x2c: {  	s7 =	sld [smem:$0x3FA8]  }
0x2d: {  	s3 =	simm.s32 $0x108;
	s8 =	sld [smem:$0x3FA9]  }
0x2e: {  	s3 =	simm.s32 @!p0 $0x1082;
	s9 =	sld [smem:$0x3FAA]  }
0x2f: {  	lr =	sadd.s32 s0, s3;
	s0 =	sld [smem:$0x3FA1]  }
0x30: {  	s3 =	sld [smem:$0x3FA4]  }
0x31: {  	[smem:$0x3FAD] =	sst s10  }
0x32: {  	s10 =	sld [smem:$0x3FAB];
	_ =	sdelay $0x3  }
0x33: {  	p0 =	seq.s32 s10, $0x1;
	s10 =	sld [smem:$0x3FAD];
	_ =	sdelay $0x3  }
0x34: {  	[smem:$0x3FAD] =	sst s10  }
0x35: {  	s10 =	sld [smem:$0x3FAC];
	_ =	sdelay $0x3  }
0x36: {  	p1 =	seq.s32 s10, $0x1;
	s10 =	sld [smem:$0x3FAD];
	_ =	sdelay $0x3  }
0x37: {  	[smem:$0x3FAD] =	sst s10  }
0x38: {  	s10 =	sld [smem:$0x3FAE]  }
0x39: {  	_ = 	snop;
	(pc) =	sbr.ind lr, $3  }
0x3a: {  	_ = 	snop  }
0x3b: {  	_ = 	snop  }
0x3c: {  	p2 =	seq.s32 s10, $0x1;
	s10 =	sld [smem:$0x3FAD]  }
0x3d: {  	_ =	shalt  }
0x3e: {  	_ =	shalt  }
0x3f: {  	_ =	shalt  }
0x40: {  	_ =	shalt  }
0x41: {  	_ =	shalt  }
0x42: {  	_ =	shalt  }
0x43: {  	_ =	shalt  }
0x44: {  	_ =	shalt  }
0x45: {  	_ =	shalt  }
0x46: {  	_ =	shalt  }
0x47: {  	_ =	shalt  }
0x48: {  	_ =	shalt  }
0x49: {  	_ =	shalt  }
0x4a: {  	_ =	shalt  }
0x4b: {  	_ =	shalt  }
0x4c: {  	_ =	shalt  }
0x4d: {  	_ =	shalt  }
0x4e: {  	_ =	shalt  }
0x4f: {  	_ =	shalt  }
0x50: {  	_ =	shalt  }
0x51: {  	_ =	shalt  }
0x52: {  	_ =	shalt  }
0x53: {  	_ =	shalt  }
0x54: {  	_ =	shalt  }
0x55: {  	_ =	shalt  }
0x56: {  	_ =	shalt  }
0x57: {  	_ =	shalt  }
0x58: {  	_ =	shalt  }
0x59: {  	_ =	shalt  }
0x5a: {  	_ =	shalt  }
0x5b: {  	_ =	shalt  }
0x5c: {  	_ =	shalt  }
0x5d: {  	_ =	shalt  }
0x5e: {  	_ =	shalt  }
0x5f: {  	_ =	shalt  }
0x60: {  	_ =	shalt  }
0x61: {  	_ =	shalt  }
0x62: {  	_ =	shalt  }
0x63: {  	_ =	shalt  }
0x64: {  	_ =	shalt  }
0x65: {  	_ =	shalt  }
0x66: {  	_ =	shalt  }
0x67: {  	_ =	shalt  }
0x68: {  	_ =	shalt  }
0x69: {  	_ =	shalt  }
0x6a: {  	_ =	shalt  }
0x6b: {  	_ =	shalt  }
0x6c: {  	_ =	shalt  }
0x6d: {  	_ =	shalt  }
0x6e: {  	_ =	shalt  }
0x6f: {  	_ =	shalt  }
0x70: {  	_ =	shalt  }
0x71: {  	_ =	shalt  }
0x72: {  	_ =	shalt  }
0x73: {  	_ =	shalt  }
0x74: {  	_ =	shalt  }
0x75: {  	_ =	shalt  }
0x76: {  	_ =	shalt  }
0x77: {  	_ =	shalt  }
0x78: {  	_ =	shalt  }
0x79: {  	_ =	shalt  }
0x7a: {  	_ =	shalt  }
0x7b: {  	_ =	shalt  }
0x7c: {  	_ =	shalt  }
0x7d: {  	_ =	shalt  }
0x7e: {  	_ =	shalt  }
0x7f: {  	_ =	shalt  }
0x80: {  	_ =	shalt  }
0x81: {  	_ =	shalt  }
0x82: {  	_ =	shalt  }
0x83: {  	_ =	shalt  }
0x84: {  	_ =	shalt  }
0x85: {  	_ =	shalt  }
0x86: {  	_ =	shalt  }
0x87: {  	_ =	shalt  }
.Lfunc_end0:
.L_simem_size_0:
called_computation.2_lowered:
.L_overlay_start_0:
0x88: {  	s2 =	sld [smem:$0x3FD9]  }
0x89: {  	s3 =	sld [smem:$0x3FFE];
	_ =	sdelay $0x1  }
0x8a: {  	s1 =	srdreg.scid  }
0x8b: {  	s0 =	sand.u32 $0x1, s1  }
0x8c: {  	s16 =	sshll.u32 s0, $0xA;
	s2 =	sadd.s32 s3, s2  }
0x8d: {  	s2 =	sadd.s32 s2, s16  }
0x8e: {  	[smem:$0x3FB9] =	sst s2  }
0x8f: {  	_ = 	snop  }
0x90: {  	(tm) =	ssettm $0x1  }
0x91: {  	s17 =	sld [smem:$0x3FFB];
	_ =	sdelay $0x3  }
0x92: {  	_ =	strace s17  }
0x93: {  	s2 =	sld [smem:$0x3FFC];
	_ =	sdelay $0x3  }
0x94: {  	_ =	strace s2  }
0x95: {  	s2 =	sld [smem:$0x3FFD];
	_ =	sdelay $0x3  }
0x96: {  	_ =	strace s2  }
0x97: {  	_ =	strace $0x8FFFFFFF  }
0x98: {  	s18 =	sld [smem:$0x3FDB];
	_ =	sdelay $0x1  }
0x99: {  	s19 =	simm.s32 $_scs_section_size  }
0x9a: {  	s4 =	simm.s32 $_size__tile_overlayer_lowered;
	s5 =	simm.s32 $_tile_overlayer_lowered  }
0x9b: {  	s22 =	simm.s32 $0x1BFF;
	s21 =	sshll.u32 s5, $0x1;
	s2 =	sadd.s32 s19, s18  }
0x9c: {  	s6 =	simm.s32 $0x0;
	s20 =	sshll.u32 s4, $0x1;
	s4 =	sadd.s32 s21, s2  }
0x9d: {  	[timem:s6], [sflag:s22] =	dma.local [hbm:s4], s20  }
0x9e: {  	_ =	swait.ge [sflag:s22], s20  }
0x9f: {  	s3 =	ssub.s32 $0x0, s20;
	[sflag:s22] =	ssyncset.done $0x0  }
0xa0: {  	[sflag:s22] =	ssyncadd.s32 s3;
	_ =	sdelay $0x1  }
0xa1: {  	s23 =	simm.s32 $0x1B8B  }
0xa2: {  	_ =	swait.ge [sflag:s23], $0x1  }
0xa3: {  	[sflag:s23] =	ssyncset.done $0x0  }
0xa4: {  	s25 =	simm.s32 $0x1B8E;
	s24 =	sld [smem:$0x3FFE];
	[sflag:s23] =	ssyncadd.s32 $0xFFFFFFFF  }
0xa5: {  	s26 =	simm.s32 $execute0_lowered;
	[smem:$0x3FD2] =	sst s25  }
0xa6: {  	s4 =	sshll.u32 s26, $0x1;
	_ =	strace $0x8000004C;
	[dreg:$0x1] =	wrdreg $0xFFFFFFFF  }
0xa7: {  	s28 =	simm.s32 $_size_execute0_lowered;
	s2 =	sadd.s32 s2, s4;
	[dreg:$0x0] =	wrdreg $0x0  }
0xa8: {  	s4 =	sshll.u32 s28, $0x1;
	[dreg:$0x2] =	wrdreg s2  }
0xa9: {  	[dreg:$0x3] =	wrdreg s4  }
0xaa: {  	[dreg:$0x4] =	wrdreg $0xC0  }
0xab: {  	_ =	task [dreg:s6], $0x5FFFF  }
0xac: {  	[dreg:$0x1] =	wrdreg $0xFFFFFFFF  }
0xad: {  	[dreg:$0x0] =	wrdreg $0x60  }
0xae: {  	[dreg:$0x2] =	wrdreg s24  }
0xaf: {  	[dreg:$0x3] =	wrdreg $0x9  }
0xb0: {  	_ =	task.clear_ibuf [dreg:s6], $0x4FFFF;
	_ =	strace $0x9000004C  }
0xb1: {  	s29 =	simm.s32 $0x9;
	_ =	strace $0x8000004E  }
0xb2: {  	_ =	swait.ge [sflag:s29], $0x1  }
0xb3: {  	[sflag:s29] =	ssyncadd.s32 $0xFFFFFFFF  }
0xb4: {  	_ =	strace $0x9000004E  }
0xb5: {  	_ =	sfence  }
0xb6: {  	s30 =	sld [smem:$0x0];
	_ =	sdelay $0x2  }
0xb7: {  	s31 =	sshll.u32 s1, $0xD;
	s1 =	sshrl.u32 s1, $0x2  }
0xb8: {  	s3 =	sand.u32 $0x4000, s31;
	s1 =	sadd.s32 s1, s30  }
0xb9: {  	s0 =	sor.u32 s3, s0;
	s1 =	sshll.u32 s1, $0x11  }
0xba: {  	s0 =	sor.u32 s1, s0  }
0xbb: {  	s0 =	sadd.s32 $0x8F2B, s0  }
0xbc: {  	[sflag:s0] =	ssyncadd.remote.s32 $0x1  }
0xbd: {  	_ =	sfence.sel $0xFFFF  }
0xbe: {  	[dreg:$0x0] =	wrdreg $0xFFFFFFFF;
	(pc) =	sbr.abs _section_cstart, $3  }
0xbf: {  	[dreg:$0x1] =	wrdreg $0xFFFFFFFF  }
0xc0: {  	_ =	task.clear_ibuf [dreg:s6], $0x2FFFF;
	_ =	strace $0x9FFFFFFF  }
0xc1: {  	(tm) =	ssettm $0x7FFFFFFF  }
tec
execute0_lowered:
.L_overlay_start_1:
0x0: {  	(tag) =	ssettag $0x1  }
0x1: {  	s1 =	srdreg.scid  }
0x2: {  	s0 =	stileid.u32;
	s4 =	rddreg [dreg:$0x0];
	s2 =	simm.s32 $0x0  }
0x3: {  	s19 =	simm.s32 $0x80;
	s12 =	simm.s32 $0x1900;
	s13 =	simm.s32 $0x2100  }
0x4: {  	s20 =	simm.s32 $0x8900;
	s21 =	simm.s32 $0x9100;
	s22 =	simm.s32 $0x9900  }
0x5: {  	s23 =	simm.s32 $0xA100;
	s24 =	simm.s32 $0xA900;
	s25 =	simm.s32 $0xB100  }
0x6: {  	s26 =	simm.s32 $0xB900;
	s28 =	simm.s32 $0xD100;
	s29 =	simm.s32 $0xD900  }
0x7: {  	s30 =	simm.s32 $0xE100;
	s31 =	simm.s32 $0xE900;
	[smem:$0x7FF] =	sst s2  }
0x8: {  	s1 =	sand.u32 $0x1, s1;
	_ =	strace $0x8000004D;
	[dreg:$0x8] =	wrdreg s19  }
0x9: {  	s3 =	sshll.u32 s0, $0x1;
	s6 =	sadd.s32 $0x80C00, s4;
	[dreg:$0x9] =	wrdreg s20  }
0xa: {  	s7 =	sadd.s32 $0x80800, s4;
	s3 =	sor.u32 s1, s3;
	[dreg:$0xa] =	wrdreg s21  }
0xb: {  	s1 =	ssub.s32 $0x2, s1;
	s19 =	simm.s32 $0x5100;
	[dreg:$0xb] =	wrdreg s22  }
0xc: {  	s20 =	simm.s32 $0x5900;
	s21 =	simm.s32 $0x6100;
	[dreg:$0xc] =	wrdreg s23  }
0xd: {  	s22 =	simm.s32 $0x6900;
	[dreg:$0xd] =	wrdreg s24;
	s23 =	simm.s32 $0x7100  }
0xe: {  	[dreg:$0xe] =	wrdreg s25;
	s24 =	simm.s32 $0x7900;
	s5 =	smul.u32 $0xB8, s3  }
0xf: {  	[dreg:$0xf] =	wrdreg s26;
	s26 =	simm.s32 $0xC900;
	s15 =	smul.u32 $0x2E00, s3  }
0x10: {  	s3 =	sadd.s32 $0xDCC00, s4;
	s11 =	sshrl.u32 s1, $0x1;
	s4 =	sadd.s32 $0xDCD00, s4  }
0x11: {  	s1 =	ssub.s32 s1, s11;
	s11 =	simm.s32 $0x1100;
	s8 =	sshrl.u32 s5, $0x3  }
0x12: {  	s9 =	sadd.s32 $0x40, s5;
	s16 =	sadd.s32 s6, s15;
	s5 =	sadd.s32 $0x78, s5  }
0x13: {  	s15 =	simm.s32 $0x3100;
	s8 =	sadd.s32 s7, s8;
	s10 =	sshrl.u32 s9, $0x3  }
0x14: {  	s9 =	sshll.u32 s9, $0x6;
	[dreg:$0x4] =	wrdreg s16;
	s18 =	sshrl.u32 s5, $0x3  }
0x15: {  	s5 =	sshll.u32 s5, $0x6;
	s16 =	simm.s32 $0x3900;
	[dreg:$0x2] =	wrdreg s8  }
0x16: {  	s14 =	sadd.s32 s7, s10;
	s17 =	sadd.s32 s6, s9;
	s7 =	sadd.s32 s7, s18  }
0x17: {  	s5 =	sadd.s32 s6, s5;
	s6 =	simm.s32 $0x3;
	[dreg:$0x3] =	wrdreg s14  }
0x18: {  	s8 =	simm.s32 $0x8100;
	s9 =	simm.s32 $0x1;
	[dreg:$0x5] =	wrdreg s17  }
0x19: {  	v2 =	vlaneseq.u32;
	s10 =	simm.s32 $0x900;
	s18 =	simm.s32 $0x4900;
	[dreg:$0x6] =	wrdreg s7  }
0x1a: {  	vm0 =	vmmov $0xffff;
	v1 =	vshrl.u32 v2, $0x3;
	[dreg:$0x7] =	wrdreg s5;
	s5 =	smax.u32 s1, $0x1;
	s7 =	simm.s32 $0x100  }
0x1b: {  	v0 =	vand.u32 $0x7, v2;
	v2 =	vor.u32 $0x8, v2;
	v1 =	vmul.u32 $0x8, v1;
	s14 =	simm.s32 $0x2900;
	s17 =	simm.s32 $0x4100;
	s1 =	simm.s32 $0x2  }
.LBB2_1:
0x1c: {  	s0 =	rddreg [dreg:$0x2]  }
0x1d: {  	[tilespmem:s2], [sflag:$0x3] =	stream.linear.gather [hbm4b:s0+s2], $0x40, $0x38;
	[tilespmem:$0xF100] =	vst v63  }
0x1e: {  	_ =	swait.ge [sflag:s6], $0x40  }
0x1f: {  	s0 =	rddreg [dreg:$0x3];
	[sflag:s6] =	ssyncset.done $0x0  }
0x20: {  	s25 =	rddreg [dreg:$0x8];
	[sflag:s6] =	ssyncadd.s32 $0xFFFFFFC0  }
0x21: {  	[tilespmem:s25], [sflag:$0x3] =	stream.linear.gather [hbm4b:s0+s2], $0x38, $0x38;
	[tilespmem:$0xF100] =	vst v63  }
0x22: {  	_ =	swait.ge [sflag:s6], $0x38  }
0x23: {  	[sflag:s6] =	ssyncset.done $0x0  }
0x24: {  	s0 =	rddreg [dreg:$0x4];
	[sflag:s6] =	ssyncadd.s32 $0xFFFFFFC8  }
0x25: {  	[tilespmem:s7], [sflag:$0x1] =	stream.linear.gather [hbm4b:s0+s2], $0x8000, $0x38;
	[tilespmem:$0xF100] =	vst v63  }
0x26: {  	s25 =	rddreg [dreg:$0x5]  }
0x27: {  	[tilespmem:s8], [sflag:$0x1] =	stream.linear.gather [hbm4b:s25+s2], $0x7000, $0x38;
	[tilespmem:$0xF100] =	vst v63  }
0x28: {  	_ =	swait.ge [sflag:s9], $0x8000  }
0x29: {  	[sflag:s9] =	ssyncset.done $0x0  }
0x2a: {  	[sflag:s9] =	ssyncadd.s32 $0xFFFF8000  }
0x2b: {  	v3 =	vld [tilespmem:$0x0];
	_ =	sdelay $0x4  }
0x2c: {  	v4 =	vshll.u32 v3, $0x2  }
0x2d: {  	v3 =	vand.u32 $0x7, v3;
	v4 =	vand.u32 $0xFFFFFFE0, v4  }
0x2e: {  	v3 =	vor.u32 v3, v4  }
0x2f: {  	v4 =	vperm.xlane v3, v0;
	_ =	sdelay $0x1  }
0x30: {  	v4 =	vadd.s32 v1, v4;
	_ =	sdelay $0x1  }
0x31: {  	v3 =	vperm.xlane v3, v2;
	_ =	sdelay $0x1  }
0x32: {  	v3 =	vadd.s32 v1, v3  }
0x33: {  	[hbm4b:s3+s2] =	stream.indirect_vreg.scatter [tilespmem:s7], [sflag:$0x2], $0x80, v4, vm0, $0xb8;
	[tilespmem:$0xF100] =	vst v63  }
0x34: {  	_ = 	snop  }
0x35: {  	[hbm4b:s4+s2] =	stream.indirect_vreg.scatter [tilespmem:s10], [sflag:$0x2], $0x80, v4, vm0, $0xb8;
	[tilespmem:$0xF100] =	vst v63  }
0x36: {  	_ = 	snop  }
0x37: {  	[hbm4b:s3+s2] =	stream.indirect_vreg.scatter [tilespmem:s11], [sflag:$0x2], $0x80, v3, vm0, $0xb8;
	[tilespmem:$0xF100] =	vst v63  }
0x38: {  	_ = 	snop  }
0x39: {  	[hbm4b:s4+s2] =	stream.indirect_vreg.scatter [tilespmem:s12], [sflag:$0x2], $0x80, v3, vm0, $0xb8;
	[tilespmem:$0xF100] =	vst v63  }
0x3a: {  	v3 =	vld [tilespmem:$0x10];
	_ =	sdelay $0x4  }
0x3b: {  	v53 =	vshll.u32 v3, $0x2  }
0x3c: {  	v3 =	vand.u32 $0x7, v3;
	v4 =	vand.u32 $0xFFFFFFE0, v53  }
0x3d: {  	v3 =	vor.u32 v3, v4  }
0x3e: {  	v4 =	vperm.xlane v3, v0;
	_ =	sdelay $0x1  }
0x3f: {  	v4 =	vadd.s32 v1, v4;
	_ =	sdelay $0x1  }
0x40: {  	v3 =	vperm.xlane v3, v2;
	_ =	sdelay $0x1  }
0x41: {  	v3 =	vadd.s32 v1, v3  }
0x42: {  	[hbm4b:s3+s2] =	stream.indirect_vreg.scatter [tilespmem:s13], [sflag:$0x2], $0x80, v4, vm0, $0xb8;
	[tilespmem:$0xF100] =	vst v63  }
0x43: {  	_ = 	snop  }
0x44: {  	[hbm4b:s4+s2] =	stream.indirect_vreg.scatter [tilespmem:s14], [sflag:$0x2], $0x80, v4, vm0, $0xb8;
	[tilespmem:$0xF100] =	vst v63  }
0x45: {  	_ = 	snop  }
0x46: {  	[hbm4b:s3+s2] =	stream.indirect_vreg.scatter [tilespmem:s15], [sflag:$0x2], $0x80, v3, vm0, $0xb8;
	[tilespmem:$0xF100] =	vst v63  }
0x47: {  	_ = 	snop  }
0x48: {  	[hbm4b:s4+s2] =	stream.indirect_vreg.scatter [tilespmem:s16], [sflag:$0x2], $0x80, v3, vm0, $0xb8;
	[tilespmem:$0xF100] =	vst v63  }
0x49: {  	v3 =	vld [tilespmem:$0x20];
	_ =	sdelay $0x4  }
0x4a: {  	v54 =	vshll.u32 v3, $0x2  }
0x4b: {  	v3 =	vand.u32 $0x7, v3;
	v4 =	vand.u32 $0xFFFFFFE0, v54  }
0x4c: {  	v3 =	vor.u32 v3, v4  }
0x4d: {  	v4 =	vperm.xlane v3, v0;
	_ =	sdelay $0x1  }
0x4e: {  	v4 =	vadd.s32 v1, v4;
	_ =	sdelay $0x1  }
0x4f: {  	v3 =	vperm.xlane v3, v2;
	_ =	sdelay $0x1  }
0x50: {  	v3 =	vadd.s32 v1, v3  }
0x51: {  	[hbm4b:s3+s2] =	stream.indirect_vreg.scatter [tilespmem:s17], [sflag:$0x2], $0x80, v4, vm0, $0xb8;
	[tilespmem:$0xF100] =	vst v63  }
0x52: {  	_ = 	snop  }
0x53: {  	[hbm4b:s4+s2] =	stream.indirect_vreg.scatter [tilespmem:s18], [sflag:$0x2], $0x80, v4, vm0, $0xb8;
	[tilespmem:$0xF100] =	vst v63  }
0x54: {  	_ = 	snop  }
0x55: {  	[hbm4b:s3+s2] =	stream.indirect_vreg.scatter [tilespmem:s19], [sflag:$0x2], $0x80, v3, vm0, $0xb8;
	[tilespmem:$0xF100] =	vst v63  }
0x56: {  	_ = 	snop  }
0x57: {  	[hbm4b:s4+s2] =	stream.indirect_vreg.scatter [tilespmem:s20], [sflag:$0x2], $0x80, v3, vm0, $0xb8;
	[tilespmem:$0xF100] =	vst v63  }
0x58: {  	v3 =	vld [tilespmem:$0x30];
	_ =	sdelay $0x4  }
0x59: {  	v55 =	vshll.u32 v3, $0x2  }
0x5a: {  	v3 =	vand.u32 $0x7, v3;
	v4 =	vand.u32 $0xFFFFFFE0, v55  }
0x5b: {  	v3 =	vor.u32 v3, v4  }
0x5c: {  	v4 =	vperm.xlane v3, v0;
	_ =	sdelay $0x1  }
0x5d: {  	v4 =	vadd.s32 v1, v4;
	_ =	sdelay $0x1  }
0x5e: {  	v3 =	vperm.xlane v3, v2;
	_ =	sdelay $0x1  }
0x5f: {  	v3 =	vadd.s32 v1, v3  }
0x60: {  	[hbm4b:s3+s2] =	stream.indirect_vreg.scatter [tilespmem:s21], [sflag:$0x2], $0x80, v4, vm0, $0xb8;
	[tilespmem:$0xF100] =	vst v63  }
0x61: {  	_ = 	snop  }
0x62: {  	[hbm4b:s4+s2] =	stream.indirect_vreg.scatter [tilespmem:s22], [sflag:$0x2], $0x80, v4, vm0, $0xb8;
	[tilespmem:$0xF100] =	vst v63  }
0x63: {  	_ = 	snop  }
0x64: {  	[hbm4b:s3+s2] =	stream.indirect_vreg.scatter [tilespmem:s23], [sflag:$0x2], $0x80, v3, vm0, $0xb8;
	[tilespmem:$0xF100] =	vst v63  }
0x65: {  	_ = 	snop  }
0x66: {  	[hbm4b:s4+s2] =	stream.indirect_vreg.scatter [tilespmem:s24], [sflag:$0x2], $0x80, v3, vm0, $0xb8;
	[tilespmem:$0xF100] =	vst v63  }
0x67: {  	_ =	swait.ge [sflag:s9], $0x7000  }
0x68: {  	[sflag:s9] =	ssyncset.done $0x0  }
0x69: {  	[sflag:s9] =	ssyncadd.s32 $0xFFFF9000  }
0x6a: {  	v3 =	vld [tilespmem:$0x80];
	_ =	sdelay $0x4  }
0x6b: {  	v56 =	vshll.u32 v3, $0x2  }
0x6c: {  	v3 =	vand.u32 $0x7, v3;
	v4 =	vand.u32 $0xFFFFFFE0, v56  }
0x6d: {  	v3 =	vor.u32 v3, v4  }
0x6e: {  	v4 =	vperm.xlane v3, v0;
	_ =	sdelay $0x1  }
0x6f: {  	v4 =	vadd.s32 v1, v4;
	_ =	sdelay $0x1  }
0x70: {  	v3 =	vperm.xlane v3, v2;
	_ =	sdelay $0x1  }
0x71: {  	v3 =	vadd.s32 v1, v3  }
0x72: {  	[hbm4b:s3+s2] =	stream.indirect_vreg.scatter [tilespmem:s8], [sflag:$0x2], $0x80, v4, vm0, $0xb8;
	[tilespmem:$0xF100] =	vst v63  }
0x73: {  	s0 =	rddreg [dreg:$0x9]  }
0x74: {  	[hbm4b:s4+s2] =	stream.indirect_vreg.scatter [tilespmem:s0], [sflag:$0x2], $0x80, v4, vm0, $0xb8;
	[tilespmem:$0xF100] =	vst v63  }
0x75: {  	s25 =	rddreg [dreg:$0xa]  }
0x76: {  	[hbm4b:s3+s2] =	stream.indirect_vreg.scatter [tilespmem:s25], [sflag:$0x2], $0x80, v3, vm0, $0xb8;
	[tilespmem:$0xF100] =	vst v63  }
0x77: {  	s0 =	rddreg [dreg:$0xb]  }
0x78: {  	[hbm4b:s4+s2] =	stream.indirect_vreg.scatter [tilespmem:s0], [sflag:$0x2], $0x80, v3, vm0, $0xb8;
	[tilespmem:$0xF100] =	vst v63  }
0x79: {  	v3 =	vld [tilespmem:$0x90];
	_ =	sdelay $0x4  }
0x7a: {  	v57 =	vshll.u32 v3, $0x2  }
0x7b: {  	v3 =	vand.u32 $0x7, v3;
	v4 =	vand.u32 $0xFFFFFFE0, v57  }
0x7c: {  	v3 =	vor.u32 v3, v4  }
0x7d: {  	v4 =	vperm.xlane v3, v0;
	_ =	sdelay $0x1  }
0x7e: {  	v4 =	vadd.s32 v1, v4;
	_ =	sdelay $0x1  }
0x7f: {  	v3 =	vperm.xlane v3, v2;
	_ =	sdelay $0x1  }
0x80: {  	s0 =	rddreg [dreg:$0xc];
	v3 =	vadd.s32 v1, v3  }
0x81: {  	[hbm4b:s3+s2] =	stream.indirect_vreg.scatter [tilespmem:s0], [sflag:$0x2], $0x80, v4, vm0, $0xb8;
	[tilespmem:$0xF100] =	vst v63  }
0x82: {  	s25 =	rddreg [dreg:$0xd]  }
0x83: {  	[hbm4b:s4+s2] =	stream.indirect_vreg.scatter [tilespmem:s25], [sflag:$0x2], $0x80, v4, vm0, $0xb8;
	[tilespmem:$0xF100] =	vst v63  }
0x84: {  	s0 =	rddreg [dreg:$0xe]  }
0x85: {  	[hbm4b:s3+s2] =	stream.indirect_vreg.scatter [tilespmem:s0], [sflag:$0x2], $0x80, v3, vm0, $0xb8;
	[tilespmem:$0xF100] =	vst v63  }
0x86: {  	s25 =	rddreg [dreg:$0xf]  }
0x87: {  	[hbm4b:s4+s2] =	stream.indirect_vreg.scatter [tilespmem:s25], [sflag:$0x2], $0x80, v3, vm0, $0xb8;
	[tilespmem:$0xF100] =	vst v63  }
0x88: {  	v3 =	vld [tilespmem:$0xA0];
	_ =	sdelay $0x4  }
0x89: {  	v58 =	vshll.u32 v3, $0x2  }
0x8a: {  	v3 =	vand.u32 $0x7, v3;
	v4 =	vand.u32 $0xFFFFFFE0, v58  }
0x8b: {  	v3 =	vor.u32 v3, v4  }
0x8c: {  	v4 =	vperm.xlane v3, v0;
	_ =	sdelay $0x1  }
0x8d: {  	v4 =	vadd.s32 v1, v4;
	_ =	sdelay $0x1  }
0x8e: {  	v3 =	vperm.xlane v3, v2;
	_ =	sdelay $0x1  }
0x8f: {  	s25 =	simm.s32 $0xC100;
	v3 =	vadd.s32 v1, v3  }
0x90: {  	[hbm4b:s3+s2] =	stream.indirect_vreg.scatter [tilespmem:s25], [sflag:$0x2], $0x80, v4, vm0, $0xb8;
	[tilespmem:$0xF100] =	vst v63  }
0x91: {  	_ = 	snop  }
0x92: {  	[hbm4b:s4+s2] =	stream.indirect_vreg.scatter [tilespmem:s26], [sflag:$0x2], $0x80, v4, vm0, $0xb8;
	[tilespmem:$0xF100] =	vst v63  }
0x93: {  	_ = 	snop  }
0x94: {  	[hbm4b:s3+s2] =	stream.indirect_vreg.scatter [tilespmem:s28], [sflag:$0x2], $0x80, v3, vm0, $0xb8;
	[tilespmem:$0xF100] =	vst v63  }
0x95: {  	_ = 	snop  }
0x96: {  	[hbm4b:s4+s2] =	stream.indirect_vreg.scatter [tilespmem:s29], [sflag:$0x2], $0x80, v3, vm0, $0xb8;
	[tilespmem:$0xF100] =	vst v63  }
0x97: {  	v3 =	vld.msk [tilespmem:$0xB0], $0xff;
	_ =	sdelay $0x4  }
0x98: {  	v59 =	vshll.u32 v3, $0x2  }
0x99: {  	v3 =	vand.u32 $0x7, v3;
	v4 =	vand.u32 $0xFFFFFFE0, v59  }
0x9a: {  	v3 =	vor.u32 v3, v4  }
0x9b: {  	v3 =	vperm.xlane v3, v0;
	_ =	sdelay $0x1  }
0x9c: {  	v3 =	vadd.s32 v1, v3;
	_ =	sdelay $0x4  }
0x9d: {  	[hbm4b:s3+s2] =	stream.indirect_vreg.scatter [tilespmem:s30], [sflag:$0x2], $0x80, v3, vm0, $0xb8;
	[tilespmem:$0xF100] =	vst v63  }
0x9e: {  	_ = 	snop  }
0x9f: {  	[hbm4b:s4+s2] =	stream.indirect_vreg.scatter [tilespmem:s31], [sflag:$0x2], $0x80, v3, vm0, $0xb8;
	[tilespmem:$0xF100] =	vst v63  }
0xa0: {  	_ =	swait.ge [sflag:s1], $0x8000  }
0xa1: {  	[sflag:s1] =	ssyncset.done $0x0  }
0xa2: {  	s25 =	rddreg [dreg:$0x6];
	[sflag:s1] =	ssyncadd.s32 $0xFFFF8000  }
0xa3: {  	[tilespmem:s2], [sflag:$0x3] =	stream.linear.gather [hbm4b:s25+s2], $0x40, $0x38;
	[tilespmem:$0xF100] =	vst v63  }
0xa4: {  	_ =	swait.ge [sflag:s6], $0x40  }
0xa5: {  	[sflag:s6] =	ssyncset.done $0x0  }
0xa6: {  	s25 =	rddreg [dreg:$0x7];
	[sflag:s6] =	ssyncadd.s32 $0xFFFFFFC0  }
0xa7: {  	[tilespmem:s7], [sflag:$0x1] =	stream.linear.gather [hbm4b:s25+s2], $0x8000, $0x38;
	[tilespmem:$0xF100] =	vst v63  }
0xa8: {  	_ =	swait.ge [sflag:s9], $0x8000  }
0xa9: {  	[sflag:s9] =	ssyncset.done $0x0  }
0xaa: {  	[sflag:s9] =	ssyncadd.s32 $0xFFFF8000  }
0xab: {  	v3 =	vld [tilespmem:$0x0];
	_ =	sdelay $0x4  }
0xac: {  	v60 =	vshll.u32 v3, $0x2  }
0xad: {  	v3 =	vand.u32 $0x7, v3;
	v4 =	vand.u32 $0xFFFFFFE0, v60  }
0xae: {  	v3 =	vor.u32 v3, v4  }
0xaf: {  	v4 =	vperm.xlane v3, v0;
	_ =	sdelay $0x1  }
0xb0: {  	v4 =	vadd.s32 v1, v4;
	_ =	sdelay $0x1  }
0xb1: {  	v3 =	vperm.xlane v3, v2;
	_ =	sdelay $0x1  }
0xb2: {  	v3 =	vadd.s32 v1, v3  }
0xb3: {  	[hbm4b:s3+s2] =	stream.indirect_vreg.scatter [tilespmem:s7], [sflag:$0x2], $0x80, v4, vm0, $0xb8;
	[tilespmem:$0xF100] =	vst v63  }
0xb4: {  	_ = 	snop  }
0xb5: {  	[hbm4b:s4+s2] =	stream.indirect_vreg.scatter [tilespmem:s10], [sflag:$0x2], $0x80, v4, vm0, $0xb8;
	[tilespmem:$0xF100] =	vst v63  }
0xb6: {  	_ = 	snop  }
0xb7: {  	[hbm4b:s3+s2] =	stream.indirect_vreg.scatter [tilespmem:s11], [sflag:$0x2], $0x80, v3, vm0, $0xb8;
	[tilespmem:$0xF100] =	vst v63  }
0xb8: {  	_ = 	snop  }
0xb9: {  	[hbm4b:s4+s2] =	stream.indirect_vreg.scatter [tilespmem:s12], [sflag:$0x2], $0x80, v3, vm0, $0xb8;
	[tilespmem:$0xF100] =	vst v63  }
0xba: {  	v3 =	vld [tilespmem:$0x10];
	_ =	sdelay $0x4  }
0xbb: {  	v61 =	vshll.u32 v3, $0x2  }
0xbc: {  	v3 =	vand.u32 $0x7, v3;
	v4 =	vand.u32 $0xFFFFFFE0, v61  }
0xbd: {  	v3 =	vor.u32 v3, v4  }
0xbe: {  	v4 =	vperm.xlane v3, v0;
	_ =	sdelay $0x1  }
0xbf: {  	v4 =	vadd.s32 v1, v4;
	_ =	sdelay $0x1  }
0xc0: {  	v3 =	vperm.xlane v3, v2;
	_ =	sdelay $0x1  }
0xc1: {  	v3 =	vadd.s32 v1, v3  }
0xc2: {  	[hbm4b:s3+s2] =	stream.indirect_vreg.scatter [tilespmem:s13], [sflag:$0x2], $0x80, v4, vm0, $0xb8;
	[tilespmem:$0xF100] =	vst v63  }
0xc3: {  	_ = 	snop  }
0xc4: {  	[hbm4b:s4+s2] =	stream.indirect_vreg.scatter [tilespmem:s14], [sflag:$0x2], $0x80, v4, vm0, $0xb8;
	[tilespmem:$0xF100] =	vst v63  }
0xc5: {  	_ = 	snop  }
0xc6: {  	[hbm4b:s3+s2] =	stream.indirect_vreg.scatter [tilespmem:s15], [sflag:$0x2], $0x80, v3, vm0, $0xb8;
	[tilespmem:$0xF100] =	vst v63  }
0xc7: {  	_ = 	snop  }
0xc8: {  	[hbm4b:s4+s2] =	stream.indirect_vreg.scatter [tilespmem:s16], [sflag:$0x2], $0x80, v3, vm0, $0xb8;
	[tilespmem:$0xF100] =	vst v63  }
0xc9: {  	v3 =	vld [tilespmem:$0x20];
	_ =	sdelay $0x4  }
0xca: {  	v62 =	vshll.u32 v3, $0x2  }
0xcb: {  	v3 =	vand.u32 $0x7, v3;
	v4 =	vand.u32 $0xFFFFFFE0, v62  }
0xcc: {  	v3 =	vor.u32 v3, v4  }
0xcd: {  	v4 =	vperm.xlane v3, v0;
	_ =	sdelay $0x1  }
0xce: {  	v4 =	vadd.s32 v1, v4;
	_ =	sdelay $0x1  }
0xcf: {  	v3 =	vperm.xlane v3, v2;
	_ =	sdelay $0x1  }
0xd0: {  	v3 =	vadd.s32 v1, v3  }
0xd1: {  	[hbm4b:s3+s2] =	stream.indirect_vreg.scatter [tilespmem:s17], [sflag:$0x2], $0x80, v4, vm0, $0xb8;
	[tilespmem:$0xF100] =	vst v63  }
0xd2: {  	_ = 	snop  }
0xd3: {  	[hbm4b:s4+s2] =	stream.indirect_vreg.scatter [tilespmem:s18], [sflag:$0x2], $0x80, v4, vm0, $0xb8;
	[tilespmem:$0xF100] =	vst v63  }
0xd4: {  	_ = 	snop  }
0xd5: {  	[hbm4b:s3+s2] =	stream.indirect_vreg.scatter [tilespmem:s19], [sflag:$0x2], $0x80, v3, vm0, $0xb8;
	[tilespmem:$0xF100] =	vst v63  }
0xd6: {  	_ = 	snop  }
0xd7: {  	[hbm4b:s4+s2] =	stream.indirect_vreg.scatter [tilespmem:s20], [sflag:$0x2], $0x80, v3, vm0, $0xb8;
	[tilespmem:$0xF100] =	vst v63  }
0xd8: {  	v3 =	vld [tilespmem:$0x30];
	_ =	sdelay $0x4  }
0xd9: {  	v63 =	vshll.u32 v3, $0x2  }
0xda: {  	v3 =	vand.u32 $0x7, v3;
	v4 =	vand.u32 $0xFFFFFFE0, v63  }
0xdb: {  	v3 =	vor.u32 v3, v4  }
0xdc: {  	v4 =	vperm.xlane v3, v0;
	_ =	sdelay $0x1  }
0xdd: {  	v4 =	vadd.s32 v1, v4;
	_ =	sdelay $0x1  }
0xde: {  	v3 =	vperm.xlane v3, v2;
	_ =	sdelay $0x1  }
0xdf: {  	v3 =	vadd.s32 v1, v3  }
0xe0: {  	[hbm4b:s3+s2] =	stream.indirect_vreg.scatter [tilespmem:s21], [sflag:$0x2], $0x80, v4, vm0, $0xb8;
	[tilespmem:$0xF100] =	vst v63  }
0xe1: {  	_ = 	snop  }
0xe2: {  	[hbm4b:s4+s2] =	stream.indirect_vreg.scatter [tilespmem:s22], [sflag:$0x2], $0x80, v4, vm0, $0xb8;
	[tilespmem:$0xF100] =	vst v63  }
0xe3: {  	_ = 	snop  }
0xe4: {  	[hbm4b:s3+s2] =	stream.indirect_vreg.scatter [tilespmem:s23], [sflag:$0x2], $0x80, v3, vm0, $0xb8;
	[tilespmem:$0xF100] =	vst v63  }
0xe5: {  	_ = 	snop  }
0xe6: {  	[hbm4b:s4+s2] =	stream.indirect_vreg.scatter [tilespmem:s24], [sflag:$0x2], $0x80, v3, vm0, $0xb8;
	[tilespmem:$0xF100] =	vst v63  }
0xe7: {  	p0 =	sne.s32 s5, $0x1;
	_ =	swait.ge [sflag:s1], $0x7000  }
.Ltmp0:
0xe8: {  	[sflag:s1] =	ssyncset.done $0x0;
	(pc) =	sbr.rel @p0 .LBB2_1-.Ltmp0, $4  }
0xe9: {  	[sflag:s1] =	ssyncadd.s32 $0xFFFF9000  }
0xea: {  	_ =	swait.ge [sflag:s1], $0x8000  }
0xeb: {  	[sflag:s1] =	ssyncset.done $0x0  }
0xec: {  	s5 =	sadd.s32 $0xFFFFFFFF, s5;
	[sflag:s1] =	ssyncadd.s32 $0xFFFF8000  }
0xed: {  	_ =	sfence.sel $0x180000  }
0xee: {  	[bflag:$0x0] =	sbarrier.arrive $0xFFFF  }
0xef: {  	_ =	strace $0x9000004D  }
0xf0: {  	s0 =	stileid.u32;
	[bflag:$0x2] =	sbarrier.arrive $0xFFFF  }
0xf1: {  	p0 =	sne.s32 s0, $0x0;
	s0 =	rddreg [dreg:$0x1]  }
0xf2: {  	s0 =	sadd.s32 @!p0 $0x100000, s0  }
0xf3: {  	[sflag:s0] =	ssyncadd.tile.s32 @!p0 $0x1;
	_ =	shalt  }
.Lfunc_end2:
_tile_overlayer_lowered:
.L_overlay_start_2:
0xf4: {  	(tag) =	ssettag $0x2  }
0xf5: {  	s0 =	rddreg [dreg:$0x0];
	s2 =	stileid.u32  }
0xf6: {  	s1 =	rddreg [dreg:$0x1];
	p0 =	sne.s32 s2, $0x0  }
0xf7: {  	s3 =	rddreg [dreg:$0x2];
	[bflag:$0x3] =	sbarrier.arrive $0xFFFF;
	s2 =	simm.s32 @!p0 $0x1C03  }
0xf8: {  	[timem:s3], [sflag:s2] =	dma.local @!p0 [hbm:s0], s1  }
0xf9: {  	s0 =	simm.s32 @!p0 $0x3  }
0xfa: {  	_ =	swait.ge @!p0 [sflag:s0], s1  }
0xfb: {  	s1 =	ssub.s32 @!p0 $0x0, s1;
	[sflag:s0] =	ssyncset.done @!p0 $0x0  }
0xfc: {  	[sflag:s0] =	ssyncadd.s32 @!p0 s1  }
0xfd: {  	[bflag:$0x3] =	sbarrier.arrive $0xFFFF  }
0xfe: {  	_ =	shalt  }

// kernel: kernel.8.cloned.1.call-start
scs
__scs_entry_jumppad:
0x0: {  	(pc) =	sbr.rel $0x88, $3  }
0x1: {  	(tag) =	ssettag $0x0;
	lr =	simm.s32 $0x1  }
0x2: {  	[smem:$0x3F92] =	sst lr;
	_ =	strace $0xD0000000  }
0x3: {  	_ = 	snop  }
0x4: {  	_ = 	snop  }
0x5: {  	_ = 	snop  }
0x6: {  	_ = 	snop  }
0x7: {  	_ = 	snop  }
__scs_overlays_trampoline_lowered:
0x8: {  	[smem:$0x3FA1] =	sst s0  }
0x9: {  	[smem:$0x3FA2] =	sst s1  }
0xa: {  	[smem:$0x3FA3] =	sst s2  }
0xb: {  	[smem:$0x3FA4] =	sst s3  }
0xc: {  	[smem:$0x3FA5] =	sst s4  }
0xd: {  	[smem:$0x3FA6] =	sst s5  }
0xe: {  	[smem:$0x3FA7] =	sst s6  }
0xf: {  	[smem:$0x3FA8] =	sst s7  }
0x10: {  	[smem:$0x3FA9] =	sst s8  }
0x11: {  	[smem:$0x3FAA] =	sst s9;
	s0 =	simm.s32 @!p0 $0x0  }
0x12: {  	s1 =	sld [smem:$0x3F90];
	s0 =	simm.s32 @p0 $0x1  }
0x13: {  	[smem:$0x3FAB] =	sst s0;
	s0 =	simm.s32 @!p1 $0x0  }
0x14: {  	s2 =	sld [smem:$0x3F8F];
	s0 =	simm.s32 @p1 $0x1  }
0x15: {  	[smem:$0x3FAC] =	sst s0;
	s0 =	simm.s32 @!p2 $0x0  }
0x16: {  	s3 =	sld [smem:$0x3FDB];
	s0 =	simm.s32 @p2 $0x1  }
0x17: {  	s4 =	simm.s32 $0x1BF5;
	[smem:$0x3FAE] =	sst s0  }
0x18: {  	s0 =	sld [smem:$0x3F91];
	_ =	swait.ge [sflag:s4], $0x0  }
0x19: {  	s7 =	sld [smem:$0x3F92]  }
0x1a: {  	s8 =	sadd.s32 $0xFFFFE003, lr  }
0x1b: {  	s9 =	sadd.s32 $0xFFFFFEF7, lr;
	s5 =	simm.s32 $0xFFFFFFFF;
	p2 =	slt.u32 s8, $0xFFFFF086  }
0x1c: {  	p1 =	slt.u32 s9, $0xF7A;
	s5 =	simm.s32 @!p2 $0x0  }
0x1d: {  	s5 =	simm.s32 @p1 $0x1;
	p0 =	seq.s32 s7, s2  }
0x1e: {  	s7 =	smul.u32 @!p0 $0xF7A, s2;
	p2 =	seq.s32 @!p0 s5, $0x0  }
0x1f: {  	s9 =	smul.u32 $0xF7A, s1;
	s8 =	simm.s32 @!p0 $0x1BF5;
	p2 =	por !p2, p0  }
0x20: {  	[sflag:s8] =	ssyncset.s32 @!p0 $0xFFFFF086;
	s6 =	sadd.s32 @!p0 s3, s7;
	s7 =	simm.s32 @!p0 $0x108  }
0x21: {  	s3 =	sadd.s32 s3, s9;
	s6 =	sadd.s32 @!p0 $0x88, s6;
	s7 =	simm.s32 @p2 $0x1082  }
0x22: {  	[simem:s7], [sflag:s8] =	dma.local @!p0 [hbm:s6], $0xF7A  }
0x23: {  	s9 =	sor.u32 $0xD0000000, s2;
	s6 =	simm.s32 $0x108;
	_ =	swait.ge @!p0 [sflag:s8], $0x0  }
0x24: {  	s3 =	sadd.s32 $0x88, s3;
	s6 =	simm.s32 @!p1 $0x1082;
	[sflag:s4] =	ssyncset.s32 $0xFFFFF086  }
0x25: {  	[simem:s6], [sflag:s4] =	dma.local [hbm:s3], $0xF7A  }
0x26: {  	[smem:$0x3F92] =	sst s1;
	(tag) =	ssettag s2;
	_ =	strace s9  }
0x27: {  	s1 =	sld [smem:$0x3FA2]  }
0x28: {  	s2 =	sld [smem:$0x3FA3]  }
0x29: {  	s4 =	sld [smem:$0x3FA5]  }
0x2a: {  	p0 =	seq.s32 s5, $0x0;
	s5 =	sld [smem:$0x3FA6]  }
0x2b: {  	s6 =	sld [smem:$0x3FA7]  }
0x2c: {  	s7 =	sld [smem:$0x3FA8]  }
0x2d: {  	s3 =	simm.s32 $0x108;
	s8 =	sld [smem:$0x3FA9]  }
0x2e: {  	s3 =	simm.s32 @!p0 $0x1082;
	s9 =	sld [smem:$0x3FAA]  }
0x2f: {  	lr =	sadd.s32 s0, s3;
	s0 =	sld [smem:$0x3FA1]  }
0x30: {  	s3 =	sld [smem:$0x3FA4]  }
0x31: {  	[smem:$0x3FAD] =	sst s10  }
0x32: {  	s10 =	sld [smem:$0x3FAB];
	_ =	sdelay $0x3  }
0x33: {  	p0 =	seq.s32 s10, $0x1;
	s10 =	sld [smem:$0x3FAD];
	_ =	sdelay $0x3  }
0x34: {  	[smem:$0x3FAD] =	sst s10  }
0x35: {  	s10 =	sld [smem:$0x3FAC];
	_ =	sdelay $0x3  }
0x36: {  	p1 =	seq.s32 s10, $0x1;
	s10 =	sld [smem:$0x3FAD];
	_ =	sdelay $0x3  }
0x37: {  	[smem:$0x3FAD] =	sst s10  }
0x38: {  	s10 =	sld [smem:$0x3FAE]  }
0x39: {  	_ = 	snop;
	(pc) =	sbr.ind lr, $3  }
0x3a: {  	_ = 	snop  }
0x3b: {  	_ = 	snop  }
0x3c: {  	p2 =	seq.s32 s10, $0x1;
	s10 =	sld [smem:$0x3FAD]  }
0x3d: {  	_ =	shalt  }
0x3e: {  	_ =	shalt  }
0x3f: {  	_ =	shalt  }
0x40: {  	_ =	shalt  }
0x41: {  	_ =	shalt  }
0x42: {  	_ =	shalt  }
0x43: {  	_ =	shalt  }
0x44: {  	_ =	shalt  }
0x45: {  	_ =	shalt  }
0x46: {  	_ =	shalt  }
0x47: {  	_ =	shalt  }
0x48: {  	_ =	shalt  }
0x49: {  	_ =	shalt  }
0x4a: {  	_ =	shalt  }
0x4b: {  	_ =	shalt  }
0x4c: {  	_ =	shalt  }
0x4d: {  	_ =	shalt  }
0x4e: {  	_ =	shalt  }
0x4f: {  	_ =	shalt  }
0x50: {  	_ =	shalt  }
0x51: {  	_ =	shalt  }
0x52: {  	_ =	shalt  }
0x53: {  	_ =	shalt  }
0x54: {  	_ =	shalt  }
0x55: {  	_ =	shalt  }
0x56: {  	_ =	shalt  }
0x57: {  	_ =	shalt  }
0x58: {  	_ =	shalt  }
0x59: {  	_ =	shalt  }
0x5a: {  	_ =	shalt  }
0x5b: {  	_ =	shalt  }
0x5c: {  	_ =	shalt  }
0x5d: {  	_ =	shalt  }
0x5e: {  	_ =	shalt  }
0x5f: {  	_ =	shalt  }
0x60: {  	_ =	shalt  }
0x61: {  	_ =	shalt  }
0x62: {  	_ =	shalt  }
0x63: {  	_ =	shalt  }
0x64: {  	_ =	shalt  }
0x65: {  	_ =	shalt  }
0x66: {  	_ =	shalt  }
0x67: {  	_ =	shalt  }
0x68: {  	_ =	shalt  }
0x69: {  	_ =	shalt  }
0x6a: {  	_ =	shalt  }
0x6b: {  	_ =	shalt  }
0x6c: {  	_ =	shalt  }
0x6d: {  	_ =	shalt  }
0x6e: {  	_ =	shalt  }
0x6f: {  	_ =	shalt  }
0x70: {  	_ =	shalt  }
0x71: {  	_ =	shalt  }
0x72: {  	_ =	shalt  }
0x73: {  	_ =	shalt  }
0x74: {  	_ =	shalt  }
0x75: {  	_ =	shalt  }
0x76: {  	_ =	shalt  }
0x77: {  	_ =	shalt  }
0x78: {  	_ =	shalt  }
0x79: {  	_ =	shalt  }
0x7a: {  	_ =	shalt  }
0x7b: {  	_ =	shalt  }
0x7c: {  	_ =	shalt  }
0x7d: {  	_ =	shalt  }
0x7e: {  	_ =	shalt  }
0x7f: {  	_ =	shalt  }
0x80: {  	_ =	shalt  }
0x81: {  	_ =	shalt  }
0x82: {  	_ =	shalt  }
0x83: {  	_ =	shalt  }
0x84: {  	_ =	shalt  }
0x85: {  	_ =	shalt  }
0x86: {  	_ =	shalt  }
0x87: {  	_ =	shalt  }
.Lfunc_end0:
.L_simem_size_0:
called_computation.1_lowered:
.L_overlay_start_0:
0x88: {  	s2 =	sld [smem:$0x3FD9]  }
0x89: {  	s3 =	sld [smem:$0x3FFE];
	_ =	sdelay $0x1  }
0x8a: {  	s1 =	srdreg.scid  }
0x8b: {  	s0 =	sand.u32 $0x1, s1  }
0x8c: {  	s17 =	sshll.u32 s0, $0xA;
	s2 =	sadd.s32 s3, s2  }
0x8d: {  	s2 =	sadd.s32 s2, s17  }
0x8e: {  	[smem:$0x3FB9] =	sst s2  }
0x8f: {  	_ = 	snop  }
0x90: {  	s2 =	sld [smem:$0x3FD0];
	(tm) =	ssettm $0x1  }
0x91: {  	s18 =	sld [smem:$0x3FFB];
	_ =	sdelay $0x3  }
0x92: {  	_ =	strace s18  }
0x93: {  	s3 =	sld [smem:$0x3FFC];
	_ =	sdelay $0x3  }
0x94: {  	_ =	strace s3  }
0x95: {  	s3 =	sld [smem:$0x3FFD];
	_ =	sdelay $0x3  }
0x96: {  	_ =	strace s3  }
0x97: {  	_ =	strace $0x8FFFFFFF  }
0x98: {  	s19 =	sld [smem:$0x3FDB];
	_ =	sdelay $0x1  }
0x99: {  	s4 =	simm.s32 $_scs_section_size  }
0x9a: {  	s5 =	simm.s32 $_size__tile_overlayer_lowered;
	s6 =	simm.s32 $_tile_overlayer_lowered  }
0x9b: {  	s22 =	simm.s32 $0x1BFF;
	s21 =	sshll.u32 s6, $0x1;
	s3 =	sadd.s32 s4, s19  }
0x9c: {  	s7 =	simm.s32 $0x0;
	s20 =	sshll.u32 s5, $0x1;
	s5 =	sadd.s32 s21, s3  }
0x9d: {  	[timem:s7], [sflag:s22] =	dma.local [hbm:s5], s20  }
0x9e: {  	_ =	swait.ge [sflag:s22], s20  }
0x9f: {  	s4 =	ssub.s32 $0x0, s20;
	[sflag:s22] =	ssyncset.done $0x0  }
0xa0: {  	[sflag:s22] =	ssyncadd.s32 s4;
	_ =	sdelay $0x1  }
0xa1: {  	s23 =	simm.s32 $0x1B8B  }
0xa2: {  	_ =	swait.ge [sflag:s23], $0x1  }
0xa3: {  	[sflag:s23] =	ssyncset.done $0x0  }
0xa4: {  	s25 =	simm.s32 $0x1B8E;
	s24 =	sld [smem:$0x3FFE];
	[sflag:s23] =	ssyncadd.s32 $0xFFFFFFFF  }
0xa5: {  	s26 =	simm.s32 $execute0_lowered;
	[smem:$0x3FD2] =	sst s25  }
0xa6: {  	s5 =	sshll.u32 s26, $0x1;
	_ =	strace $0x80000049;
	[dreg:$0x1] =	wrdreg $0xFFFFFFFF  }
0xa7: {  	s28 =	simm.s32 $_size_execute0_lowered;
	s3 =	sadd.s32 s3, s5;
	[dreg:$0x0] =	wrdreg $0x0  }
0xa8: {  	s5 =	sshll.u32 s28, $0x1;
	[dreg:$0x2] =	wrdreg s3  }
0xa9: {  	[dreg:$0x3] =	wrdreg s5  }
0xaa: {  	[dreg:$0x4] =	wrdreg $0xC0  }
0xab: {  	_ =	task [dreg:s7], $0x5FFFF  }
0xac: {  	[dreg:$0x1] =	wrdreg $0xFFFFFFFF  }
0xad: {  	[dreg:$0x0] =	wrdreg $0x60  }
0xae: {  	[dreg:$0x2] =	wrdreg s2  }
0xaf: {  	[dreg:$0x3] =	wrdreg s24  }
0xb0: {  	[dreg:$0x4] =	wrdreg $0x9  }
0xb1: {  	_ =	task.clear_ibuf [dreg:s7], $0x5FFFF;
	_ =	strace $0x90000049  }
0xb2: {  	s29 =	simm.s32 $0x9;
	_ =	strace $0x8000004B  }
0xb3: {  	_ =	swait.ge [sflag:s29], $0x1  }
0xb4: {  	[sflag:s29] =	ssyncadd.s32 $0xFFFFFFFF  }
0xb5: {  	_ =	strace $0x9000004B  }
0xb6: {  	_ =	sfence  }
0xb7: {  	s30 =	sld [smem:$0x0];
	_ =	sdelay $0x2  }
0xb8: {  	s31 =	sshll.u32 s1, $0xD;
	s1 =	sshrl.u32 s1, $0x2  }
0xb9: {  	s3 =	sand.u32 $0x4000, s31;
	s1 =	sadd.s32 s1, s30  }
0xba: {  	s0 =	sor.u32 s3, s0;
	s1 =	sshll.u32 s1, $0x11  }
0xbb: {  	s0 =	sor.u32 s1, s0  }
0xbc: {  	s0 =	sadd.s32 $0x8F2B, s0  }
0xbd: {  	[sflag:s0] =	ssyncadd.remote.s32 $0x1  }
0xbe: {  	_ =	sfence.sel $0xFFFF  }
0xbf: {  	[dreg:$0x0] =	wrdreg $0xFFFFFFFF;
	(pc) =	sbr.abs _section_cstart, $3  }
0xc0: {  	[dreg:$0x1] =	wrdreg $0xFFFFFFFF  }
0xc1: {  	_ =	task.clear_ibuf [dreg:s7], $0x2FFFF;
	_ =	strace $0x9FFFFFFF  }
0xc2: {  	(tm) =	ssettm $0x7FFFFFFF  }
0xc3: {  	_ =	shalt  }
tec
execute0_lowered:
.L_overlay_start_1:
0x0: {  	(tag) =	ssettag $0x1  }
0x1: {  	s2 =	rddreg [dreg:$0x0];
	s1 =	srdreg.scid  }
0x2: {  	s0 =	stileid.u32;
	s4 =	rddreg [dreg:$0x1]  }
0x3: {  	s3 =	simm.s32 $0x0;
	s19 =	simm.s32 $0x80;
	s11 =	simm.s32 $0x2100  }
0x4: {  	s20 =	simm.s32 $0x8900;
	s21 =	simm.s32 $0x9100;
	s22 =	simm.s32 $0x9900  }
0x5: {  	s23 =	simm.s32 $0xA100;
	s24 =	simm.s32 $0xA900;
	s25 =	simm.s32 $0xB100  }
0x6: {  	s26 =	simm.s32 $0xB900;
	s28 =	simm.s32 $0xD900;
	[smem:$0x7FF] =	sst s3  }
0x7: {  	s29 =	simm.s32 $0xE100;
	_ =	strace $0x8000004A;
	[dreg:$0x9] =	wrdreg s19  }
0x8: {  	s30 =	simm.s32 $0xE900;
	s31 =	simm.s32 $0x1;
	[dreg:$0xa] =	wrdreg s20  }
0x9: {  	s1 =	sand.u32 $0x1, s1;
	s5 =	sshll.u32 s0, $0x1;
	[dreg:$0xb] =	wrdreg s21  }
0xa: {  	s7 =	sadd.s32 $0x81000, s4;
	s4 =	sadd.s32 $0x81400, s4;
	[dreg:$0xc] =	wrdreg s22  }
0xb: {  	s5 =	sor.u32 s1, s5;
	s1 =	ssub.s32 $0x2, s1;
	[dreg:$0xd] =	wrdreg s23  }
0xc: {  	s19 =	simm.s32 $0x6100;
	s20 =	simm.s32 $0x6900;
	[dreg:$0xe] =	wrdreg s24  }
0xd: {  	s21 =	simm.s32 $0x7100;
	s22 =	simm.s32 $0x7900;
	[dreg:$0xf] =	wrdreg s25  }
0xe: {  	s23 =	simm.s32 $0x8100;
	[dreg:$0x10] =	wrdreg s26;
	s6 =	smul.u32 $0xB8, s5  }
0xf: {  	s25 =	simm.s32 $0xC900;
	s5 =	smul.u32 $0x2E00, s5;
	s13 =	sshrl.u32 s1, $0x1  }
0x10: {  	s26 =	simm.s32 $0xD100;
	s1 =	ssub.s32 s1, s13;
	s13 =	simm.s32 $0x3100  }
0x11: {  	s8 =	sshrl.u32 s6, $0x3;
	s9 =	sadd.s32 $0x40, s6;
	s5 =	sadd.s32 s4, s5  }
0x12: {  	s6 =	sadd.s32 $0x78, s6;
	s8 =	sadd.s32 s7, s8;
	s10 =	sshrl.u32 s9, $0x3  }
0x13: {  	s14 =	sshll.u32 s9, $0x6;
	[dreg:$0x5] =	wrdreg s5;
	s16 =	sshrl.u32 s6, $0x3  }
0x14: {  	s6 =	sshll.u32 s6, $0x6;
	s5 =	smax.u32 s1, $0x1;
	s9 =	simm.s32 $0x1100  }
0x15: {  	s1 =	simm.s32 $0x2;
	[dreg:$0x3] =	wrdreg s8;
	s12 =	sadd.s32 s7, s10  }
0x16: {  	s15 =	sadd.s32 s4, s14;
	s17 =	sadd.s32 s7, s16;
	s18 =	sadd.s32 s4, s6  }
0x17: {  	s4 =	sadd.s32 $0x100, s2;
	s6 =	simm.s32 $0x3;
	[dreg:$0x4] =	wrdreg s12  }
0x18: {  	s7 =	simm.s32 $0x100;
	s8 =	simm.s32 $0x900;
	[dreg:$0x6] =	wrdreg s15  }
0x19: {  	v2 =	vlaneseq.u32;
	s10 =	simm.s32 $0x1900;
	s14 =	simm.s32 $0x3900;
	[dreg:$0x7] =	wrdreg s17  }
0x1a: {  	vm0 =	vmmov $0xffff;
	v1 =	vshrl.u32 v2, $0x3;
	s16 =	simm.s32 $0x4900;
	[dreg:$0x8] =	wrdreg s18;
	s12 =	simm.s32 $0x2900  }
0x1b: {  	v0 =	vand.u32 $0x7, v2;
	v2 =	vor.u32 $0x8, v2;
	v1 =	vmul.u32 $0x8, v1;
	s15 =	simm.s32 $0x4100;
	s17 =	simm.s32 $0x5100;
	s18 =	simm.s32 $0x5900  }
.LBB2_1:
0x1c: {  	s0 =	rddreg [dreg:$0x3]  }
0x1d: {  	[tilespmem:s3], [sflag:$0x3] =	stream.linear.gather [hbm4b:s0+s3], $0x40, $0x38;
	[tilespmem:$0xF100] =	vst v63  }
0x1e: {  	_ =	swait.ge [sflag:s6], $0x40  }
0x1f: {  	s0 =	rddreg [dreg:$0x4];
	[sflag:s6] =	ssyncset.done $0x0  }
0x20: {  	s24 =	rddreg [dreg:$0x9];
	[sflag:s6] =	ssyncadd.s32 $0xFFFFFFC0  }
0x21: {  	[tilespmem:s24], [sflag:$0x3] =	stream.linear.gather [hbm4b:s0+s3], $0x38, $0x38;
	[tilespmem:$0xF100] =	vst v63  }
0x22: {  	_ =	swait.ge [sflag:s6], $0x38  }
0x23: {  	[sflag:s6] =	ssyncset.done $0x0  }
0x24: {  	[sflag:s6] =	ssyncadd.s32 $0xFFFFFFC8  }
0x25: {  	v3 =	vld [tilespmem:$0x0];
	_ =	sdelay $0x4  }
0x26: {  	v4 =	vshll.u32 v3, $0x2  }
0x27: {  	v3 =	vand.u32 $0x7, v3;
	v4 =	vand.u32 $0xFFFFFFE0, v4  }
0x28: {  	v3 =	vor.u32 v3, v4  }
0x29: {  	v4 =	vperm.xlane v3, v0;
	_ =	sdelay $0x1  }
0x2a: {  	v4 =	vadd.s32 v1, v4;
	_ =	sdelay $0x1  }
0x2b: {  	v3 =	vperm.xlane v3, v2;
	_ =	sdelay $0x1  }
0x2c: {  	v3 =	vadd.s32 v1, v3  }
0x2d: {  	[tilespmem:s7], [sflag:$0x1] =	stream.indirect_vreg.gather [hbm4b:s2+s3], $0x80, v4, vm0, $0xb8;
	[tilespmem:$0xF100] =	vst v63  }
0x2e: {  	_ = 	snop  }
0x2f: {  	[tilespmem:s8], [sflag:$0x1] =	stream.indirect_vreg.gather [hbm4b:s4+s3], $0x80, v4, vm0, $0xb8;
	[tilespmem:$0xF100] =	vst v63  }
0x30: {  	_ = 	snop  }
0x31: {  	[tilespmem:s9], [sflag:$0x1] =	stream.indirect_vreg.gather [hbm4b:s2+s3], $0x80, v3, vm0, $0xb8;
	[tilespmem:$0xF100] =	vst v63  }
0x32: {  	_ = 	snop  }
0x33: {  	[tilespmem:s10], [sflag:$0x1] =	stream.indirect_vreg.gather [hbm4b:s4+s3], $0x80, v3, vm0, $0xb8;
	[tilespmem:$0xF100] =	vst v63  }
0x34: {  	v3 =	vld [tilespmem:$0x10];
	_ =	sdelay $0x4  }
0x35: {  	v53 =	vshll.u32 v3, $0x2  }
0x36: {  	v3 =	vand.u32 $0x7, v3;
	v4 =	vand.u32 $0xFFFFFFE0, v53  }
0x37: {  	v3 =	vor.u32 v3, v4  }
0x38: {  	v4 =	vperm.xlane v3, v0;
	_ =	sdelay $0x1  }
0x39: {  	v4 =	vadd.s32 v1, v4;
	_ =	sdelay $0x1  }
0x3a: {  	v3 =	vperm.xlane v3, v2;
	_ =	sdelay $0x1  }
0x3b: {  	v3 =	vadd.s32 v1, v3  }
0x3c: {  	[tilespmem:s11], [sflag:$0x1] =	stream.indirect_vreg.gather [hbm4b:s2+s3], $0x80, v4, vm0, $0xb8;
	[tilespmem:$0xF100] =	vst v63  }
0x3d: {  	_ = 	snop  }
0x3e: {  	[tilespmem:s12], [sflag:$0x1] =	stream.indirect_vreg.gather [hbm4b:s4+s3], $0x80, v4, vm0, $0xb8;
	[tilespmem:$0xF100] =	vst v63  }
0x3f: {  	_ = 	snop  }
0x40: {  	[tilespmem:s13], [sflag:$0x1] =	stream.indirect_vreg.gather [hbm4b:s2+s3], $0x80, v3, vm0, $0xb8;
	[tilespmem:$0xF100] =	vst v63  }
0x41: {  	_ = 	snop  }
0x42: {  	[tilespmem:s14], [sflag:$0x1] =	stream.indirect_vreg.gather [hbm4b:s4+s3], $0x80, v3, vm0, $0xb8;
	[tilespmem:$0xF100] =	vst v63  }
0x43: {  	v3 =	vld [tilespmem:$0x20];
	_ =	sdelay $0x4  }
0x44: {  	v54 =	vshll.u32 v3, $0x2  }
0x45: {  	v3 =	vand.u32 $0x7, v3;
	v4 =	vand.u32 $0xFFFFFFE0, v54  }
0x46: {  	v3 =	vor.u32 v3, v4  }
0x47: {  	v4 =	vperm.xlane v3, v0;
	_ =	sdelay $0x1  }
0x48: {  	v4 =	vadd.s32 v1, v4;
	_ =	sdelay $0x1  }
0x49: {  	v3 =	vperm.xlane v3, v2;
	_ =	sdelay $0x1  }
0x4a: {  	v3 =	vadd.s32 v1, v3  }
0x4b: {  	[tilespmem:s15], [sflag:$0x1] =	stream.indirect_vreg.gather [hbm4b:s2+s3], $0x80, v4, vm0, $0xb8;
	[tilespmem:$0xF100] =	vst v63  }
0x4c: {  	_ = 	snop  }
0x4d: {  	[tilespmem:s16], [sflag:$0x1] =	stream.indirect_vreg.gather [hbm4b:s4+s3], $0x80, v4, vm0, $0xb8;
	[tilespmem:$0xF100] =	vst v63  }
0x4e: {  	_ = 	snop  }
0x4f: {  	[tilespmem:s17], [sflag:$0x1] =	stream.indirect_vreg.gather [hbm4b:s2+s3], $0x80, v3, vm0, $0xb8;
	[tilespmem:$0xF100] =	vst v63  }
0x50: {  	_ = 	snop  }
0x51: {  	[tilespmem:s18], [sflag:$0x1] =	stream.indirect_vreg.gather [hbm4b:s4+s3], $0x80, v3, vm0, $0xb8;
	[tilespmem:$0xF100] =	vst v63  }
0x52: {  	v3 =	vld [tilespmem:$0x30];
	_ =	sdelay $0x4  }
0x53: {  	v55 =	vshll.u32 v3, $0x2  }
0x54: {  	v3 =	vand.u32 $0x7, v3;
	v4 =	vand.u32 $0xFFFFFFE0, v55  }
0x55: {  	v3 =	vor.u32 v3, v4  }
0x56: {  	v4 =	vperm.xlane v3, v0;
	_ =	sdelay $0x1  }
0x57: {  	v4 =	vadd.s32 v1, v4;
	_ =	sdelay $0x1  }
0x58: {  	v3 =	vperm.xlane v3, v2;
	_ =	sdelay $0x1  }
0x59: {  	v3 =	vadd.s32 v1, v3  }
0x5a: {  	[tilespmem:s19], [sflag:$0x1] =	stream.indirect_vreg.gather [hbm4b:s2+s3], $0x80, v4, vm0, $0xb8;
	[tilespmem:$0xF100] =	vst v63  }
0x5b: {  	_ = 	snop  }
0x5c: {  	[tilespmem:s20], [sflag:$0x1] =	stream.indirect_vreg.gather [hbm4b:s4+s3], $0x80, v4, vm0, $0xb8;
	[tilespmem:$0xF100] =	vst v63  }
0x5d: {  	_ = 	snop  }
0x5e: {  	[tilespmem:s21], [sflag:$0x1] =	stream.indirect_vreg.gather [hbm4b:s2+s3], $0x80, v3, vm0, $0xb8;
	[tilespmem:$0xF100] =	vst v63  }
0x5f: {  	_ = 	snop  }
0x60: {  	[tilespmem:s22], [sflag:$0x1] =	stream.indirect_vreg.gather [hbm4b:s4+s3], $0x80, v3, vm0, $0xb8;
	[tilespmem:$0xF100] =	vst v63  }
0x61: {  	v3 =	vld [tilespmem:$0x80];
	_ =	sdelay $0x4  }
0x62: {  	v56 =	vshll.u32 v3, $0x2  }
0x63: {  	v3 =	vand.u32 $0x7, v3;
	v4 =	vand.u32 $0xFFFFFFE0, v56  }
0x64: {  	v3 =	vor.u32 v3, v4  }
0x65: {  	v4 =	vperm.xlane v3, v0;
	_ =	sdelay $0x1  }
0x66: {  	v4 =	vadd.s32 v1, v4;
	_ =	sdelay $0x1  }
0x67: {  	v3 =	vperm.xlane v3, v2;
	_ =	sdelay $0x1  }
0x68: {  	v3 =	vadd.s32 v1, v3  }
0x69: {  	[tilespmem:s23], [sflag:$0x1] =	stream.indirect_vreg.gather [hbm4b:s2+s3], $0x80, v4, vm0, $0xb8;
	[tilespmem:$0xF100] =	vst v63  }
0x6a: {  	s0 =	rddreg [dreg:$0xa]  }
0x6b: {  	[tilespmem:s0], [sflag:$0x1] =	stream.indirect_vreg.gather [hbm4b:s4+s3], $0x80, v4, vm0, $0xb8;
	[tilespmem:$0xF100] =	vst v63  }
0x6c: {  	s24 =	rddreg [dreg:$0xb]  }
0x6d: {  	[tilespmem:s24], [sflag:$0x1] =	stream.indirect_vreg.gather [hbm4b:s2+s3], $0x80, v3, vm0, $0xb8;
	[tilespmem:$0xF100] =	vst v63  }
0x6e: {  	s0 =	rddreg [dreg:$0xc]  }
0x6f: {  	[tilespmem:s0], [sflag:$0x1] =	stream.indirect_vreg.gather [hbm4b:s4+s3], $0x80, v3, vm0, $0xb8;
	[tilespmem:$0xF100] =	vst v63  }
0x70: {  	v3 =	vld [tilespmem:$0x90];
	_ =	sdelay $0x4  }
0x71: {  	v57 =	vshll.u32 v3, $0x2  }
0x72: {  	v3 =	vand.u32 $0x7, v3;
	v4 =	vand.u32 $0xFFFFFFE0, v57  }
0x73: {  	v3 =	vor.u32 v3, v4  }
0x74: {  	v4 =	vperm.xlane v3, v0;
	_ =	sdelay $0x1  }
0x75: {  	v4 =	vadd.s32 v1, v4;
	_ =	sdelay $0x1  }
0x76: {  	v3 =	vperm.xlane v3, v2;
	_ =	sdelay $0x1  }
0x77: {  	s0 =	rddreg [dreg:$0xd];
	v3 =	vadd.s32 v1, v3  }
0x78: {  	[tilespmem:s0], [sflag:$0x1] =	stream.indirect_vreg.gather [hbm4b:s2+s3], $0x80, v4, vm0, $0xb8;
	[tilespmem:$0xF100] =	vst v63  }
0x79: {  	s24 =	rddreg [dreg:$0xe]  }
0x7a: {  	[tilespmem:s24], [sflag:$0x1] =	stream.indirect_vreg.gather [hbm4b:s4+s3], $0x80, v4, vm0, $0xb8;
	[tilespmem:$0xF100] =	vst v63  }
0x7b: {  	s0 =	rddreg [dreg:$0xf]  }
0x7c: {  	[tilespmem:s0], [sflag:$0x1] =	stream.indirect_vreg.gather [hbm4b:s2+s3], $0x80, v3, vm0, $0xb8;
	[tilespmem:$0xF100] =	vst v63  }
0x7d: {  	s24 =	rddreg [dreg:$0x10]  }
0x7e: {  	[tilespmem:s24], [sflag:$0x1] =	stream.indirect_vreg.gather [hbm4b:s4+s3], $0x80, v3, vm0, $0xb8;
	[tilespmem:$0xF100] =	vst v63  }
0x7f: {  	v3 =	vld [tilespmem:$0xA0];
	_ =	sdelay $0x4  }
0x80: {  	v58 =	vshll.u32 v3, $0x2  }
0x81: {  	v3 =	vand.u32 $0x7, v3;
	v4 =	vand.u32 $0xFFFFFFE0, v58  }
0x82: {  	v3 =	vor.u32 v3, v4  }
0x83: {  	v4 =	vperm.xlane v3, v0;
	_ =	sdelay $0x1  }
0x84: {  	v4 =	vadd.s32 v1, v4;
	_ =	sdelay $0x1  }
0x85: {  	v3 =	vperm.xlane v3, v2;
	_ =	sdelay $0x1  }
0x86: {  	s24 =	simm.s32 $0xC100;
	v3 =	vadd.s32 v1, v3  }
0x87: {  	[tilespmem:s24], [sflag:$0x1] =	stream.indirect_vreg.gather [hbm4b:s2+s3], $0x80, v4, vm0, $0xb8;
	[tilespmem:$0xF100] =	vst v63  }
0x88: {  	_ = 	snop  }
0x89: {  	[tilespmem:s25], [sflag:$0x1] =	stream.indirect_vreg.gather [hbm4b:s4+s3], $0x80, v4, vm0, $0xb8;
	[tilespmem:$0xF100] =	vst v63  }
0x8a: {  	_ = 	snop  }
0x8b: {  	[tilespmem:s26], [sflag:$0x1] =	stream.indirect_vreg.gather [hbm4b:s2+s3], $0x80, v3, vm0, $0xb8;
	[tilespmem:$0xF100] =	vst v63  }
0x8c: {  	_ = 	snop  }
0x8d: {  	[tilespmem:s28], [sflag:$0x1] =	stream.indirect_vreg.gather [hbm4b:s4+s3], $0x80, v3, vm0, $0xb8;
	[tilespmem:$0xF100] =	vst v63  }
0x8e: {  	v3 =	vld.msk [tilespmem:$0xB0], $0xff;
	_ =	sdelay $0x4  }
0x8f: {  	v59 =	vshll.u32 v3, $0x2  }
0x90: {  	v3 =	vand.u32 $0x7, v3;
	v4 =	vand.u32 $0xFFFFFFE0, v59  }
0x91: {  	v3 =	vor.u32 v3, v4  }
0x92: {  	v3 =	vperm.xlane v3, v0;
	_ =	sdelay $0x1  }
0x93: {  	v3 =	vadd.s32 v1, v3;
	_ =	sdelay $0x4  }
0x94: {  	[tilespmem:s29], [sflag:$0x1] =	stream.indirect_vreg.gather [hbm4b:s2+s3], $0x80, v3, vm0, $0xb8;
	[tilespmem:$0xF100] =	vst v63  }
0x95: {  	_ = 	snop  }
0x96: {  	[tilespmem:s30], [sflag:$0x1] =	stream.indirect_vreg.gather [hbm4b:s4+s3], $0x80, v3, vm0, $0xb8;
	[tilespmem:$0xF100] =	vst v63  }
0x97: {  	_ =	swait.ge [sflag:s31], $0x8000  }
0x98: {  	[sflag:s31] =	ssyncset.done $0x0  }
0x99: {  	s24 =	rddreg [dreg:$0x5];
	[sflag:s31] =	ssyncadd.s32 $0xFFFF8000  }
0x9a: {  	[hbm4b:s24+s3] =	stream.linear.scatter [tilespmem:s7], [sflag:$0x2], $0x8000, $0x38;
	[tilespmem:$0xF100] =	vst v63  }
0x9b: {  	_ =	swait.ge [sflag:s31], $0x7000  }
0x9c: {  	[sflag:s31] =	ssyncset.done $0x0  }
0x9d: {  	s24 =	rddreg [dreg:$0x6];
	[sflag:s31] =	ssyncadd.s32 $0xFFFF9000  }
0x9e: {  	[hbm4b:s24+s3] =	stream.linear.scatter [tilespmem:s23], [sflag:$0x2], $0x7000, $0x38;
	[tilespmem:$0xF100] =	vst v63  }
0x9f: {  	_ =	swait.ge [sflag:s1], $0x8000  }
0xa0: {  	[sflag:s1] =	ssyncset.done $0x0  }
0xa1: {  	s24 =	rddreg [dreg:$0x7];
	[sflag:s1] =	ssyncadd.s32 $0xFFFF8000  }
0xa2: {  	[tilespmem:s3], [sflag:$0x3] =	stream.linear.gather [hbm4b:s24+s3], $0x40, $0x38;
	[tilespmem:$0xF100] =	vst v63  }
0xa3: {  	_ =	swait.ge [sflag:s6], $0x40  }
0xa4: {  	[sflag:s6] =	ssyncset.done $0x0  }
0xa5: {  	[sflag:s6] =	ssyncadd.s32 $0xFFFFFFC0  }
0xa6: {  	v3 =	vld [tilespmem:$0x0];
	_ =	sdelay $0x4  }
0xa7: {  	v60 =	vshll.u32 v3, $0x2  }
0xa8: {  	v3 =	vand.u32 $0x7, v3;
	v4 =	vand.u32 $0xFFFFFFE0, v60  }
0xa9: {  	v3 =	vor.u32 v3, v4  }
0xaa: {  	v4 =	vperm.xlane v3, v0;
	_ =	sdelay $0x1  }
0xab: {  	v4 =	vadd.s32 v1, v4;
	_ =	sdelay $0x1  }
0xac: {  	v3 =	vperm.xlane v3, v2;
	_ =	sdelay $0x1  }
0xad: {  	v3 =	vadd.s32 v1, v3  }
0xae: {  	[tilespmem:s7], [sflag:$0x1] =	stream.indirect_vreg.gather [hbm4b:s2+s3], $0x80, v4, vm0, $0xb8;
	[tilespmem:$0xF100] =	vst v63  }
0xaf: {  	_ = 	snop  }
0xb0: {  	[tilespmem:s8], [sflag:$0x1] =	stream.indirect_vreg.gather [hbm4b:s4+s3], $0x80, v4, vm0, $0xb8;
	[tilespmem:$0xF100] =	vst v63  }
0xb1: {  	_ = 	snop  }
0xb2: {  	[tilespmem:s9], [sflag:$0x1] =	stream.indirect_vreg.gather [hbm4b:s2+s3], $0x80, v3, vm0, $0xb8;
	[tilespmem:$0xF100] =	vst v63  }
0xb3: {  	_ = 	snop  }
0xb4: {  	[tilespmem:s10], [sflag:$0x1] =	stream.indirect_vreg.gather [hbm4b:s4+s3], $0x80, v3, vm0, $0xb8;
	[tilespmem:$0xF100] =	vst v63  }
0xb5: {  	v3 =	vld [tilespmem:$0x10];
	_ =	sdelay $0x4  }
0xb6: {  	v61 =	vshll.u32 v3, $0x2  }
0xb7: {  	v3 =	vand.u32 $0x7, v3;
	v4 =	vand.u32 $0xFFFFFFE0, v61  }
0xb8: {  	v3 =	vor.u32 v3, v4  }
0xb9: {  	v4 =	vperm.xlane v3, v0;
	_ =	sdelay $0x1  }
0xba: {  	v4 =	vadd.s32 v1, v4;
	_ =	sdelay $0x1  }
0xbb: {  	v3 =	vperm.xlane v3, v2;
	_ =	sdelay $0x1  }
0xbc: {  	v3 =	vadd.s32 v1, v3  }
0xbd: {  	[tilespmem:s11], [sflag:$0x1] =	stream.indirect_vreg.gather [hbm4b:s2+s3], $0x80, v4, vm0, $0xb8;
	[tilespmem:$0xF100] =	vst v63  }
0xbe: {  	_ = 	snop  }
0xbf: {  	[tilespmem:s12], [sflag:$0x1] =	stream.indirect_vreg.gather [hbm4b:s4+s3], $0x80, v4, vm0, $0xb8;
	[tilespmem:$0xF100] =	vst v63  }
0xc0: {  	_ = 	snop  }
0xc1: {  	[tilespmem:s13], [sflag:$0x1] =	stream.indirect_vreg.gather [hbm4b:s2+s3], $0x80, v3, vm0, $0xb8;
	[tilespmem:$0xF100] =	vst v63  }
0xc2: {  	_ = 	snop  }
0xc3: {  	[tilespmem:s14], [sflag:$0x1] =	stream.indirect_vreg.gather [hbm4b:s4+s3], $0x80, v3, vm0, $0xb8;
	[tilespmem:$0xF100] =	vst v63  }
0xc4: {  	v3 =	vld [tilespmem:$0x20];
	_ =	sdelay $0x4  }
0xc5: {  	v62 =	vshll.u32 v3, $0x2  }
0xc6: {  	v3 =	vand.u32 $0x7, v3;
	v4 =	vand.u32 $0xFFFFFFE0, v62  }
0xc7: {  	v3 =	vor.u32 v3, v4  }
0xc8: {  	v4 =	vperm.xlane v3, v0;
	_ =	sdelay $0x1  }
0xc9: {  	v4 =	vadd.s32 v1, v4;
	_ =	sdelay $0x1  }
0xca: {  	v3 =	vperm.xlane v3, v2;
	_ =	sdelay $0x1  }
0xcb: {  	v3 =	vadd.s32 v1, v3  }
0xcc: {  	[tilespmem:s15], [sflag:$0x1] =	stream.indirect_vreg.gather [hbm4b:s2+s3], $0x80, v4, vm0, $0xb8;
	[tilespmem:$0xF100] =	vst v63  }
0xcd: {  	_ = 	snop  }
0xce: {  	[tilespmem:s16], [sflag:$0x1] =	stream.indirect_vreg.gather [hbm4b:s4+s3], $0x80, v4, vm0, $0xb8;
	[tilespmem:$0xF100] =	vst v63  }
0xcf: {  	_ = 	snop  }
0xd0: {  	[tilespmem:s17], [sflag:$0x1] =	stream.indirect_vreg.gather [hbm4b:s2+s3], $0x80, v3, vm0, $0xb8;
	[tilespmem:$0xF100] =	vst v63  }
0xd1: {  	_ = 	snop  }
0xd2: {  	[tilespmem:s18], [sflag:$0x1] =	stream.indirect_vreg.gather [hbm4b:s4+s3], $0x80, v3, vm0, $0xb8;
	[tilespmem:$0xF100] =	vst v63  }
0xd3: {  	v3 =	vld [tilespmem:$0x30];
	_ =	sdelay $0x4  }
0xd4: {  	v63 =	vshll.u32 v3, $0x2  }
0xd5: {  	v3 =	vand.u32 $0x7, v3;
	v4 =	vand.u32 $0xFFFFFFE0, v63  }
0xd6: {  	v3 =	vor.u32 v3, v4  }
0xd7: {  	v4 =	vperm.xlane v3, v0;
	_ =	sdelay $0x1  }
0xd8: {  	v4 =	vadd.s32 v1, v4;
	_ =	sdelay $0x1  }
0xd9: {  	v3 =	vperm.xlane v3, v2;
	_ =	sdelay $0x1  }
0xda: {  	v3 =	vadd.s32 v1, v3  }
0xdb: {  	[tilespmem:s19], [sflag:$0x1] =	stream.indirect_vreg.gather [hbm4b:s2+s3], $0x80, v4, vm0, $0xb8;
	[tilespmem:$0xF100] =	vst v63  }
0xdc: {  	_ = 	snop  }
0xdd: {  	[tilespmem:s20], [sflag:$0x1] =	stream.indirect_vreg.gather [hbm4b:s4+s3], $0x80, v4, vm0, $0xb8;
	[tilespmem:$0xF100] =	vst v63  }
0xde: {  	_ = 	snop  }
0xdf: {  	[tilespmem:s21], [sflag:$0x1] =	stream.indirect_vreg.gather [hbm4b:s2+s3], $0x80, v3, vm0, $0xb8;
	[tilespmem:$0xF100] =	vst v63  }
0xe0: {  	_ = 	snop  }
0xe1: {  	[tilespmem:s22], [sflag:$0x1] =	stream.indirect_vreg.gather [hbm4b:s4+s3], $0x80, v3, vm0, $0xb8;
	[tilespmem:$0xF100] =	vst v63  }
0xe2: {  	_ =	swait.ge [sflag:s31], $0x8000  }
0xe3: {  	[sflag:s31] =	ssyncset.done $0x0  }
0xe4: {  	s24 =	rddreg [dreg:$0x8];
	[sflag:s31] =	ssyncadd.s32 $0xFFFF8000  }
0xe5: {  	[hbm4b:s24+s3] =	stream.linear.scatter [tilespmem:s7], [sflag:$0x2], $0x8000, $0x38;
	[tilespmem:$0xF100] =	vst v63  }
0xe6: {  	p0 =	sne.s32 s5, $0x1;
	_ =	swait.ge [sflag:s1], $0x7000  }
.Ltmp0:
0xe7: {  	[sflag:s1] =	ssyncset.done $0x0;
	(pc) =	sbr.rel @p0 .LBB2_1-.Ltmp0, $4  }
0xe8: {  	[sflag:s1] =	ssyncadd.s32 $0xFFFF9000  }
0xe9: {  	_ =	swait.ge [sflag:s1], $0x8000  }
0xea: {  	[sflag:s1] =	ssyncset.done $0x0  }
0xeb: {  	s5 =	sadd.s32 $0xFFFFFFFF, s5;
	[sflag:s1] =	ssyncadd.s32 $0xFFFF8000  }
0xec: {  	_ =	sfence.sel $0x180000  }
0xed: {  	[bflag:$0x0] =	sbarrier.arrive $0xFFFF  }
0xee: {  	_ =	strace $0x9000004A  }
0xef: {  	s0 =	stileid.u32;
	[bflag:$0x2] =	sbarrier.arrive $0xFFFF  }
0xf0: {  	p0 =	sne.s32 s0, $0x0;
	s0 =	rddreg [dreg:$0x2]  }
0xf1: {  	s0 =	sadd.s32 @!p0 $0x100000, s0  }
0xf2: {  	[sflag:s0] =	ssyncadd.tile.s32 @!p0 $0x1;
	_ =	shalt  }
.Lfunc_end2:
_tile_overlayer_lowered:
.L_overlay_start_2:
0xf3: {  	(tag) =	ssettag $0x2  }
0xf4: {  	s0 =	rddreg [dreg:$0x0];
	s2 =	stileid.u32  }
0xf5: {  	s1 =	rddreg [dreg:$0x1];
	p0 =	sne.s32 s2, $0x0  }
0xf6: {  	s3 =	rddreg [dreg:$0x2];
	[bflag:$0x3] =	sbarrier.arrive $0xFFFF;
	s2 =	simm.s32 @!p0 $0x1C03  }
0xf7: {  	[timem:s3], [sflag:s2] =	dma.local @!p0 [hbm:s0], s1  }
0xf8: {  	s0 =	simm.s32 @!p0 $0x3  }
0xf9: {  	_ =	swait.ge @!p0 [sflag:s0], s1  }
0xfa: {  	s1 =	ssub.s32 @!p0 $0x0, s1;
	[sflag:s0] =	ssyncset.done @!p0 $0x0  }
0xfb: {  	[sflag:s0] =	ssyncadd.s32 @!p0 s1  }
0xfc: {  	[bflag:$0x3] =	sbarrier.arrive $0xFFFF  }
0xfd: {  	_ =	shalt  }

</sc_bundles>
